<compile_context>
chip_gen: v7x
topology: tpu7x:2x2x1
jax: 0.10.2.dev20260603
libtpu: 0.0.44.dev20260713+nightly
codegen_flags: <defaults>
</compile_context>

<pallas_src>
import jax
import jax.numpy as jnp
from jax import lax
from jax.experimental import pallas as pl
from jax.experimental.pallas import tpu as pltpu
from jax.experimental.pallas import tpu_sc as plsc

N_POINTS = 262144
K = 512
CH = 256
CW = CH // 2
NC = 2
NS = 16
NW = NC * NS
PPW = N_POINTS // NW
P = 32
NCHUNK = PPW // P

_GD = lax.GatherDimensionNumbers(
    offset_dims=(), collapsed_slice_dims=(0,), start_index_map=(0,))


def _body(xt, c0, c1, c2, out, xbuf, idxb, wbuf, gbuf, obuf,
          gsem0, gsem1, osem0, osem1):
    wid = lax.axis_index("s") * NC + lax.axis_index("c")
    base0 = wid * PPW
    codes = (c0, c1, c2)
    gsems = (gsem0, gsem1)
    osems = (osem0, osem1)

    for d in range(3):
        pltpu.sync_copy(xt.at[pl.ds(d * N_POINTS + base0, PPW)],
                        xbuf.at[pl.ds(d * PPW, PPW)])

    def compute_idxw(g, par):
        cb = pl.multiple_of(g * P, P)
        for d in range(3):
            for v in range(P // 16):
                xv = xbuf[pl.ds(d * PPW + cb + v * 16, 16)]
                t = (xv + 1.0) * ((K - 1) / 2.0)
                idx = jnp.clip(t.astype(jnp.int32), 0, K - 2)
                f = t - idx.astype(jnp.float32)
                om = 1.0 - f
                idxb[pl.ds((par * 3 + d) * P + v * 16, 16)] = idx
                for j, wv in enumerate((0.5 * om * om, 0.5 + f * om,
                                        0.5 * f * f)):
                    off = (par * 9 + 3 * d + j) * P + v * 16
                    wbuf[pl.ds(off, 16)] = wv

    def fire(par):
        for d in range(3):
            pltpu.async_copy(
                codes[d].at[idxb.at[pl.ds((par * 3 + d) * P, P)]],
                gbuf.at[pl.ds((par * 3 + d) * P, P)], gsems[par])

    def drain(par):
        for d in range(3):
            pltpu.make_async_copy(
                codes[d].at[idxb.at[pl.ds((par * 3 + d) * P, P)]],
                gbuf.at[pl.ds((par * 3 + d) * P, P)], gsems[par]).wait()

    def compute_chunk(g, par):
        def point(p, c_):
            grp = (p >> 4) << 4
            lvec = lax.broadcast(p & 15, (16,))
            accs = None
            for d in range(3):
                row = (par * 3 + d) * P + p
                for j in range(3):
                    wv = wbuf[pl.ds((par * 9 + 3 * d + j) * P + grp, 16)]
                    w = lax.gather(
                        wv, lvec[:, None], _GD, (1,),
                        mode=lax.GatherScatterMode.PROMISE_IN_BOUNDS)
                    wi = plsc.bitcast(w, jnp.int32)
                    wr = (wi + 0x8000) >> 16
                    wb = plsc.bitcast(wr | (wr << 16), jnp.bfloat16)
                    vals = [plsc.bitcast(
                        gbuf[row, pl.ds(j * CW + u * 16, 16)],
                        jnp.bfloat16) * wb for u in range(CW // 16)]
                    if accs is None:
                        accs = vals
                    else:
                        accs = [a + b for a, b in zip(accs, vals)]
            orow = par * P + p
            for u in range(CW // 16):
                ai = plsc.bitcast(accs[u], jnp.int32)
                obuf[orow, pl.ds(u * 32, 16)] = plsc.bitcast(
                    ai << 16, jnp.float32)
                obuf[orow, pl.ds(u * 32 + 16, 16)] = plsc.bitcast(
                    ai & jnp.int32(-65536), jnp.float32)
            return c_

        lax.fori_loop(0, P, point, 0)

    def out_copy(g, par):
        return pltpu.make_async_copy(
            obuf.at[pl.ds(par * P, P)],
            out.at[pl.ds(base0 + g * P, P)], osems[par])

    compute_idxw(0, 0)
    fire(0)

    def loop_body(i, c_):
        g0 = i * 2
        g1 = g0 + 1
        compute_idxw(g1, 1)
        fire(1)
        drain(0)

        @pl.when(i > 0)
        def _():
            out_copy(g0, 0).wait()
        compute_chunk(g0, 0)
        out_copy(g0, 0).start()

        @pl.when(g0 + 2 < NCHUNK)
        def _():
            compute_idxw(g0 + 2, 0)
            fire(0)
        drain(1)

        @pl.when(i > 0)
        def _():
            out_copy(g1, 1).wait()
        compute_chunk(g1, 1)
        out_copy(g1, 1).start()
        return c_

    lax.fori_loop(0, NCHUNK // 2, loop_body, 0)
    out_copy(NCHUNK - 2, 0).wait()
    out_copy(NCHUNK - 1, 1).wait()


def kernel(x, codes0, codes1, codes2):
    xt = x.T.reshape(-1)

    def _prep(c):
        cb = c.astype(jnp.bfloat16)
        cb = cb.reshape(K, CH // 32, 2, 16).transpose(0, 1, 3, 2)
        cb = cb.reshape(K, CH)
        left = jnp.concatenate([cb[:1], cb[:-1]], axis=0)
        right = jnp.concatenate([cb[1:], cb[-1:]], axis=0)
        win = jnp.concatenate([left, cb, right], axis=1)
        return lax.bitcast_convert_type(win.reshape(K, 3 * CW, 2), jnp.int32)

    t0, t1, t2 = _prep(codes0), _prep(codes1), _prep(codes2)

    mesh = plsc.VectorSubcoreMesh(core_axis_name="c", subcore_axis_name="s")
    fn = pl.kernel(
        _body,
        out_type=jax.ShapeDtypeStruct((N_POINTS, CH), jnp.float32),
        mesh=mesh,
        compiler_params=pltpu.CompilerParams(needs_layout_passes=False),
        scratch_types=[
            pltpu.VMEM((3 * PPW,), jnp.float32),
            pltpu.VMEM((2 * 3 * P,), jnp.int32),
            pltpu.VMEM((2 * 9 * P,), jnp.float32),
            pltpu.VMEM((2 * 3 * P, 3 * CW), jnp.int32),
            pltpu.VMEM((2 * P, CH), jnp.float32),
            pltpu.SemaphoreType.DMA,
            pltpu.SemaphoreType.DMA,
            pltpu.SemaphoreType.DMA,
            pltpu.SemaphoreType.DMA,
        ],
    )
    return fn(xt, t0, t1, t2)

# --- scband reference (transcript-rebuilt; emitter-appended) ---
"""Pipeline reference for scband-spline-positional-encoding-4595615007359 (READ-ONLY COPY).

The authoritative reference and input builder live on the scoring server;
editing this copy changes nothing except your own understanding.
"""

import jax, jax.numpy as jnp
import numpy as np

CODE_NUM = 512
CODE_CHANNEL = 256
INPUT_DIM = 3
N_POINTS = 262144


def setup_inputs(seed: int = 0) -> dict:
    key = jax.random.key(seed)
    kx, k0, k1, k2 = jax.random.split(key, 4)
    # coordinates in [-1, 1] (the module maps coord+1 -> [0, 2] -> spline index)
    u = jax.random.uniform(kx, (N_POINTS, INPUT_DIM), dtype=jnp.float32)
    x = 2.0 * u - 1.0
    codes0 = jax.random.normal(k0, (CODE_NUM, CODE_CHANNEL), dtype=jnp.float32) * 0.01
    codes1 = jax.random.normal(k1, (CODE_NUM, CODE_CHANNEL), dtype=jnp.float32) * 0.01
    codes2 = jax.random.normal(k2, (CODE_NUM, CODE_CHANNEL), dtype=jnp.float32) * 0.01
    return {"x": x, "codes0": codes0, "codes1": codes1, "codes2": codes2}


def reference(x, codes0, codes1, codes2):
    codes = [codes0, codes1, codes2]
    K = codes0.shape[0]  # effective_code_num == code_num (no progressive schedule applied)
    result = jnp.zeros((x.shape[0], codes0.shape[1]), dtype=x.dtype)
    for d in range(x.shape[1]):
        coord = x[:, d]
        t = (coord + 1.0) * ((K - 1) / 2.0)
        idx = jnp.clip(t.astype(jnp.int32), 0, K - 2)
        frac = t - jax.lax.stop_gradient(idx.astype(x.dtype))
        idx0 = jnp.clip(idx - 1, 0, K - 1)
        idx1 = jnp.clip(idx, 0, K - 1)
        idx2 = jnp.clip(idx + 1, 0, K - 1)
        w0 = 0.5 * (1.0 - frac) ** 2
        w1 = 0.5 + frac * (1.0 - frac)
        w2 = 0.5 * frac ** 2
        c0 = jnp.take(codes[d], idx0, axis=0)
        c1 = jnp.take(codes[d], idx1, axis=0)
        c2 = jnp.take(codes[d], idx2, axis=0)
        result = result + w0[:, None] * c0 + w1[:, None] * c1 + w2[:, None] * c2
    return result

if __name__ == "__main__":
    import jax
    _d = setup_inputs()
    print(jax.jit(kernel)(*tuple(_d.values())))

</pallas_src>

<mosaic_0001>
#map = affine_map<(d0, d1) -> (0)>
#map1 = affine_map<(d0, d1) -> (0, 0)>
module attributes {stable_mosaic.version = 14 : i64} {
  func.func @_body(%arg0: i32, %arg1: i32, %arg2: memref<786432xf32, #tpu.memory_space<hbm>>, %arg3: memref<512x384xi32, #tpu.memory_space<hbm>>, %arg4: memref<512x384xi32, #tpu.memory_space<hbm>>, %arg5: memref<512x384xi32, #tpu.memory_space<hbm>>, %arg6: memref<262144x256xf32, #tpu.memory_space<hbm>>, %arg7: memref<24576xf32, #tpu.memory_space<vmem>>, %arg8: memref<192xi32, #tpu.memory_space<vmem>>, %arg9: memref<576xf32, #tpu.memory_space<vmem>>, %arg10: memref<192x384xi32, #tpu.memory_space<vmem>>, %arg11: memref<64x256xf32, #tpu.memory_space<vmem>>, %arg12: memref<!tpu.dma_semaphore, #tpu.memory_space<semaphore_mem>>, %arg13: memref<!tpu.dma_semaphore, #tpu.memory_space<semaphore_mem>>, %arg14: memref<!tpu.dma_semaphore, #tpu.memory_space<semaphore_mem>>, %arg15: memref<!tpu.dma_semaphore, #tpu.memory_space<semaphore_mem>>) attributes {dimension_semantics = [#tpu.dimension_semantics<core_parallel>, #tpu.dimension_semantics<subcore_parallel>], iteration_bounds = array<i64: 2, 16>, scalar_prefetch = 0 : i64, scratch_operands = 9 : i64, tpu.core_type = #tpu.core_type<sc_vector_subcore>, window_params = [{transform_indices = #map}, {transform_indices = #map1}, {transform_indices = #map1}, {transform_indices = #map1}, {transform_indices = #map1}]} {
    %mul3A = arith.constant 2 : i32
    %mul3A_0 = arith.muli %arg1, %mul3A : i32
    %add3A = arith.addi %mul3A_0, %arg0 : i32
    %mul3A_1 = arith.constant 8192 : i32
    %mul3A_2 = arith.muli %add3A, %mul3A_1 : i32
    %add3A_3 = arith.constant 0 : i32
    %add3A_4 = arith.addi %add3A_3, %mul3A_2 : i32
    "tpu.region"() ({
      %run_scoped3A = tpu.sem_alloc : memref<!tpu.dma_semaphore, #tpu.memory_space<semaphore_mem>>
      %dma_start3A_318 = arith.constant 0 : i32
      %dma_start3A_319 = tpu.memref_slice %arg7[%dma_start3A_318] : memref<24576xf32, #tpu.memory_space<vmem>> -> memref<8192xf32, #tpu.memory_space<vmem>>
      %dma_start3A_320 = tpu.memref_slice %arg2[%add3A_4] : memref<786432xf32, #tpu.memory_space<hbm>> -> memref<8192xf32, #tpu.memory_space<hbm>>
      %dma_start3A_321 = arith.constant 0 : i32
      %dma_start3A_322 = tpu.memref_slice %arg7[%dma_start3A_321] : memref<24576xf32, #tpu.memory_space<vmem>> -> memref<8192xf32, #tpu.memory_space<vmem>>
      %dma_start3A_323 = tpu.memref_slice %arg2[%add3A_4] : memref<786432xf32, #tpu.memory_space<hbm>> -> memref<8192xf32, #tpu.memory_space<hbm>>
      tpu.enqueue_dma source(%dma_start3A_323 : memref<8192xf32, #tpu.memory_space<hbm>>) target(%dma_start3A_322 : memref<8192xf32, #tpu.memory_space<vmem>>) target_semaphore(%run_scoped3A : memref<!tpu.dma_semaphore, #tpu.memory_space<semaphore_mem>>)
      %dma_wait3A_324 = arith.constant 0 : i32
      %dma_wait3A_325 = tpu.memref_slice %arg7[%dma_wait3A_324] : memref<24576xf32, #tpu.memory_space<vmem>> -> memref<8192xf32, #tpu.memory_space<vmem>>
      %dma_wait3A_326 = tpu.memref_slice %arg2[%add3A_4] : memref<786432xf32, #tpu.memory_space<hbm>> -> memref<8192xf32, #tpu.memory_space<hbm>>
      %dma_wait3A_327 = arith.constant 0 : i32
      %dma_wait3A_328 = tpu.memref_slice %arg7[%dma_wait3A_327] : memref<24576xf32, #tpu.memory_space<vmem>> -> memref<8192xf32, #tpu.memory_space<vmem>>
      %dma_wait3A_329 = tpu.memref_slice %arg2[%add3A_4] : memref<786432xf32, #tpu.memory_space<hbm>> -> memref<8192xf32, #tpu.memory_space<hbm>>
      tpu.wait_dma2 semaphore(%run_scoped3A : memref<!tpu.dma_semaphore, #tpu.memory_space<semaphore_mem>>) src(%dma_wait3A_329 : memref<8192xf32, #tpu.memory_space<hbm>>) dst(%dma_wait3A_328 : memref<8192xf32, #tpu.memory_space<vmem>>)
      tpu.yield
    }) : () -> ()
    %add3A_5 = arith.constant 262144 : i32
    %add3A_6 = arith.addi %add3A_5, %mul3A_2 : i32
    "tpu.region"() ({
      %run_scoped3A = tpu.sem_alloc : memref<!tpu.dma_semaphore, #tpu.memory_space<semaphore_mem>>
      %dma_start3A_318 = arith.constant 8192 : i32
      %dma_start3A_319 = tpu.memref_slice %arg7[%dma_start3A_318] : memref<24576xf32, #tpu.memory_space<vmem>> -> memref<8192xf32, #tpu.memory_space<vmem>>
      %dma_start3A_320 = tpu.memref_slice %arg2[%add3A_6] : memref<786432xf32, #tpu.memory_space<hbm>> -> memref<8192xf32, #tpu.memory_space<hbm>>
      %dma_start3A_321 = arith.constant 8192 : i32
      %dma_start3A_322 = tpu.memref_slice %arg7[%dma_start3A_321] : memref<24576xf32, #tpu.memory_space<vmem>> -> memref<8192xf32, #tpu.memory_space<vmem>>
      %dma_start3A_323 = tpu.memref_slice %arg2[%add3A_6] : memref<786432xf32, #tpu.memory_space<hbm>> -> memref<8192xf32, #tpu.memory_space<hbm>>
      tpu.enqueue_dma source(%dma_start3A_323 : memref<8192xf32, #tpu.memory_space<hbm>>) target(%dma_start3A_322 : memref<8192xf32, #tpu.memory_space<vmem>>) target_semaphore(%run_scoped3A : memref<!tpu.dma_semaphore, #tpu.memory_space<semaphore_mem>>)
      %dma_wait3A_324 = arith.constant 8192 : i32
      %dma_wait3A_325 = tpu.memref_slice %arg7[%dma_wait3A_324] : memref<24576xf32, #tpu.memory_space<vmem>> -> memref<8192xf32, #tpu.memory_space<vmem>>
      %dma_wait3A_326 = tpu.memref_slice %arg2[%add3A_6] : memref<786432xf32, #tpu.memory_space<hbm>> -> memref<8192xf32, #tpu.memory_space<hbm>>
      %dma_wait3A_327 = arith.constant 8192 : i32
      %dma_wait3A_328 = tpu.memref_slice %arg7[%dma_wait3A_327] : memref<24576xf32, #tpu.memory_space<vmem>> -> memref<8192xf32, #tpu.memory_space<vmem>>
      %dma_wait3A_329 = tpu.memref_slice %arg2[%add3A_6] : memref<786432xf32, #tpu.memory_space<hbm>> -> memref<8192xf32, #tpu.memory_space<hbm>>
      tpu.wait_dma2 semaphore(%run_scoped3A : memref<!tpu.dma_semaphore, #tpu.memory_space<semaphore_mem>>) src(%dma_wait3A_329 : memref<8192xf32, #tpu.memory_space<hbm>>) dst(%dma_wait3A_328 : memref<8192xf32, #tpu.memory_space<vmem>>)
      tpu.yield
    }) : () -> ()
    %add3A_7 = arith.constant 524288 : i32
    %add3A_8 = arith.addi %add3A_7, %mul3A_2 : i32
    "tpu.region"() ({
      %run_scoped3A = tpu.sem_alloc : memref<!tpu.dma_semaphore, #tpu.memory_space<semaphore_mem>>
      %dma_start3A_318 = arith.constant 16384 : i32
      %dma_start3A_319 = tpu.memref_slice %arg7[%dma_start3A_318] : memref<24576xf32, #tpu.memory_space<vmem>> -> memref<8192xf32, #tpu.memory_space<vmem>>
      %dma_start3A_320 = tpu.memref_slice %arg2[%add3A_8] : memref<786432xf32, #tpu.memory_space<hbm>> -> memref<8192xf32, #tpu.memory_space<hbm>>
      %dma_start3A_321 = arith.constant 16384 : i32
      %dma_start3A_322 = tpu.memref_slice %arg7[%dma_start3A_321] : memref<24576xf32, #tpu.memory_space<vmem>> -> memref<8192xf32, #tpu.memory_space<vmem>>
      %dma_start3A_323 = tpu.memref_slice %arg2[%add3A_8] : memref<786432xf32, #tpu.memory_space<hbm>> -> memref<8192xf32, #tpu.memory_space<hbm>>
      tpu.enqueue_dma source(%dma_start3A_323 : memref<8192xf32, #tpu.memory_space<hbm>>) target(%dma_start3A_322 : memref<8192xf32, #tpu.memory_space<vmem>>) target_semaphore(%run_scoped3A : memref<!tpu.dma_semaphore, #tpu.memory_space<semaphore_mem>>)
      %dma_wait3A_324 = arith.constant 16384 : i32
      %dma_wait3A_325 = tpu.memref_slice %arg7[%dma_wait3A_324] : memref<24576xf32, #tpu.memory_space<vmem>> -> memref<8192xf32, #tpu.memory_space<vmem>>
      %dma_wait3A_326 = tpu.memref_slice %arg2[%add3A_8] : memref<786432xf32, #tpu.memory_space<hbm>> -> memref<8192xf32, #tpu.memory_space<hbm>>
      %dma_wait3A_327 = arith.constant 16384 : i32
      %dma_wait3A_328 = tpu.memref_slice %arg7[%dma_wait3A_327] : memref<24576xf32, #tpu.memory_space<vmem>> -> memref<8192xf32, #tpu.memory_space<vmem>>
      %dma_wait3A_329 = tpu.memref_slice %arg2[%add3A_8] : memref<786432xf32, #tpu.memory_space<hbm>> -> memref<8192xf32, #tpu.memory_space<hbm>>
      tpu.wait_dma2 semaphore(%run_scoped3A : memref<!tpu.dma_semaphore, #tpu.memory_space<semaphore_mem>>) src(%dma_wait3A_329 : memref<8192xf32, #tpu.memory_space<hbm>>) dst(%dma_wait3A_328 : memref<8192xf32, #tpu.memory_space<vmem>>)
      tpu.yield
    }) : () -> ()
    %multiple_of3A = arith.constant 0 : i32
    %multiple_of3A_9 = tpu.assume_multiple %multiple_of3A, 32 : i32
    %add3A_10 = arith.constant 0 : i32
    %add3A_11 = arith.addi %add3A_10, %multiple_of3A_9 : i32
    %add3A_12 = arith.constant 0 : i32
    %add3A_13 = arith.addi %add3A_11, %add3A_12 : i32
    %get3A = arith.index_cast %add3A_13 : i32 to index
    %get3A_14 = tpu.vector_load %arg7[%get3A] {strides = array<i32>} : memref<24576xf32, #tpu.memory_space<vmem>>, vector<16xf32>,
    %add3A_15 = arith.constant 1.000000e+00 : f32
    %add3A_16 = vector.broadcast %add3A_15 : f32 to vector<16xf32>
    %add3A_17 = arith.addf %get3A_14, %add3A_16 : vector<16xf32>
    %mul3A_18 = arith.constant 2.555000e+02 : f32
    %mul3A_19 = vector.broadcast %mul3A_18 : f32 to vector<16xf32>
    %mul3A_20 = arith.mulf %add3A_17, %mul3A_19 : vector<16xf32>
    %convert_element_type3A = arith.fptosi %mul3A_20 : vector<16xf32> to vector<16xi32>
    %jit3A = arith.constant 0 : i32
    %jit3A_21 = arith.constant 510 : i32
    %max3A = vector.broadcast %jit3A : i32 to vector<16xi32>
    %max3A_22 = arith.maxsi %max3A, %convert_element_type3A : vector<16xi32>
    %min3A = vector.broadcast %jit3A_21 : i32 to vector<16xi32>
    %min3A_23 = arith.minsi %min3A, %max3A_22 : vector<16xi32>
    %convert_element_type3A_24 = arith.sitofp %min3A_23 : vector<16xi32> to vector<16xf32>
    %sub3A = arith.subf %mul3A_20, %convert_element_type3A_24 : vector<16xf32>
    %sub3A_25 = arith.constant 1.000000e+00 : f32
    %sub3A_26 = vector.broadcast %sub3A_25 : f32 to vector<16xf32>
    %sub3A_27 = arith.subf %sub3A_26, %sub3A : vector<16xf32>
    %swap3A = arith.constant 0 : index
    %swap3A_28 = tpu.vector_load %arg8[%swap3A] {strides = array<i32>} : memref<192xi32, #tpu.memory_space<vmem>>, vector<16xi32>,
    tpu.vector_store %arg8[%swap3A], %min3A_23 {strides = array<i32>} : memref<192xi32, #tpu.memory_space<vmem>>, vector<16xi32>,
    %mul3A_29 = arith.constant 5.000000e-01 : f32
    %mul3A_30 = vector.broadcast %mul3A_29 : f32 to vector<16xf32>
    %mul3A_31 = arith.mulf %mul3A_30, %sub3A_27 : vector<16xf32>
    %mul3A_32 = arith.mulf %mul3A_31, %sub3A_27 : vector<16xf32>
    %mul3A_33 = arith.mulf %sub3A, %sub3A_27 : vector<16xf32>
    %add3A_34 = arith.constant 5.000000e-01 : f32
    %add3A_35 = vector.broadcast %add3A_34 : f32 to vector<16xf32>
    %add3A_36 = arith.addf %add3A_35, %mul3A_33 : vector<16xf32>
    %mul3A_37 = arith.constant 5.000000e-01 : f32
    %mul3A_38 = vector.broadcast %mul3A_37 : f32 to vector<16xf32>
    %mul3A_39 = arith.mulf %mul3A_38, %sub3A : vector<16xf32>
    %mul3A_40 = arith.mulf %mul3A_39, %sub3A : vector<16xf32>
    %swap3A_41 = arith.constant 0 : index
    %swap3A_42 = tpu.vector_load %arg9[%swap3A_41] {strides = array<i32>} : memref<576xf32, #tpu.memory_space<vmem>>, vector<16xf32>,
    tpu.vector_store %arg9[%swap3A_41], %mul3A_32 {strides = array<i32>} : memref<576xf32, #tpu.memory_space<vmem>>, vector<16xf32>,
    %swap3A_43 = arith.constant 32 : index
    %swap3A_44 = tpu.vector_load %arg9[%swap3A_43] {strides = array<i32>} : memref<576xf32, #tpu.memory_space<vmem>>, vector<16xf32>,
    tpu.vector_store %arg9[%swap3A_43], %add3A_36 {strides = array<i32>} : memref<576xf32, #tpu.memory_space<vmem>>, vector<16xf32>,
    %swap3A_45 = arith.constant 64 : index
    %swap3A_46 = tpu.vector_load %arg9[%swap3A_45] {strides = array<i32>} : memref<576xf32, #tpu.memory_space<vmem>>, vector<16xf32>,
    tpu.vector_store %arg9[%swap3A_45], %mul3A_40 {strides = array<i32>} : memref<576xf32, #tpu.memory_space<vmem>>, vector<16xf32>,
    %add3A_47 = arith.constant 0 : i32
    %add3A_48 = arith.addi %add3A_47, %multiple_of3A_9 : i32
    %add3A_49 = arith.constant 16 : i32
    %add3A_50 = arith.addi %add3A_48, %add3A_49 : i32
    %get3A_51 = arith.index_cast %add3A_50 : i32 to index
    %get3A_52 = tpu.vector_load %arg7[%get3A_51] {strides = array<i32>} : memref<24576xf32, #tpu.memory_space<vmem>>, vector<16xf32>,
    %add3A_53 = arith.constant 1.000000e+00 : f32
    %add3A_54 = vector.broadcast %add3A_53 : f32 to vector<16xf32>
    %add3A_55 = arith.addf %get3A_52, %add3A_54 : vector<16xf32>
    %mul3A_56 = arith.constant 2.555000e+02 : f32
    %mul3A_57 = vector.broadcast %mul3A_56 : f32 to vector<16xf32>
    %mul3A_58 = arith.mulf %add3A_55, %mul3A_57 : vector<16xf32>
    %convert_element_type3A_59 = arith.fptosi %mul3A_58 : vector<16xf32> to vector<16xi32>
    %jit3A_60 = arith.constant 0 : i32
    %jit3A_61 = arith.constant 510 : i32
    %max3A_62 = vector.broadcast %jit3A_60 : i32 to vector<16xi32>
    %max3A_63 = arith.maxsi %max3A_62, %convert_element_type3A_59 : vector<16xi32>
    %min3A_64 = vector.broadcast %jit3A_61 : i32 to vector<16xi32>
    %min3A_65 = arith.minsi %min3A_64, %max3A_63 : vector<16xi32>
    %convert_element_type3A_66 = arith.sitofp %min3A_65 : vector<16xi32> to vector<16xf32>
    %sub3A_67 = arith.subf %mul3A_58, %convert_element_type3A_66 : vector<16xf32>
    %sub3A_68 = arith.constant 1.000000e+00 : f32
    %sub3A_69 = vector.broadcast %sub3A_68 : f32 to vector<16xf32>
    %sub3A_70 = arith.subf %sub3A_69, %sub3A_67 : vector<16xf32>
    %swap3A_71 = arith.constant 16 : index
    %swap3A_72 = tpu.vector_load %arg8[%swap3A_71] {strides = array<i32>} : memref<192xi32, #tpu.memory_space<vmem>>, vector<16xi32>,
    tpu.vector_store %arg8[%swap3A_71], %min3A_65 {strides = array<i32>} : memref<192xi32, #tpu.memory_space<vmem>>, vector<16xi32>,
    %mul3A_73 = arith.constant 5.000000e-01 : f32
    %mul3A_74 = vector.broadcast %mul3A_73 : f32 to vector<16xf32>
    %mul3A_75 = arith.mulf %mul3A_74, %sub3A_70 : vector<16xf32>
    %mul3A_76 = arith.mulf %mul3A_75, %sub3A_70 : vector<16xf32>
    %mul3A_77 = arith.mulf %sub3A_67, %sub3A_70 : vector<16xf32>
    %add3A_78 = arith.constant 5.000000e-01 : f32
    %add3A_79 = vector.broadcast %add3A_78 : f32 to vector<16xf32>
    %add3A_80 = arith.addf %add3A_79, %mul3A_77 : vector<16xf32>
    %mul3A_81 = arith.constant 5.000000e-01 : f32
    %mul3A_82 = vector.broadcast %mul3A_81 : f32 to vector<16xf32>
    %mul3A_83 = arith.mulf %mul3A_82, %sub3A_67 : vector<16xf32>
    %mul3A_84 = arith.mulf %mul3A_83, %sub3A_67 : vector<16xf32>
    %swap3A_85 = arith.constant 16 : index
    %swap3A_86 = tpu.vector_load %arg9[%swap3A_85] {strides = array<i32>} : memref<576xf32, #tpu.memory_space<vmem>>, vector<16xf32>,
    tpu.vector_store %arg9[%swap3A_85], %mul3A_76 {strides = array<i32>} : memref<576xf32, #tpu.memory_space<vmem>>, vector<16xf32>,
    %swap3A_87 = arith.constant 48 : index
    %swap3A_88 = tpu.vector_load %arg9[%swap3A_87] {strides = array<i32>} : memref<576xf32, #tpu.memory_space<vmem>>, vector<16xf32>,
    tpu.vector_store %arg9[%swap3A_87], %add3A_80 {strides = array<i32>} : memref<576xf32, #tpu.memory_space<vmem>>, vector<16xf32>,
    %swap3A_89 = arith.constant 80 : index
    %swap3A_90 = tpu.vector_load %arg9[%swap3A_89] {strides = array<i32>} : memref<576xf32, #tpu.memory_space<vmem>>, vector<16xf32>,
    tpu.vector_store %arg9[%swap3A_89], %mul3A_84 {strides = array<i32>} : memref<576xf32, #tpu.memory_space<vmem>>, vector<16xf32>,
    %add3A_91 = arith.constant 8192 : i32
    %add3A_92 = arith.addi %add3A_91, %multiple_of3A_9 : i32
    %add3A_93 = arith.constant 0 : i32
    %add3A_94 = arith.addi %add3A_92, %add3A_93 : i32
    %get3A_95 = arith.index_cast %add3A_94 : i32 to index
    %get3A_96 = tpu.vector_load %arg7[%get3A_95] {strides = array<i32>} : memref<24576xf32, #tpu.memory_space<vmem>>, vector<16xf32>,
    %add3A_97 = arith.constant 1.000000e+00 : f32
    %add3A_98 = vector.broadcast %add3A_97 : f32 to vector<16xf32>
    %add3A_99 = arith.addf %get3A_96, %add3A_98 : vector<16xf32>
    %mul3A_100 = arith.constant 2.555000e+02 : f32
    %mul3A_101 = vector.broadcast %mul3A_100 : f32 to vector<16xf32>
    %mul3A_102 = arith.mulf %add3A_99, %mul3A_101 : vector<16xf32>
    %convert_element_type3A_103 = arith.fptosi %mul3A_102 : vector<16xf32> to vector<16xi32>
    %jit3A_104 = arith.constant 0 : i32
    %jit3A_105 = arith.constant 510 : i32
    %max3A_106 = vector.broadcast %jit3A_104 : i32 to vector<16xi32>
    %max3A_107 = arith.maxsi %max3A_106, %convert_element_type3A_103 : vector<16xi32>
    %min3A_108 = vector.broadcast %jit3A_105 : i32 to vector<16xi32>
    %min3A_109 = arith.minsi %min3A_108, %max3A_107 : vector<16xi32>
    %convert_element_type3A_110 = arith.sitofp %min3A_109 : vector<16xi32> to vector<16xf32>
    %sub3A_111 = arith.subf %mul3A_102, %convert_element_type3A_110 : vector<16xf32>
    %sub3A_112 = arith.constant 1.000000e+00 : f32
    %sub3A_113 = vector.broadcast %sub3A_112 : f32 to vector<16xf32>
    %sub3A_114 = arith.subf %sub3A_113, %sub3A_111 : vector<16xf32>
    %swap3A_115 = arith.constant 32 : index
    %swap3A_116 = tpu.vector_load %arg8[%swap3A_115] {strides = array<i32>} : memref<192xi32, #tpu.memory_space<vmem>>, vector<16xi32>,
    tpu.vector_store %arg8[%swap3A_115], %min3A_109 {strides = array<i32>} : memref<192xi32, #tpu.memory_space<vmem>>, vector<16xi32>,
    %mul3A_117 = arith.constant 5.000000e-01 : f32
    %mul3A_118 = vector.broadcast %mul3A_117 : f32 to vector<16xf32>
    %mul3A_119 = arith.mulf %mul3A_118, %sub3A_114 : vector<16xf32>
    %mul3A_120 = arith.mulf %mul3A_119, %sub3A_114 : vector<16xf32>
    %mul3A_121 = arith.mulf %sub3A_111, %sub3A_114 : vector<16xf32>
    %add3A_122 = arith.constant 5.000000e-01 : f32
    %add3A_123 = vector.broadcast %add3A_122 : f32 to vector<16xf32>
    %add3A_124 = arith.addf %add3A_123, %mul3A_121 : vector<16xf32>
    %mul3A_125 = arith.constant 5.000000e-01 : f32
    %mul3A_126 = vector.broadcast %mul3A_125 : f32 to vector<16xf32>
    %mul3A_127 = arith.mulf %mul3A_126, %sub3A_111 : vector<16xf32>
    %mul3A_128 = arith.mulf %mul3A_127, %sub3A_111 : vector<16xf32>
    %swap3A_129 = arith.constant 96 : index
    %swap3A_130 = tpu.vector_load %arg9[%swap3A_129] {strides = array<i32>} : memref<576xf32, #tpu.memory_space<vmem>>, vector<16xf32>,
    tpu.vector_store %arg9[%swap3A_129], %mul3A_120 {strides = array<i32>} : memref<576xf32, #tpu.memory_space<vmem>>, vector<16xf32>,
    %swap3A_131 = arith.constant 128 : index
    %swap3A_132 = tpu.vector_load %arg9[%swap3A_131] {strides = array<i32>} : memref<576xf32, #tpu.memory_space<vmem>>, vector<16xf32>,
    tpu.vector_store %arg9[%swap3A_131], %add3A_124 {strides = array<i32>} : memref<576xf32, #tpu.memory_space<vmem>>, vector<16xf32>,
    %swap3A_133 = arith.constant 160 : index
    %swap3A_134 = tpu.vector_load %arg9[%swap3A_133] {strides = array<i32>} : memref<576xf32, #tpu.memory_space<vmem>>, vector<16xf32>,
    tpu.vector_store %arg9[%swap3A_133], %mul3A_128 {strides = array<i32>} : memref<576xf32, #tpu.memory_space<vmem>>, vector<16xf32>,
    %add3A_135 = arith.constant 8192 : i32
    %add3A_136 = arith.addi %add3A_135, %multiple_of3A_9 : i32
    %add3A_137 = arith.constant 16 : i32
    %add3A_138 = arith.addi %add3A_136, %add3A_137 : i32
    %get3A_139 = arith.index_cast %add3A_138 : i32 to index
    %get3A_140 = tpu.vector_load %arg7[%get3A_139] {strides = array<i32>} : memref<24576xf32, #tpu.memory_space<vmem>>, vector<16xf32>,
    %add3A_141 = arith.constant 1.000000e+00 : f32
    %add3A_142 = vector.broadcast %add3A_141 : f32 to vector<16xf32>
    %add3A_143 = arith.addf %get3A_140, %add3A_142 : vector<16xf32>
    %mul3A_144 = arith.constant 2.555000e+02 : f32
    %mul3A_145 = vector.broadcast %mul3A_144 : f32 to vector<16xf32>
    %mul3A_146 = arith.mulf %add3A_143, %mul3A_145 : vector<16xf32>
    %convert_element_type3A_147 = arith.fptosi %mul3A_146 : vector<16xf32> to vector<16xi32>
    %jit3A_148 = arith.constant 0 : i32
    %jit3A_149 = arith.constant 510 : i32
    %max3A_150 = vector.broadcast %jit3A_148 : i32 to vector<16xi32>
    %max3A_151 = arith.maxsi %max3A_150, %convert_element_type3A_147 : vector<16xi32>
    %min3A_152 = vector.broadcast %jit3A_149 : i32 to vector<16xi32>
    %min3A_153 = arith.minsi %min3A_152, %max3A_151 : vector<16xi32>
    %convert_element_type3A_154 = arith.sitofp %min3A_153 : vector<16xi32> to vector<16xf32>
    %sub3A_155 = arith.subf %mul3A_146, %convert_element_type3A_154 : vector<16xf32>
    %sub3A_156 = arith.constant 1.000000e+00 : f32
    %sub3A_157 = vector.broadcast %sub3A_156 : f32 to vector<16xf32>
    %sub3A_158 = arith.subf %sub3A_157, %sub3A_155 : vector<16xf32>
    %swap3A_159 = arith.constant 48 : index
    %swap3A_160 = tpu.vector_load %arg8[%swap3A_159] {strides = array<i32>} : memref<192xi32, #tpu.memory_space<vmem>>, vector<16xi32>,
    tpu.vector_store %arg8[%swap3A_159], %min3A_153 {strides = array<i32>} : memref<192xi32, #tpu.memory_space<vmem>>, vector<16xi32>,
    %mul3A_161 = arith.constant 5.000000e-01 : f32
    %mul3A_162 = vector.broadcast %mul3A_161 : f32 to vector<16xf32>
    %mul3A_163 = arith.mulf %mul3A_162, %sub3A_158 : vector<16xf32>
    %mul3A_164 = arith.mulf %mul3A_163, %sub3A_158 : vector<16xf32>
    %mul3A_165 = arith.mulf %sub3A_155, %sub3A_158 : vector<16xf32>
    %add3A_166 = arith.constant 5.000000e-01 : f32
    %add3A_167 = vector.broadcast %add3A_166 : f32 to vector<16xf32>
    %add3A_168 = arith.addf %add3A_167, %mul3A_165 : vector<16xf32>
    %mul3A_169 = arith.constant 5.000000e-01 : f32
    %mul3A_170 = vector.broadcast %mul3A_169 : f32 to vector<16xf32>
    %mul3A_171 = arith.mulf %mul3A_170, %sub3A_155 : vector<16xf32>
    %mul3A_172 = arith.mulf %mul3A_171, %sub3A_155 : vector<16xf32>
    %swap3A_173 = arith.constant 112 : index
    %swap3A_174 = tpu.vector_load %arg9[%swap3A_173] {strides = array<i32>} : memref<576xf32, #tpu.memory_space<vmem>>, vector<16xf32>,
    tpu.vector_store %arg9[%swap3A_173], %mul3A_164 {strides = array<i32>} : memref<576xf32, #tpu.memory_space<vmem>>, vector<16xf32>,
    %swap3A_175 = arith.constant 144 : index
    %swap3A_176 = tpu.vector_load %arg9[%swap3A_175] {strides = array<i32>} : memref<576xf32, #tpu.memory_space<vmem>>, vector<16xf32>,
    tpu.vector_store %arg9[%swap3A_175], %add3A_168 {strides = array<i32>} : memref<576xf32, #tpu.memory_space<vmem>>, vector<16xf32>,
    %swap3A_177 = arith.constant 176 : index
    %swap3A_178 = tpu.vector_load %arg9[%swap3A_177] {strides = array<i32>} : memref<576xf32, #tpu.memory_space<vmem>>, vector<16xf32>,
    tpu.vector_store %arg9[%swap3A_177], %mul3A_172 {strides = array<i32>} : memref<576xf32, #tpu.memory_space<vmem>>, vector<16xf32>,
    %add3A_179 = arith.constant 16384 : i32
    %add3A_180 = arith.addi %add3A_179, %multiple_of3A_9 : i32
    %add3A_181 = arith.constant 0 : i32
    %add3A_182 = arith.addi %add3A_180, %add3A_181 : i32
    %get3A_183 = arith.index_cast %add3A_182 : i32 to index
    %get3A_184 = tpu.vector_load %arg7[%get3A_183] {strides = array<i32>} : memref<24576xf32, #tpu.memory_space<vmem>>, vector<16xf32>,
    %add3A_185 = arith.constant 1.000000e+00 : f32
    %add3A_186 = vector.broadcast %add3A_185 : f32 to vector<16xf32>
    %add3A_187 = arith.addf %get3A_184, %add3A_186 : vector<16xf32>
    %mul3A_188 = arith.constant 2.555000e+02 : f32
    %mul3A_189 = vector.broadcast %mul3A_188 : f32 to vector<16xf32>
    %mul3A_190 = arith.mulf %add3A_187, %mul3A_189 : vector<16xf32>
    %convert_element_type3A_191 = arith.fptosi %mul3A_190 : vector<16xf32> to vector<16xi32>
    %jit3A_192 = arith.constant 0 : i32
    %jit3A_193 = arith.constant 510 : i32
    %max3A_194 = vector.broadcast %jit3A_192 : i32 to vector<16xi32>
    %max3A_195 = arith.maxsi %max3A_194, %convert_element_type3A_191 : vector<16xi32>
    %min3A_196 = vector.broadcast %jit3A_193 : i32 to vector<16xi32>
    %min3A_197 = arith.minsi %min3A_196, %max3A_195 : vector<16xi32>
    %convert_element_type3A_198 = arith.sitofp %min3A_197 : vector<16xi32> to vector<16xf32>
    %sub3A_199 = arith.subf %mul3A_190, %convert_element_type3A_198 : vector<16xf32>
    %sub3A_200 = arith.constant 1.000000e+00 : f32
    %sub3A_201 = vector.broadcast %sub3A_200 : f32 to vector<16xf32>
    %sub3A_202 = arith.subf %sub3A_201, %sub3A_199 : vector<16xf32>
    %swap3A_203 = arith.constant 64 : index
    %swap3A_204 = tpu.vector_load %arg8[%swap3A_203] {strides = array<i32>} : memref<192xi32, #tpu.memory_space<vmem>>, vector<16xi32>,
    tpu.vector_store %arg8[%swap3A_203], %min3A_197 {strides = array<i32>} : memref<192xi32, #tpu.memory_space<vmem>>, vector<16xi32>,
    %mul3A_205 = arith.constant 5.000000e-01 : f32
    %mul3A_206 = vector.broadcast %mul3A_205 : f32 to vector<16xf32>
    %mul3A_207 = arith.mulf %mul3A_206, %sub3A_202 : vector<16xf32>
    %mul3A_208 = arith.mulf %mul3A_207, %sub3A_202 : vector<16xf32>
    %mul3A_209 = arith.mulf %sub3A_199, %sub3A_202 : vector<16xf32>
    %add3A_210 = arith.constant 5.000000e-01 : f32
    %add3A_211 = vector.broadcast %add3A_210 : f32 to vector<16xf32>
    %add3A_212 = arith.addf %add3A_211, %mul3A_209 : vector<16xf32>
    %mul3A_213 = arith.constant 5.000000e-01 : f32
    %mul3A_214 = vector.broadcast %mul3A_213 : f32 to vector<16xf32>
    %mul3A_215 = arith.mulf %mul3A_214, %sub3A_199 : vector<16xf32>
    %mul3A_216 = arith.mulf %mul3A_215, %sub3A_199 : vector<16xf32>
    %swap3A_217 = arith.constant 192 : index
    %swap3A_218 = tpu.vector_load %arg9[%swap3A_217] {strides = array<i32>} : memref<576xf32, #tpu.memory_space<vmem>>, vector<16xf32>,
    tpu.vector_store %arg9[%swap3A_217], %mul3A_208 {strides = array<i32>} : memref<576xf32, #tpu.memory_space<vmem>>, vector<16xf32>,
    %swap3A_219 = arith.constant 224 : index
    %swap3A_220 = tpu.vector_load %arg9[%swap3A_219] {strides = array<i32>} : memref<576xf32, #tpu.memory_space<vmem>>, vector<16xf32>,
    tpu.vector_store %arg9[%swap3A_219], %add3A_212 {strides = array<i32>} : memref<576xf32, #tpu.memory_space<vmem>>, vector<16xf32>,
    %swap3A_221 = arith.constant 256 : index
    %swap3A_222 = tpu.vector_load %arg9[%swap3A_221] {strides = array<i32>} : memref<576xf32, #tpu.memory_space<vmem>>, vector<16xf32>,
    tpu.vector_store %arg9[%swap3A_221], %mul3A_216 {strides = array<i32>} : memref<576xf32, #tpu.memory_space<vmem>>, vector<16xf32>,
    %add3A_223 = arith.constant 16384 : i32
    %add3A_224 = arith.addi %add3A_223, %multiple_of3A_9 : i32
    %add3A_225 = arith.constant 16 : i32
    %add3A_226 = arith.addi %add3A_224, %add3A_225 : i32
    %get3A_227 = arith.index_cast %add3A_226 : i32 to index
    %get3A_228 = tpu.vector_load %arg7[%get3A_227] {strides = array<i32>} : memref<24576xf32, #tpu.memory_space<vmem>>, vector<16xf32>,
    %add3A_229 = arith.constant 1.000000e+00 : f32
    %add3A_230 = vector.broadcast %add3A_229 : f32 to vector<16xf32>
    %add3A_231 = arith.addf %get3A_228, %add3A_230 : vector<16xf32>
    %mul3A_232 = arith.constant 2.555000e+02 : f32
    %mul3A_233 = vector.broadcast %mul3A_232 : f32 to vector<16xf32>
    %mul3A_234 = arith.mulf %add3A_231, %mul3A_233 : vector<16xf32>
    %convert_element_type3A_235 = arith.fptosi %mul3A_234 : vector<16xf32> to vector<16xi32>
    %jit3A_236 = arith.constant 0 : i32
    %jit3A_237 = arith.constant 510 : i32
    %max3A_238 = vector.broadcast %jit3A_236 : i32 to vector<16xi32>
    %max3A_239 = arith.maxsi %max3A_238, %convert_element_type3A_235 : vector<16xi32>
    %min3A_240 = vector.broadcast %jit3A_237 : i32 to vector<16xi32>
    %min3A_241 = arith.minsi %min3A_240, %max3A_239 : vector<16xi32>
    %convert_element_type3A_242 = arith.sitofp %min3A_241 : vector<16xi32> to vector<16xf32>
    %sub3A_243 = arith.subf %mul3A_234, %convert_element_type3A_242 : vector<16xf32>
    %sub3A_244 = arith.constant 1.000000e+00 : f32
    %sub3A_245 = vector.broadcast %sub3A_244 : f32 to vector<16xf32>
    %sub3A_246 = arith.subf %sub3A_245, %sub3A_243 : vector<16xf32>
    %swap3A_247 = arith.constant 80 : index
    %swap3A_248 = tpu.vector_load %arg8[%swap3A_247] {strides = array<i32>} : memref<192xi32, #tpu.memory_space<vmem>>, vector<16xi32>,
    tpu.vector_store %arg8[%swap3A_247], %min3A_241 {strides = array<i32>} : memref<192xi32, #tpu.memory_space<vmem>>, vector<16xi32>,
    %mul3A_249 = arith.constant 5.000000e-01 : f32
    %mul3A_250 = vector.broadcast %mul3A_249 : f32 to vector<16xf32>
    %mul3A_251 = arith.mulf %mul3A_250, %sub3A_246 : vector<16xf32>
    %mul3A_252 = arith.mulf %mul3A_251, %sub3A_246 : vector<16xf32>
    %mul3A_253 = arith.mulf %sub3A_243, %sub3A_246 : vector<16xf32>
    %add3A_254 = arith.constant 5.000000e-01 : f32
    %add3A_255 = vector.broadcast %add3A_254 : f32 to vector<16xf32>
    %add3A_256 = arith.addf %add3A_255, %mul3A_253 : vector<16xf32>
    %mul3A_257 = arith.constant 5.000000e-01 : f32
    %mul3A_258 = vector.broadcast %mul3A_257 : f32 to vector<16xf32>
    %mul3A_259 = arith.mulf %mul3A_258, %sub3A_243 : vector<16xf32>
    %mul3A_260 = arith.mulf %mul3A_259, %sub3A_243 : vector<16xf32>
    %swap3A_261 = arith.constant 208 : index
    %swap3A_262 = tpu.vector_load %arg9[%swap3A_261] {strides = array<i32>} : memref<576xf32, #tpu.memory_space<vmem>>, vector<16xf32>,
    tpu.vector_store %arg9[%swap3A_261], %mul3A_252 {strides = array<i32>} : memref<576xf32, #tpu.memory_space<vmem>>, vector<16xf32>,
    %swap3A_263 = arith.constant 240 : index
    %swap3A_264 = tpu.vector_load %arg9[%swap3A_263] {strides = array<i32>} : memref<576xf32, #tpu.memory_space<vmem>>, vector<16xf32>,
    tpu.vector_store %arg9[%swap3A_263], %add3A_256 {strides = array<i32>} : memref<576xf32, #tpu.memory_space<vmem>>, vector<16xf32>,
    %swap3A_265 = arith.constant 272 : index
    %swap3A_266 = tpu.vector_load %arg9[%swap3A_265] {strides = array<i32>} : memref<576xf32, #tpu.memory_space<vmem>>, vector<16xf32>,
    tpu.vector_store %arg9[%swap3A_265], %mul3A_260 {strides = array<i32>} : memref<576xf32, #tpu.memory_space<vmem>>, vector<16xf32>,
    %dma_start3A = arith.constant 0 : i32
    %dma_start3A_267 = arith.constant 0 : i32
    %dma_start3A_268 = tpu.memref_slice %arg10[%dma_start3A, %dma_start3A_267] : memref<192x384xi32, #tpu.memory_space<vmem>> -> memref<32x384xi32, #tpu.memory_space<vmem>>
    %dma_start3A_269 = arith.constant 0 : i32
    %dma_start3A_270 = tpu.memref_slice %arg8[%dma_start3A_269] : memref<192xi32, #tpu.memory_space<vmem>> -> memref<32xi32, #tpu.memory_space<vmem>>
    %dma_start3A_271 = arith.constant 0 : i32
    %dma_start3A_272 = arith.constant 0 : i32
    %dma_start3A_273 = tpu.memref_slice %arg3[%dma_start3A_271, %dma_start3A_272] : memref<512x384xi32, #tpu.memory_space<hbm>> -> memref<512x384xi32, #tpu.memory_space<hbm>>
    tpu.enqueue_indirect_dma source(%dma_start3A_273 : memref<512x384xi32, #tpu.memory_space<hbm>>) target(%dma_start3A_268 : memref<32x384xi32, #tpu.memory_space<vmem>>) offsets(%dma_start3A_270 : memref<32xi32, #tpu.memory_space<vmem>>) semaphore(%arg12 : memref<!tpu.dma_semaphore, #tpu.memory_space<semaphore_mem>>)
    %dma_start3A_274 = arith.constant 32 : i32
    %dma_start3A_275 = arith.constant 0 : i32
    %dma_start3A_276 = tpu.memref_slice %arg10[%dma_start3A_274, %dma_start3A_275] : memref<192x384xi32, #tpu.memory_space<vmem>> -> memref<32x384xi32, #tpu.memory_space<vmem>>
    %dma_start3A_277 = arith.constant 32 : i32
    %dma_start3A_278 = tpu.memref_slice %arg8[%dma_start3A_277] : memref<192xi32, #tpu.memory_space<vmem>> -> memref<32xi32, #tpu.memory_space<vmem>>
    %dma_start3A_279 = arith.constant 0 : i32
    %dma_start3A_280 = arith.constant 0 : i32
    %dma_start3A_281 = tpu.memref_slice %arg4[%dma_start3A_279, %dma_start3A_280] : memref<512x384xi32, #tpu.memory_space<hbm>> -> memref<512x384xi32, #tpu.memory_space<hbm>>
    tpu.enqueue_indirect_dma source(%dma_start3A_281 : memref<512x384xi32, #tpu.memory_space<hbm>>) target(%dma_start3A_276 : memref<32x384xi32, #tpu.memory_space<vmem>>) offsets(%dma_start3A_278 : memref<32xi32, #tpu.memory_space<vmem>>) semaphore(%arg12 : memref<!tpu.dma_semaphore, #tpu.memory_space<semaphore_mem>>)
    %dma_start3A_282 = arith.constant 64 : i32
    %dma_start3A_283 = arith.constant 0 : i32
    %dma_start3A_284 = tpu.memref_slice %arg10[%dma_start3A_282, %dma_start3A_283] : memref<192x384xi32, #tpu.memory_space<vmem>> -> memref<32x384xi32, #tpu.memory_space<vmem>>
    %dma_start3A_285 = arith.constant 64 : i32
    %dma_start3A_286 = tpu.memref_slice %arg8[%dma_start3A_285] : memref<192xi32, #tpu.memory_space<vmem>> -> memref<32xi32, #tpu.memory_space<vmem>>
    %dma_start3A_287 = arith.constant 0 : i32
    %dma_start3A_288 = arith.constant 0 : i32
    %dma_start3A_289 = tpu.memref_slice %arg5[%dma_start3A_287, %dma_start3A_288] : memref<512x384xi32, #tpu.memory_space<hbm>> -> memref<512x384xi32, #tpu.memory_space<hbm>>
    tpu.enqueue_indirect_dma source(%dma_start3A_289 : memref<512x384xi32, #tpu.memory_space<hbm>>) target(%dma_start3A_284 : memref<32x384xi32, #tpu.memory_space<vmem>>) offsets(%dma_start3A_286 : memref<32xi32, #tpu.memory_space<vmem>>) semaphore(%arg12 : memref<!tpu.dma_semaphore, #tpu.memory_space<semaphore_mem>>)
    %scan3A = arith.constant 0 : i32
    %scan3A_290 = arith.constant 0 : i32
    %scan3A_291 = arith.constant 128 : i32
    %scan3A_292 = arith.addi %scan3A_290, %scan3A_291 : i32
    %scan3A_293 = arith.constant 1 : i32
    scf.for %scan3A_318 = %scan3A_290 to %scan3A_292 step %scan3A_293  : i32 {
      %mul3A_319 = arith.constant 2 : i32
      %mul3A_320 = arith.muli %scan3A_318, %mul3A_319 : i32
      %add3A_321 = arith.constant 1 : i32
      %add3A_322 = arith.addi %mul3A_320, %add3A_321 : i32
      %mul3A_323 = arith.constant 32 : i32
      %mul3A_324 = arith.muli %add3A_322, %mul3A_323 : i32
      %multiple_of3A_325 = tpu.assume_multiple %mul3A_324, 32 : i32
      %add3A_326 = arith.constant 0 : i32
      %add3A_327 = arith.addi %add3A_326, %multiple_of3A_325 : i32
      %add3A_328 = arith.constant 0 : i32
      %add3A_329 = arith.addi %add3A_327, %add3A_328 : i32
      %get3A_330 = arith.index_cast %add3A_329 : i32 to index
      %get3A_331 = tpu.vector_load %arg7[%get3A_330] {strides = array<i32>} : memref<24576xf32, #tpu.memory_space<vmem>>, vector<16xf32>,
      %add3A_332 = arith.constant 1.000000e+00 : f32
      %add3A_333 = vector.broadcast %add3A_332 : f32 to vector<16xf32>
      %add3A_334 = arith.addf %get3A_331, %add3A_333 : vector<16xf32>
      %mul3A_335 = arith.constant 2.555000e+02 : f32
      %mul3A_336 = vector.broadcast %mul3A_335 : f32 to vector<16xf32>
      %mul3A_337 = arith.mulf %add3A_334, %mul3A_336 : vector<16xf32>
      %convert_element_type3A_338 = arith.fptosi %mul3A_337 : vector<16xf32> to vector<16xi32>
      %jit3A_339 = arith.constant 0 : i32
      %jit3A_340 = arith.constant 510 : i32
      %max3A_341 = vector.broadcast %jit3A_339 : i32 to vector<16xi32>
      %max3A_342 = arith.maxsi %max3A_341, %convert_element_type3A_338 : vector<16xi32>
      %min3A_343 = vector.broadcast %jit3A_340 : i32 to vector<16xi32>
      %min3A_344 = arith.minsi %min3A_343, %max3A_342 : vector<16xi32>
      %convert_element_type3A_345 = arith.sitofp %min3A_344 : vector<16xi32> to vector<16xf32>
      %sub3A_346 = arith.subf %mul3A_337, %convert_element_type3A_345 : vector<16xf32>
      %sub3A_347 = arith.constant 1.000000e+00 : f32
      %sub3A_348 = vector.broadcast %sub3A_347 : f32 to vector<16xf32>
      %sub3A_349 = arith.subf %sub3A_348, %sub3A_346 : vector<16xf32>
      %swap3A_350 = arith.constant 96 : index
      %swap3A_351 = tpu.vector_load %arg8[%swap3A_350] {strides = array<i32>} : memref<192xi32, #tpu.memory_space<vmem>>, vector<16xi32>,
      tpu.vector_store %arg8[%swap3A_350], %min3A_344 {strides = array<i32>} : memref<192xi32, #tpu.memory_space<vmem>>, vector<16xi32>,
      %mul3A_352 = arith.constant 5.000000e-01 : f32
      %mul3A_353 = vector.broadcast %mul3A_352 : f32 to vector<16xf32>
      %mul3A_354 = arith.mulf %mul3A_353, %sub3A_349 : vector<16xf32>
      %mul3A_355 = arith.mulf %mul3A_354, %sub3A_349 : vector<16xf32>
      %mul3A_356 = arith.mulf %sub3A_346, %sub3A_349 : vector<16xf32>
      %add3A_357 = arith.constant 5.000000e-01 : f32
      %add3A_358 = vector.broadcast %add3A_357 : f32 to vector<16xf32>
      %add3A_359 = arith.addf %add3A_358, %mul3A_356 : vector<16xf32>
      %mul3A_360 = arith.constant 5.000000e-01 : f32
      %mul3A_361 = vector.broadcast %mul3A_360 : f32 to vector<16xf32>
      %mul3A_362 = arith.mulf %mul3A_361, %sub3A_346 : vector<16xf32>
      %mul3A_363 = arith.mulf %mul3A_362, %sub3A_346 : vector<16xf32>
      %swap3A_364 = arith.constant 288 : index
      %swap3A_365 = tpu.vector_load %arg9[%swap3A_364] {strides = array<i32>} : memref<576xf32, #tpu.memory_space<vmem>>, vector<16xf32>,
      tpu.vector_store %arg9[%swap3A_364], %mul3A_355 {strides = array<i32>} : memref<576xf32, #tpu.memory_space<vmem>>, vector<16xf32>,
      %swap3A_366 = arith.constant 320 : index
      %swap3A_367 = tpu.vector_load %arg9[%swap3A_366] {strides = array<i32>} : memref<576xf32, #tpu.memory_space<vmem>>, vector<16xf32>,
      tpu.vector_store %arg9[%swap3A_366], %add3A_359 {strides = array<i32>} : memref<576xf32, #tpu.memory_space<vmem>>, vector<16xf32>,
      %swap3A_368 = arith.constant 352 : index
      %swap3A_369 = tpu.vector_load %arg9[%swap3A_368] {strides = array<i32>} : memref<576xf32, #tpu.memory_space<vmem>>, vector<16xf32>,
      tpu.vector_store %arg9[%swap3A_368], %mul3A_363 {strides = array<i32>} : memref<576xf32, #tpu.memory_space<vmem>>, vector<16xf32>,
      %add3A_370 = arith.constant 0 : i32
      %add3A_371 = arith.addi %add3A_370, %multiple_of3A_325 : i32
      %add3A_372 = arith.constant 16 : i32
      %add3A_373 = arith.addi %add3A_371, %add3A_372 : i32
      %get3A_374 = arith.index_cast %add3A_373 : i32 to index
      %get3A_375 = tpu.vector_load %arg7[%get3A_374] {strides = array<i32>} : memref<24576xf32, #tpu.memory_space<vmem>>, vector<16xf32>,
      %add3A_376 = arith.constant 1.000000e+00 : f32
      %add3A_377 = vector.broadcast %add3A_376 : f32 to vector<16xf32>
      %add3A_378 = arith.addf %get3A_375, %add3A_377 : vector<16xf32>
      %mul3A_379 = arith.constant 2.555000e+02 : f32
      %mul3A_380 = vector.broadcast %mul3A_379 : f32 to vector<16xf32>
      %mul3A_381 = arith.mulf %add3A_378, %mul3A_380 : vector<16xf32>
      %convert_element_type3A_382 = arith.fptosi %mul3A_381 : vector<16xf32> to vector<16xi32>
      %jit3A_383 = arith.constant 0 : i32
      %jit3A_384 = arith.constant 510 : i32
      %max3A_385 = vector.broadcast %jit3A_383 : i32 to vector<16xi32>
      %max3A_386 = arith.maxsi %max3A_385, %convert_element_type3A_382 : vector<16xi32>
      %min3A_387 = vector.broadcast %jit3A_384 : i32 to vector<16xi32>
      %min3A_388 = arith.minsi %min3A_387, %max3A_386 : vector<16xi32>
      %convert_element_type3A_389 = arith.sitofp %min3A_388 : vector<16xi32> to vector<16xf32>
      %sub3A_390 = arith.subf %mul3A_381, %convert_element_type3A_389 : vector<16xf32>
      %sub3A_391 = arith.constant 1.000000e+00 : f32
      %sub3A_392 = vector.broadcast %sub3A_391 : f32 to vector<16xf32>
      %sub3A_393 = arith.subf %sub3A_392, %sub3A_390 : vector<16xf32>
      %swap3A_394 = arith.constant 112 : index
      %swap3A_395 = tpu.vector_load %arg8[%swap3A_394] {strides = array<i32>} : memref<192xi32, #tpu.memory_space<vmem>>, vector<16xi32>,
      tpu.vector_store %arg8[%swap3A_394], %min3A_388 {strides = array<i32>} : memref<192xi32, #tpu.memory_space<vmem>>, vector<16xi32>,
      %mul3A_396 = arith.constant 5.000000e-01 : f32
      %mul3A_397 = vector.broadcast %mul3A_396 : f32 to vector<16xf32>
      %mul3A_398 = arith.mulf %mul3A_397, %sub3A_393 : vector<16xf32>
      %mul3A_399 = arith.mulf %mul3A_398, %sub3A_393 : vector<16xf32>
      %mul3A_400 = arith.mulf %sub3A_390, %sub3A_393 : vector<16xf32>
      %add3A_401 = arith.constant 5.000000e-01 : f32
      %add3A_402 = vector.broadcast %add3A_401 : f32 to vector<16xf32>
      %add3A_403 = arith.addf %add3A_402, %mul3A_400 : vector<16xf32>
      %mul3A_404 = arith.constant 5.000000e-01 : f32
      %mul3A_405 = vector.broadcast %mul3A_404 : f32 to vector<16xf32>
      %mul3A_406 = arith.mulf %mul3A_405, %sub3A_390 : vector<16xf32>
      %mul3A_407 = arith.mulf %mul3A_406, %sub3A_390 : vector<16xf32>
      %swap3A_408 = arith.constant 304 : index
      %swap3A_409 = tpu.vector_load %arg9[%swap3A_408] {strides = array<i32>} : memref<576xf32, #tpu.memory_space<vmem>>, vector<16xf32>,
      tpu.vector_store %arg9[%swap3A_408], %mul3A_399 {strides = array<i32>} : memref<576xf32, #tpu.memory_space<vmem>>, vector<16xf32>,
      %swap3A_410 = arith.constant 336 : index
      %swap3A_411 = tpu.vector_load %arg9[%swap3A_410] {strides = array<i32>} : memref<576xf32, #tpu.memory_space<vmem>>, vector<16xf32>,
      tpu.vector_store %arg9[%swap3A_410], %add3A_403 {strides = array<i32>} : memref<576xf32, #tpu.memory_space<vmem>>, vector<16xf32>,
      %swap3A_412 = arith.constant 368 : index
      %swap3A_413 = tpu.vector_load %arg9[%swap3A_412] {strides = array<i32>} : memref<576xf32, #tpu.memory_space<vmem>>, vector<16xf32>,
      tpu.vector_store %arg9[%swap3A_412], %mul3A_407 {strides = array<i32>} : memref<576xf32, #tpu.memory_space<vmem>>, vector<16xf32>,
      %add3A_414 = arith.constant 8192 : i32
      %add3A_415 = arith.addi %add3A_414, %multiple_of3A_325 : i32
      %add3A_416 = arith.constant 0 : i32
      %add3A_417 = arith.addi %add3A_415, %add3A_416 : i32
      %get3A_418 = arith.index_cast %add3A_417 : i32 to index
      %get3A_419 = tpu.vector_load %arg7[%get3A_418] {strides = array<i32>} : memref<24576xf32, #tpu.memory_space<vmem>>, vector<16xf32>,
      %add3A_420 = arith.constant 1.000000e+00 : f32
      %add3A_421 = vector.broadcast %add3A_420 : f32 to vector<16xf32>
      %add3A_422 = arith.addf %get3A_419, %add3A_421 : vector<16xf32>
      %mul3A_423 = arith.constant 2.555000e+02 : f32
      %mul3A_424 = vector.broadcast %mul3A_423 : f32 to vector<16xf32>
      %mul3A_425 = arith.mulf %add3A_422, %mul3A_424 : vector<16xf32>
      %convert_element_type3A_426 = arith.fptosi %mul3A_425 : vector<16xf32> to vector<16xi32>
      %jit3A_427 = arith.constant 0 : i32
      %jit3A_428 = arith.constant 510 : i32
      %max3A_429 = vector.broadcast %jit3A_427 : i32 to vector<16xi32>
      %max3A_430 = arith.maxsi %max3A_429, %convert_element_type3A_426 : vector<16xi32>
      %min3A_431 = vector.broadcast %jit3A_428 : i32 to vector<16xi32>
      %min3A_432 = arith.minsi %min3A_431, %max3A_430 : vector<16xi32>
      %convert_element_type3A_433 = arith.sitofp %min3A_432 : vector<16xi32> to vector<16xf32>
      %sub3A_434 = arith.subf %mul3A_425, %convert_element_type3A_433 : vector<16xf32>
      %sub3A_435 = arith.constant 1.000000e+00 : f32
      %sub3A_436 = vector.broadcast %sub3A_435 : f32 to vector<16xf32>
      %sub3A_437 = arith.subf %sub3A_436, %sub3A_434 : vector<16xf32>
      %swap3A_438 = arith.constant 128 : index
      %swap3A_439 = tpu.vector_load %arg8[%swap3A_438] {strides = array<i32>} : memref<192xi32, #tpu.memory_space<vmem>>, vector<16xi32>,
      tpu.vector_store %arg8[%swap3A_438], %min3A_432 {strides = array<i32>} : memref<192xi32, #tpu.memory_space<vmem>>, vector<16xi32>,
      %mul3A_440 = arith.constant 5.000000e-01 : f32
      %mul3A_441 = vector.broadcast %mul3A_440 : f32 to vector<16xf32>
      %mul3A_442 = arith.mulf %mul3A_441, %sub3A_437 : vector<16xf32>
      %mul3A_443 = arith.mulf %mul3A_442, %sub3A_437 : vector<16xf32>
      %mul3A_444 = arith.mulf %sub3A_434, %sub3A_437 : vector<16xf32>
      %add3A_445 = arith.constant 5.000000e-01 : f32
      %add3A_446 = vector.broadcast %add3A_445 : f32 to vector<16xf32>
      %add3A_447 = arith.addf %add3A_446, %mul3A_444 : vector<16xf32>
      %mul3A_448 = arith.constant 5.000000e-01 : f32
      %mul3A_449 = vector.broadcast %mul3A_448 : f32 to vector<16xf32>
      %mul3A_450 = arith.mulf %mul3A_449, %sub3A_434 : vector<16xf32>
      %mul3A_451 = arith.mulf %mul3A_450, %sub3A_434 : vector<16xf32>
      %swap3A_452 = arith.constant 384 : index
      %swap3A_453 = tpu.vector_load %arg9[%swap3A_452] {strides = array<i32>} : memref<576xf32, #tpu.memory_space<vmem>>, vector<16xf32>,
      tpu.vector_store %arg9[%swap3A_452], %mul3A_443 {strides = array<i32>} : memref<576xf32, #tpu.memory_space<vmem>>, vector<16xf32>,
      %swap3A_454 = arith.constant 416 : index
      %swap3A_455 = tpu.vector_load %arg9[%swap3A_454] {strides = array<i32>} : memref<576xf32, #tpu.memory_space<vmem>>, vector<16xf32>,
      tpu.vector_store %arg9[%swap3A_454], %add3A_447 {strides = array<i32>} : memref<576xf32, #tpu.memory_space<vmem>>, vector<16xf32>,
      %swap3A_456 = arith.constant 448 : index
      %swap3A_457 = tpu.vector_load %arg9[%swap3A_456] {strides = array<i32>} : memref<576xf32, #tpu.memory_space<vmem>>, vector<16xf32>,
      tpu.vector_store %arg9[%swap3A_456], %mul3A_451 {strides = array<i32>} : memref<576xf32, #tpu.memory_space<vmem>>, vector<16xf32>,
      %add3A_458 = arith.constant 8192 : i32
      %add3A_459 = arith.addi %add3A_458, %multiple_of3A_325 : i32
      %add3A_460 = arith.constant 16 : i32
      %add3A_461 = arith.addi %add3A_459, %add3A_460 : i32
      %get3A_462 = arith.index_cast %add3A_461 : i32 to index
      %get3A_463 = tpu.vector_load %arg7[%get3A_462] {strides = array<i32>} : memref<24576xf32, #tpu.memory_space<vmem>>, vector<16xf32>,
      %add3A_464 = arith.constant 1.000000e+00 : f32
      %add3A_465 = vector.broadcast %add3A_464 : f32 to vector<16xf32>
      %add3A_466 = arith.addf %get3A_463, %add3A_465 : vector<16xf32>
      %mul3A_467 = arith.constant 2.555000e+02 : f32
      %mul3A_468 = vector.broadcast %mul3A_467 : f32 to vector<16xf32>
      %mul3A_469 = arith.mulf %add3A_466, %mul3A_468 : vector<16xf32>
      %convert_element_type3A_470 = arith.fptosi %mul3A_469 : vector<16xf32> to vector<16xi32>
      %jit3A_471 = arith.constant 0 : i32
      %jit3A_472 = arith.constant 510 : i32
      %max3A_473 = vector.broadcast %jit3A_471 : i32 to vector<16xi32>
      %max3A_474 = arith.maxsi %max3A_473, %convert_element_type3A_470 : vector<16xi32>
      %min3A_475 = vector.broadcast %jit3A_472 : i32 to vector<16xi32>
      %min3A_476 = arith.minsi %min3A_475, %max3A_474 : vector<16xi32>
      %convert_element_type3A_477 = arith.sitofp %min3A_476 : vector<16xi32> to vector<16xf32>
      %sub3A_478 = arith.subf %mul3A_469, %convert_element_type3A_477 : vector<16xf32>
      %sub3A_479 = arith.constant 1.000000e+00 : f32
      %sub3A_480 = vector.broadcast %sub3A_479 : f32 to vector<16xf32>
      %sub3A_481 = arith.subf %sub3A_480, %sub3A_478 : vector<16xf32>
      %swap3A_482 = arith.constant 144 : index
      %swap3A_483 = tpu.vector_load %arg8[%swap3A_482] {strides = array<i32>} : memref<192xi32, #tpu.memory_space<vmem>>, vector<16xi32>,
      tpu.vector_store %arg8[%swap3A_482], %min3A_476 {strides = array<i32>} : memref<192xi32, #tpu.memory_space<vmem>>, vector<16xi32>,
      %mul3A_484 = arith.constant 5.000000e-01 : f32
      %mul3A_485 = vector.broadcast %mul3A_484 : f32 to vector<16xf32>
      %mul3A_486 = arith.mulf %mul3A_485, %sub3A_481 : vector<16xf32>
      %mul3A_487 = arith.mulf %mul3A_486, %sub3A_481 : vector<16xf32>
      %mul3A_488 = arith.mulf %sub3A_478, %sub3A_481 : vector<16xf32>
      %add3A_489 = arith.constant 5.000000e-01 : f32
      %add3A_490 = vector.broadcast %add3A_489 : f32 to vector<16xf32>
      %add3A_491 = arith.addf %add3A_490, %mul3A_488 : vector<16xf32>
      %mul3A_492 = arith.constant 5.000000e-01 : f32
      %mul3A_493 = vector.broadcast %mul3A_492 : f32 to vector<16xf32>
      %mul3A_494 = arith.mulf %mul3A_493, %sub3A_478 : vector<16xf32>
      %mul3A_495 = arith.mulf %mul3A_494, %sub3A_478 : vector<16xf32>
      %swap3A_496 = arith.constant 400 : index
      %swap3A_497 = tpu.vector_load %arg9[%swap3A_496] {strides = array<i32>} : memref<576xf32, #tpu.memory_space<vmem>>, vector<16xf32>,
      tpu.vector_store %arg9[%swap3A_496], %mul3A_487 {strides = array<i32>} : memref<576xf32, #tpu.memory_space<vmem>>, vector<16xf32>,
      %swap3A_498 = arith.constant 432 : index
      %swap3A_499 = tpu.vector_load %arg9[%swap3A_498] {strides = array<i32>} : memref<576xf32, #tpu.memory_space<vmem>>, vector<16xf32>,
      tpu.vector_store %arg9[%swap3A_498], %add3A_491 {strides = array<i32>} : memref<576xf32, #tpu.memory_space<vmem>>, vector<16xf32>,
      %swap3A_500 = arith.constant 464 : index
      %swap3A_501 = tpu.vector_load %arg9[%swap3A_500] {strides = array<i32>} : memref<576xf32, #tpu.memory_space<vmem>>, vector<16xf32>,
      tpu.vector_store %arg9[%swap3A_500], %mul3A_495 {strides = array<i32>} : memref<576xf32, #tpu.memory_space<vmem>>, vector<16xf32>,
      %add3A_502 = arith.constant 16384 : i32
      %add3A_503 = arith.addi %add3A_502, %multiple_of3A_325 : i32
      %add3A_504 = arith.constant 0 : i32
      %add3A_505 = arith.addi %add3A_503, %add3A_504 : i32
      %get3A_506 = arith.index_cast %add3A_505 : i32 to index
      %get3A_507 = tpu.vector_load %arg7[%get3A_506] {strides = array<i32>} : memref<24576xf32, #tpu.memory_space<vmem>>, vector<16xf32>,
      %add3A_508 = arith.constant 1.000000e+00 : f32
      %add3A_509 = vector.broadcast %add3A_508 : f32 to vector<16xf32>
      %add3A_510 = arith.addf %get3A_507, %add3A_509 : vector<16xf32>
      %mul3A_511 = arith.constant 2.555000e+02 : f32
      %mul3A_512 = vector.broadcast %mul3A_511 : f32 to vector<16xf32>
      %mul3A_513 = arith.mulf %add3A_510, %mul3A_512 : vector<16xf32>
      %convert_element_type3A_514 = arith.fptosi %mul3A_513 : vector<16xf32> to vector<16xi32>
      %jit3A_515 = arith.constant 0 : i32
      %jit3A_516 = arith.constant 510 : i32
      %max3A_517 = vector.broadcast %jit3A_515 : i32 to vector<16xi32>
      %max3A_518 = arith.maxsi %max3A_517, %convert_element_type3A_514 : vector<16xi32>
      %min3A_519 = vector.broadcast %jit3A_516 : i32 to vector<16xi32>
      %min3A_520 = arith.minsi %min3A_519, %max3A_518 : vector<16xi32>
      %convert_element_type3A_521 = arith.sitofp %min3A_520 : vector<16xi32> to vector<16xf32>
      %sub3A_522 = arith.subf %mul3A_513, %convert_element_type3A_521 : vector<16xf32>
      %sub3A_523 = arith.constant 1.000000e+00 : f32
      %sub3A_524 = vector.broadcast %sub3A_523 : f32 to vector<16xf32>
      %sub3A_525 = arith.subf %sub3A_524, %sub3A_522 : vector<16xf32>
      %swap3A_526 = arith.constant 160 : index
      %swap3A_527 = tpu.vector_load %arg8[%swap3A_526] {strides = array<i32>} : memref<192xi32, #tpu.memory_space<vmem>>, vector<16xi32>,
      tpu.vector_store %arg8[%swap3A_526], %min3A_520 {strides = array<i32>} : memref<192xi32, #tpu.memory_space<vmem>>, vector<16xi32>,
      %mul3A_528 = arith.constant 5.000000e-01 : f32
      %mul3A_529 = vector.broadcast %mul3A_528 : f32 to vector<16xf32>
      %mul3A_530 = arith.mulf %mul3A_529, %sub3A_525 : vector<16xf32>
      %mul3A_531 = arith.mulf %mul3A_530, %sub3A_525 : vector<16xf32>
      %mul3A_532 = arith.mulf %sub3A_522, %sub3A_525 : vector<16xf32>
      %add3A_533 = arith.constant 5.000000e-01 : f32
      %add3A_534 = vector.broadcast %add3A_533 : f32 to vector<16xf32>
      %add3A_535 = arith.addf %add3A_534, %mul3A_532 : vector<16xf32>
      %mul3A_536 = arith.constant 5.000000e-01 : f32
      %mul3A_537 = vector.broadcast %mul3A_536 : f32 to vector<16xf32>
      %mul3A_538 = arith.mulf %mul3A_537, %sub3A_522 : vector<16xf32>
      %mul3A_539 = arith.mulf %mul3A_538, %sub3A_522 : vector<16xf32>
      %swap3A_540 = arith.constant 480 : index
      %swap3A_541 = tpu.vector_load %arg9[%swap3A_540] {strides = array<i32>} : memref<576xf32, #tpu.memory_space<vmem>>, vector<16xf32>,
      tpu.vector_store %arg9[%swap3A_540], %mul3A_531 {strides = array<i32>} : memref<576xf32, #tpu.memory_space<vmem>>, vector<16xf32>,
      %swap3A_542 = arith.constant 512 : index
      %swap3A_543 = tpu.vector_load %arg9[%swap3A_542] {strides = array<i32>} : memref<576xf32, #tpu.memory_space<vmem>>, vector<16xf32>,
      tpu.vector_store %arg9[%swap3A_542], %add3A_535 {strides = array<i32>} : memref<576xf32, #tpu.memory_space<vmem>>, vector<16xf32>,
      %swap3A_544 = arith.constant 544 : index
      %swap3A_545 = tpu.vector_load %arg9[%swap3A_544] {strides = array<i32>} : memref<576xf32, #tpu.memory_space<vmem>>, vector<16xf32>,
      tpu.vector_store %arg9[%swap3A_544], %mul3A_539 {strides = array<i32>} : memref<576xf32, #tpu.memory_space<vmem>>, vector<16xf32>,
      %add3A_546 = arith.constant 16384 : i32
      %add3A_547 = arith.addi %add3A_546, %multiple_of3A_325 : i32
      %add3A_548 = arith.constant 16 : i32
      %add3A_549 = arith.addi %add3A_547, %add3A_548 : i32
      %get3A_550 = arith.index_cast %add3A_549 : i32 to index
      %get3A_551 = tpu.vector_load %arg7[%get3A_550] {strides = array<i32>} : memref<24576xf32, #tpu.memory_space<vmem>>, vector<16xf32>,
      %add3A_552 = arith.constant 1.000000e+00 : f32
      %add3A_553 = vector.broadcast %add3A_552 : f32 to vector<16xf32>
      %add3A_554 = arith.addf %get3A_551, %add3A_553 : vector<16xf32>
      %mul3A_555 = arith.constant 2.555000e+02 : f32
      %mul3A_556 = vector.broadcast %mul3A_555 : f32 to vector<16xf32>
      %mul3A_557 = arith.mulf %add3A_554, %mul3A_556 : vector<16xf32>
      %convert_element_type3A_558 = arith.fptosi %mul3A_557 : vector<16xf32> to vector<16xi32>
      %jit3A_559 = arith.constant 0 : i32
      %jit3A_560 = arith.constant 510 : i32
      %max3A_561 = vector.broadcast %jit3A_559 : i32 to vector<16xi32>
      %max3A_562 = arith.maxsi %max3A_561, %convert_element_type3A_558 : vector<16xi32>
      %min3A_563 = vector.broadcast %jit3A_560 : i32 to vector<16xi32>
      %min3A_564 = arith.minsi %min3A_563, %max3A_562 : vector<16xi32>
      %convert_element_type3A_565 = arith.sitofp %min3A_564 : vector<16xi32> to vector<16xf32>
      %sub3A_566 = arith.subf %mul3A_557, %convert_element_type3A_565 : vector<16xf32>
      %sub3A_567 = arith.constant 1.000000e+00 : f32
      %sub3A_568 = vector.broadcast %sub3A_567 : f32 to vector<16xf32>
      %sub3A_569 = arith.subf %sub3A_568, %sub3A_566 : vector<16xf32>
      %swap3A_570 = arith.constant 176 : index
      %swap3A_571 = tpu.vector_load %arg8[%swap3A_570] {strides = array<i32>} : memref<192xi32, #tpu.memory_space<vmem>>, vector<16xi32>,
      tpu.vector_store %arg8[%swap3A_570], %min3A_564 {strides = array<i32>} : memref<192xi32, #tpu.memory_space<vmem>>, vector<16xi32>,
      %mul3A_572 = arith.constant 5.000000e-01 : f32
      %mul3A_573 = vector.broadcast %mul3A_572 : f32 to vector<16xf32>
      %mul3A_574 = arith.mulf %mul3A_573, %sub3A_569 : vector<16xf32>
      %mul3A_575 = arith.mulf %mul3A_574, %sub3A_569 : vector<16xf32>
      %mul3A_576 = arith.mulf %sub3A_566, %sub3A_569 : vector<16xf32>
      %add3A_577 = arith.constant 5.000000e-01 : f32
      %add3A_578 = vector.broadcast %add3A_577 : f32 to vector<16xf32>
      %add3A_579 = arith.addf %add3A_578, %mul3A_576 : vector<16xf32>
      %mul3A_580 = arith.constant 5.000000e-01 : f32
      %mul3A_581 = vector.broadcast %mul3A_580 : f32 to vector<16xf32>
      %mul3A_582 = arith.mulf %mul3A_581, %sub3A_566 : vector<16xf32>
      %mul3A_583 = arith.mulf %mul3A_582, %sub3A_566 : vector<16xf32>
      %swap3A_584 = arith.constant 496 : index
      %swap3A_585 = tpu.vector_load %arg9[%swap3A_584] {strides = array<i32>} : memref<576xf32, #tpu.memory_space<vmem>>, vector<16xf32>,
      tpu.vector_store %arg9[%swap3A_584], %mul3A_575 {strides = array<i32>} : memref<576xf32, #tpu.memory_space<vmem>>, vector<16xf32>,
      %swap3A_586 = arith.constant 528 : index
      %swap3A_587 = tpu.vector_load %arg9[%swap3A_586] {strides = array<i32>} : memref<576xf32, #tpu.memory_space<vmem>>, vector<16xf32>,
      tpu.vector_store %arg9[%swap3A_586], %add3A_579 {strides = array<i32>} : memref<576xf32, #tpu.memory_space<vmem>>, vector<16xf32>,
      %swap3A_588 = arith.constant 560 : index
      %swap3A_589 = tpu.vector_load %arg9[%swap3A_588] {strides = array<i32>} : memref<576xf32, #tpu.memory_space<vmem>>, vector<16xf32>,
      tpu.vector_store %arg9[%swap3A_588], %mul3A_583 {strides = array<i32>} : memref<576xf32, #tpu.memory_space<vmem>>, vector<16xf32>,
      %dma_start3A_590 = arith.constant 96 : i32
      %dma_start3A_591 = arith.constant 0 : i32
      %dma_start3A_592 = tpu.memref_slice %arg10[%dma_start3A_590, %dma_start3A_591] : memref<192x384xi32, #tpu.memory_space<vmem>> -> memref<32x384xi32, #tpu.memory_space<vmem>>
      %dma_start3A_593 = arith.constant 96 : i32
      %dma_start3A_594 = tpu.memref_slice %arg8[%dma_start3A_593] : memref<192xi32, #tpu.memory_space<vmem>> -> memref<32xi32, #tpu.memory_space<vmem>>
      %dma_start3A_595 = arith.constant 0 : i32
      %dma_start3A_596 = arith.constant 0 : i32
      %dma_start3A_597 = tpu.memref_slice %arg3[%dma_start3A_595, %dma_start3A_596] : memref<512x384xi32, #tpu.memory_space<hbm>> -> memref<512x384xi32, #tpu.memory_space<hbm>>
      tpu.enqueue_indirect_dma source(%dma_start3A_597 : memref<512x384xi32, #tpu.memory_space<hbm>>) target(%dma_start3A_592 : memref<32x384xi32, #tpu.memory_space<vmem>>) offsets(%dma_start3A_594 : memref<32xi32, #tpu.memory_space<vmem>>) semaphore(%arg13 : memref<!tpu.dma_semaphore, #tpu.memory_space<semaphore_mem>>)
      %dma_start3A_598 = arith.constant 128 : i32
      %dma_start3A_599 = arith.constant 0 : i32
      %dma_start3A_600 = tpu.memref_slice %arg10[%dma_start3A_598, %dma_start3A_599] : memref<192x384xi32, #tpu.memory_space<vmem>> -> memref<32x384xi32, #tpu.memory_space<vmem>>
      %dma_start3A_601 = arith.constant 128 : i32
      %dma_start3A_602 = tpu.memref_slice %arg8[%dma_start3A_601] : memref<192xi32, #tpu.memory_space<vmem>> -> memref<32xi32, #tpu.memory_space<vmem>>
      %dma_start3A_603 = arith.constant 0 : i32
      %dma_start3A_604 = arith.constant 0 : i32
      %dma_start3A_605 = tpu.memref_slice %arg4[%dma_start3A_603, %dma_start3A_604] : memref<512x384xi32, #tpu.memory_space<hbm>> -> memref<512x384xi32, #tpu.memory_space<hbm>>
      tpu.enqueue_indirect_dma source(%dma_start3A_605 : memref<512x384xi32, #tpu.memory_space<hbm>>) target(%dma_start3A_600 : memref<32x384xi32, #tpu.memory_space<vmem>>) offsets(%dma_start3A_602 : memref<32xi32, #tpu.memory_space<vmem>>) semaphore(%arg13 : memref<!tpu.dma_semaphore, #tpu.memory_space<semaphore_mem>>)
      %dma_start3A_606 = arith.constant 160 : i32
      %dma_start3A_607 = arith.constant 0 : i32
      %dma_start3A_608 = tpu.memref_slice %arg10[%dma_start3A_606, %dma_start3A_607] : memref<192x384xi32, #tpu.memory_space<vmem>> -> memref<32x384xi32, #tpu.memory_space<vmem>>
      %dma_start3A_609 = arith.constant 160 : i32
      %dma_start3A_610 = tpu.memref_slice %arg8[%dma_start3A_609] : memref<192xi32, #tpu.memory_space<vmem>> -> memref<32xi32, #tpu.memory_space<vmem>>
      %dma_start3A_611 = arith.constant 0 : i32
      %dma_start3A_612 = arith.constant 0 : i32
      %dma_start3A_613 = tpu.memref_slice %arg5[%dma_start3A_611, %dma_start3A_612] : memref<512x384xi32, #tpu.memory_space<hbm>> -> memref<512x384xi32, #tpu.memory_space<hbm>>
      tpu.enqueue_indirect_dma source(%dma_start3A_613 : memref<512x384xi32, #tpu.memory_space<hbm>>) target(%dma_start3A_608 : memref<32x384xi32, #tpu.memory_space<vmem>>) offsets(%dma_start3A_610 : memref<32xi32, #tpu.memory_space<vmem>>) semaphore(%arg13 : memref<!tpu.dma_semaphore, #tpu.memory_space<semaphore_mem>>)
      %dma_wait3A_614 = arith.constant 0 : i32
      %dma_wait3A_615 = arith.constant 0 : i32
      %dma_wait3A_616 = tpu.memref_slice %arg10[%dma_wait3A_614, %dma_wait3A_615] : memref<192x384xi32, #tpu.memory_space<vmem>> -> memref<32x384xi32, #tpu.memory_space<vmem>>
      %dma_wait3A_617 = arith.constant 0 : i32
      %dma_wait3A_618 = tpu.memref_slice %arg8[%dma_wait3A_617] : memref<192xi32, #tpu.memory_space<vmem>> -> memref<32xi32, #tpu.memory_space<vmem>>
      %dma_wait3A_619 = arith.constant 0 : i32
      %dma_wait3A_620 = arith.constant 0 : i32
      %dma_wait3A_621 = tpu.memref_slice %arg3[%dma_wait3A_619, %dma_wait3A_620] : memref<512x384xi32, #tpu.memory_space<hbm>> -> memref<512x384xi32, #tpu.memory_space<hbm>>
      tpu.wait_indirect_dma semaphore(%arg12 : memref<!tpu.dma_semaphore, #tpu.memory_space<semaphore_mem>>) src(%dma_wait3A_621 : memref<512x384xi32, #tpu.memory_space<hbm>>) dst(%dma_wait3A_616 : memref<32x384xi32, #tpu.memory_space<vmem>>)
      %dma_wait3A_622 = arith.constant 32 : i32
      %dma_wait3A_623 = arith.constant 0 : i32
      %dma_wait3A_624 = tpu.memref_slice %arg10[%dma_wait3A_622, %dma_wait3A_623] : memref<192x384xi32, #tpu.memory_space<vmem>> -> memref<32x384xi32, #tpu.memory_space<vmem>>
      %dma_wait3A_625 = arith.constant 32 : i32
      %dma_wait3A_626 = tpu.memref_slice %arg8[%dma_wait3A_625] : memref<192xi32, #tpu.memory_space<vmem>> -> memref<32xi32, #tpu.memory_space<vmem>>
      %dma_wait3A_627 = arith.constant 0 : i32
      %dma_wait3A_628 = arith.constant 0 : i32
      %dma_wait3A_629 = tpu.memref_slice %arg4[%dma_wait3A_627, %dma_wait3A_628] : memref<512x384xi32, #tpu.memory_space<hbm>> -> memref<512x384xi32, #tpu.memory_space<hbm>>
      tpu.wait_indirect_dma semaphore(%arg12 : memref<!tpu.dma_semaphore, #tpu.memory_space<semaphore_mem>>) src(%dma_wait3A_629 : memref<512x384xi32, #tpu.memory_space<hbm>>) dst(%dma_wait3A_624 : memref<32x384xi32, #tpu.memory_space<vmem>>)
      %dma_wait3A_630 = arith.constant 64 : i32
      %dma_wait3A_631 = arith.constant 0 : i32
      %dma_wait3A_632 = tpu.memref_slice %arg10[%dma_wait3A_630, %dma_wait3A_631] : memref<192x384xi32, #tpu.memory_space<vmem>> -> memref<32x384xi32, #tpu.memory_space<vmem>>
      %dma_wait3A_633 = arith.constant 64 : i32
      %dma_wait3A_634 = tpu.memref_slice %arg8[%dma_wait3A_633] : memref<192xi32, #tpu.memory_space<vmem>> -> memref<32xi32, #tpu.memory_space<vmem>>
      %dma_wait3A_635 = arith.constant 0 : i32
      %dma_wait3A_636 = arith.constant 0 : i32
      %dma_wait3A_637 = tpu.memref_slice %arg5[%dma_wait3A_635, %dma_wait3A_636] : memref<512x384xi32, #tpu.memory_space<hbm>> -> memref<512x384xi32, #tpu.memory_space<hbm>>
      tpu.wait_indirect_dma semaphore(%arg12 : memref<!tpu.dma_semaphore, #tpu.memory_space<semaphore_mem>>) src(%dma_wait3A_637 : memref<512x384xi32, #tpu.memory_space<hbm>>) dst(%dma_wait3A_632 : memref<32x384xi32, #tpu.memory_space<vmem>>)
      %gt3A = arith.constant 0 : i32
      %gt3A_638 = arith.cmpi sgt, %scan3A_318, %gt3A : i32
      %convert_element_type3A_639 = arith.extui %gt3A_638 : i1 to i32
      %cond3A = arith.constant 0 : i32
      %cond3A_640 = arith.cmpi ne, %convert_element_type3A_639, %cond3A : i32
      scf.if %cond3A_640 {
        %mul3A_714 = arith.constant 32 : i32
        %mul3A_715 = arith.muli %mul3A_320, %mul3A_714 : i32
        %add3A_716 = arith.addi %mul3A_2, %mul3A_715 : i32
        %dma_wait3A_717 = arith.constant 0 : i32
        %dma_wait3A_718 = arith.constant 0 : i32
        %dma_wait3A_719 = tpu.memref_slice %arg11[%dma_wait3A_717, %dma_wait3A_718] : memref<64x256xf32, #tpu.memory_space<vmem>> -> memref<32x256xf32, #tpu.memory_space<vmem>>
        %dma_wait3A_720 = arith.constant 0 : i32
        %dma_wait3A_721 = tpu.memref_slice %arg6[%add3A_716, %dma_wait3A_720] : memref<262144x256xf32, #tpu.memory_space<hbm>> -> memref<32x256xf32, #tpu.memory_space<hbm>>
        %dma_wait3A_722 = arith.constant 0 : i32
        %dma_wait3A_723 = tpu.memref_slice %arg6[%add3A_716, %dma_wait3A_722] : memref<262144x256xf32, #tpu.memory_space<hbm>> -> memref<32x256xf32, #tpu.memory_space<hbm>>
        %dma_wait3A_724 = arith.constant 0 : i32
        %dma_wait3A_725 = arith.constant 0 : i32
        %dma_wait3A_726 = tpu.memref_slice %arg11[%dma_wait3A_724, %dma_wait3A_725] : memref<64x256xf32, #tpu.memory_space<vmem>> -> memref<32x256xf32, #tpu.memory_space<vmem>>
        tpu.wait_dma2 semaphore(%arg14 : memref<!tpu.dma_semaphore, #tpu.memory_space<semaphore_mem>>) src(%dma_wait3A_726 : memref<32x256xf32, #tpu.memory_space<vmem>>) dst(%dma_wait3A_723 : memref<32x256xf32, #tpu.memory_space<hbm>>)
      } else {
      }
      %scan3A_641 = arith.constant 0 : i32
      %scan3A_642 = arith.constant 0 : i32
      %scan3A_643 = arith.constant 32 : i32
      %scan3A_644 = arith.addi %scan3A_642, %scan3A_643 : i32
      %scan3A_645 = arith.constant 1 : i32
      scf.for %scan3A_714 = %scan3A_642 to %scan3A_644 step %scan3A_645  : i32 {
        %shift_right_arithmetic3A = arith.constant 4 : i32
        %shift_right_arithmetic3A_715 = arith.shrsi %scan3A_714, %shift_right_arithmetic3A : i32
        %shift_left3A = arith.constant 4 : i32
        %shift_left3A_716 = arith.shli %shift_right_arithmetic3A_715, %shift_left3A : i32
        %and3A = arith.constant 15 : i32
        %and3A_717 = arith.andi %scan3A_714, %and3A : i32
        %broadcast_in_dim3A = vector.broadcast %and3A_717 : i32 to vector<16xi32>
        %add3A_718 = arith.constant 0 : i32
        %add3A_719 = arith.addi %add3A_718, %scan3A_714 : i32
        %add3A_720 = arith.constant 0 : i32
        %add3A_721 = arith.addi %add3A_720, %shift_left3A_716 : i32
        %get3A_722 = arith.index_cast %add3A_721 : i32 to index
        %get3A_723 = tpu.vector_load %arg9[%get3A_722] {strides = array<i32>} : memref<576xf32, #tpu.memory_space<vmem>>, vector<16xf32>,
        %broadcast_in_dim3A_724 = vector.shape_cast %broadcast_in_dim3A : vector<16xi32> to vector<16x1xi32>
        %gather3A = vector.shape_cast %broadcast_in_dim3A_724 : vector<16x1xi32> to vector<16xi32>
        %gather3A_725 = tpu.dynamic_gather %get3A_723[%gather3A] in [0] : vector<16xf32>, vector<16xi32> -> vector<16xf32>
        %bitcast3A = vector.bitcast %gather3A_725 : vector<16xf32> to vector<16xi32>
        %add3A_726 = arith.constant 32768 : i32
        %add3A_727 = vector.broadcast %add3A_726 : i32 to vector<16xi32>
        %add3A_728 = arith.addi %bitcast3A, %add3A_727 : vector<16xi32>
        %shift_right_arithmetic3A_729 = arith.constant 16 : i32
        %shift_right_arithmetic3A_730 = vector.broadcast %shift_right_arithmetic3A_729 : i32 to vector<16xi32>
        %shift_right_arithmetic3A_731 = arith.shrsi %add3A_728, %shift_right_arithmetic3A_730 : vector<16xi32>
        %shift_left3A_732 = arith.constant 16 : i32
        %shift_left3A_733 = vector.broadcast %shift_left3A_732 : i32 to vector<16xi32>
        %shift_left3A_734 = arith.shli %shift_right_arithmetic3A_731, %shift_left3A_733 : vector<16xi32>
        %or3A = arith.ori %shift_right_arithmetic3A_731, %shift_left3A_734 : vector<16xi32>
        %bitcast3A_735 = vector.bitcast %or3A : vector<16xi32> to vector<32xbf16>
        %get3A_736 = arith.index_cast %add3A_719 : i32 to index
        %get3A_737 = arith.constant 0 : index
        %get3A_738 = tpu.vector_load %arg10[%get3A_736, %get3A_737] {strides = array<i32>} : memref<192x384xi32, #tpu.memory_space<vmem>>, vector<16xi32>,
        %bitcast3A_739 = vector.bitcast %get3A_738 : vector<16xi32> to vector<32xbf16>
        %mul3A_740 = arith.mulf %bitcast3A_739, %bitcast3A_735 : vector<32xbf16>
        %get3A_741 = arith.index_cast %add3A_719 : i32 to index
        %get3A_742 = arith.constant 16 : index
        %get3A_743 = tpu.vector_load %arg10[%get3A_741, %get3A_742] {strides = array<i32>} : memref<192x384xi32, #tpu.memory_space<vmem>>, vector<16xi32>,
        %bitcast3A_744 = vector.bitcast %get3A_743 : vector<16xi32> to vector<32xbf16>
        %mul3A_745 = arith.mulf %bitcast3A_744, %bitcast3A_735 : vector<32xbf16>
        %get3A_746 = arith.index_cast %add3A_719 : i32 to index
        %get3A_747 = arith.constant 32 : index
        %get3A_748 = tpu.vector_load %arg10[%get3A_746, %get3A_747] {strides = array<i32>} : memref<192x384xi32, #tpu.memory_space<vmem>>, vector<16xi32>,
        %bitcast3A_749 = vector.bitcast %get3A_748 : vector<16xi32> to vector<32xbf16>
        %mul3A_750 = arith.mulf %bitcast3A_749, %bitcast3A_735 : vector<32xbf16>
        %get3A_751 = arith.index_cast %add3A_719 : i32 to index
        %get3A_752 = arith.constant 48 : index
        %get3A_753 = tpu.vector_load %arg10[%get3A_751, %get3A_752] {strides = array<i32>} : memref<192x384xi32, #tpu.memory_space<vmem>>, vector<16xi32>,
        %bitcast3A_754 = vector.bitcast %get3A_753 : vector<16xi32> to vector<32xbf16>
        %mul3A_755 = arith.mulf %bitcast3A_754, %bitcast3A_735 : vector<32xbf16>
        %get3A_756 = arith.index_cast %add3A_719 : i32 to index
        %get3A_757 = arith.constant 64 : index
        %get3A_758 = tpu.vector_load %arg10[%get3A_756, %get3A_757] {strides = array<i32>} : memref<192x384xi32, #tpu.memory_space<vmem>>, vector<16xi32>,
        %bitcast3A_759 = vector.bitcast %get3A_758 : vector<16xi32> to vector<32xbf16>
        %mul3A_760 = arith.mulf %bitcast3A_759, %bitcast3A_735 : vector<32xbf16>
        %get3A_761 = arith.index_cast %add3A_719 : i32 to index
        %get3A_762 = arith.constant 80 : index
        %get3A_763 = tpu.vector_load %arg10[%get3A_761, %get3A_762] {strides = array<i32>} : memref<192x384xi32, #tpu.memory_space<vmem>>, vector<16xi32>,
        %bitcast3A_764 = vector.bitcast %get3A_763 : vector<16xi32> to vector<32xbf16>
        %mul3A_765 = arith.mulf %bitcast3A_764, %bitcast3A_735 : vector<32xbf16>
        %get3A_766 = arith.index_cast %add3A_719 : i32 to index
        %get3A_767 = arith.constant 96 : index
        %get3A_768 = tpu.vector_load %arg10[%get3A_766, %get3A_767] {strides = array<i32>} : memref<192x384xi32, #tpu.memory_space<vmem>>, vector<16xi32>,
        %bitcast3A_769 = vector.bitcast %get3A_768 : vector<16xi32> to vector<32xbf16>
        %mul3A_770 = arith.mulf %bitcast3A_769, %bitcast3A_735 : vector<32xbf16>
        %get3A_771 = arith.index_cast %add3A_719 : i32 to index
        %get3A_772 = arith.constant 112 : index
        %get3A_773 = tpu.vector_load %arg10[%get3A_771, %get3A_772] {strides = array<i32>} : memref<192x384xi32, #tpu.memory_space<vmem>>, vector<16xi32>,
        %bitcast3A_774 = vector.bitcast %get3A_773 : vector<16xi32> to vector<32xbf16>
        %mul3A_775 = arith.mulf %bitcast3A_774, %bitcast3A_735 : vector<32xbf16>
        %add3A_776 = arith.constant 32 : i32
        %add3A_777 = arith.addi %add3A_776, %shift_left3A_716 : i32
        %get3A_778 = arith.index_cast %add3A_777 : i32 to index
        %get3A_779 = tpu.vector_load %arg9[%get3A_778] {strides = array<i32>} : memref<576xf32, #tpu.memory_space<vmem>>, vector<16xf32>,
        %broadcast_in_dim3A_780 = vector.shape_cast %broadcast_in_dim3A : vector<16xi32> to vector<16x1xi32>
        %gather3A_781 = vector.shape_cast %broadcast_in_dim3A_780 : vector<16x1xi32> to vector<16xi32>
        %gather3A_782 = tpu.dynamic_gather %get3A_779[%gather3A_781] in [0] : vector<16xf32>, vector<16xi32> -> vector<16xf32>
        %bitcast3A_783 = vector.bitcast %gather3A_782 : vector<16xf32> to vector<16xi32>
        %add3A_784 = arith.constant 32768 : i32
        %add3A_785 = vector.broadcast %add3A_784 : i32 to vector<16xi32>
        %add3A_786 = arith.addi %bitcast3A_783, %add3A_785 : vector<16xi32>
        %shift_right_arithmetic3A_787 = arith.constant 16 : i32
        %shift_right_arithmetic3A_788 = vector.broadcast %shift_right_arithmetic3A_787 : i32 to vector<16xi32>
        %shift_right_arithmetic3A_789 = arith.shrsi %add3A_786, %shift_right_arithmetic3A_788 : vector<16xi32>
        %shift_left3A_790 = arith.constant 16 : i32
        %shift_left3A_791 = vector.broadcast %shift_left3A_790 : i32 to vector<16xi32>
        %shift_left3A_792 = arith.shli %shift_right_arithmetic3A_789, %shift_left3A_791 : vector<16xi32>
        %or3A_793 = arith.ori %shift_right_arithmetic3A_789, %shift_left3A_792 : vector<16xi32>
        %bitcast3A_794 = vector.bitcast %or3A_793 : vector<16xi32> to vector<32xbf16>
        %get3A_795 = arith.index_cast %add3A_719 : i32 to index
        %get3A_796 = arith.constant 128 : index
        %get3A_797 = tpu.vector_load %arg10[%get3A_795, %get3A_796] {strides = array<i32>} : memref<192x384xi32, #tpu.memory_space<vmem>>, vector<16xi32>,
        %bitcast3A_798 = vector.bitcast %get3A_797 : vector<16xi32> to vector<32xbf16>
        %mul3A_799 = arith.mulf %bitcast3A_798, %bitcast3A_794 : vector<32xbf16>
        %get3A_800 = arith.index_cast %add3A_719 : i32 to index
        %get3A_801 = arith.constant 144 : index
        %get3A_802 = tpu.vector_load %arg10[%get3A_800, %get3A_801] {strides = array<i32>} : memref<192x384xi32, #tpu.memory_space<vmem>>, vector<16xi32>,
        %bitcast3A_803 = vector.bitcast %get3A_802 : vector<16xi32> to vector<32xbf16>
        %mul3A_804 = arith.mulf %bitcast3A_803, %bitcast3A_794 : vector<32xbf16>
        %get3A_805 = arith.index_cast %add3A_719 : i32 to index
        %get3A_806 = arith.constant 160 : index
        %get3A_807 = tpu.vector_load %arg10[%get3A_805, %get3A_806] {strides = array<i32>} : memref<192x384xi32, #tpu.memory_space<vmem>>, vector<16xi32>,
        %bitcast3A_808 = vector.bitcast %get3A_807 : vector<16xi32> to vector<32xbf16>
        %mul3A_809 = arith.mulf %bitcast3A_808, %bitcast3A_794 : vector<32xbf16>
        %get3A_810 = arith.index_cast %add3A_719 : i32 to index
        %get3A_811 = arith.constant 176 : index
        %get3A_812 = tpu.vector_load %arg10[%get3A_810, %get3A_811] {strides = array<i32>} : memref<192x384xi32, #tpu.memory_space<vmem>>, vector<16xi32>,
        %bitcast3A_813 = vector.bitcast %get3A_812 : vector<16xi32> to vector<32xbf16>
        %mul3A_814 = arith.mulf %bitcast3A_813, %bitcast3A_794 : vector<32xbf16>
        %get3A_815 = arith.index_cast %add3A_719 : i32 to index
        %get3A_816 = arith.constant 192 : index
        %get3A_817 = tpu.vector_load %arg10[%get3A_815, %get3A_816] {strides = array<i32>} : memref<192x384xi32, #tpu.memory_space<vmem>>, vector<16xi32>,
        %bitcast3A_818 = vector.bitcast %get3A_817 : vector<16xi32> to vector<32xbf16>
        %mul3A_819 = arith.mulf %bitcast3A_818, %bitcast3A_794 : vector<32xbf16>
        %get3A_820 = arith.index_cast %add3A_719 : i32 to index
        %get3A_821 = arith.constant 208 : index
        %get3A_822 = tpu.vector_load %arg10[%get3A_820, %get3A_821] {strides = array<i32>} : memref<192x384xi32, #tpu.memory_space<vmem>>, vector<16xi32>,
        %bitcast3A_823 = vector.bitcast %get3A_822 : vector<16xi32> to vector<32xbf16>
        %mul3A_824 = arith.mulf %bitcast3A_823, %bitcast3A_794 : vector<32xbf16>
        %get3A_825 = arith.index_cast %add3A_719 : i32 to index
        %get3A_826 = arith.constant 224 : index
        %get3A_827 = tpu.vector_load %arg10[%get3A_825, %get3A_826] {strides = array<i32>} : memref<192x384xi32, #tpu.memory_space<vmem>>, vector<16xi32>,
        %bitcast3A_828 = vector.bitcast %get3A_827 : vector<16xi32> to vector<32xbf16>
        %mul3A_829 = arith.mulf %bitcast3A_828, %bitcast3A_794 : vector<32xbf16>
        %get3A_830 = arith.index_cast %add3A_719 : i32 to index
        %get3A_831 = arith.constant 240 : index
        %get3A_832 = tpu.vector_load %arg10[%get3A_830, %get3A_831] {strides = array<i32>} : memref<192x384xi32, #tpu.memory_space<vmem>>, vector<16xi32>,
        %bitcast3A_833 = vector.bitcast %get3A_832 : vector<16xi32> to vector<32xbf16>
        %mul3A_834 = arith.mulf %bitcast3A_833, %bitcast3A_794 : vector<32xbf16>
        %add3A_835 = arith.addf %mul3A_740, %mul3A_799 : vector<32xbf16>
        %add3A_836 = arith.addf %mul3A_745, %mul3A_804 : vector<32xbf16>
        %add3A_837 = arith.addf %mul3A_750, %mul3A_809 : vector<32xbf16>
        %add3A_838 = arith.addf %mul3A_755, %mul3A_814 : vector<32xbf16>
        %add3A_839 = arith.addf %mul3A_760, %mul3A_819 : vector<32xbf16>
        %add3A_840 = arith.addf %mul3A_765, %mul3A_824 : vector<32xbf16>
        %add3A_841 = arith.addf %mul3A_770, %mul3A_829 : vector<32xbf16>
        %add3A_842 = arith.addf %mul3A_775, %mul3A_834 : vector<32xbf16>
        %add3A_843 = arith.constant 64 : i32
        %add3A_844 = arith.addi %add3A_843, %shift_left3A_716 : i32
        %get3A_845 = arith.index_cast %add3A_844 : i32 to index
        %get3A_846 = tpu.vector_load %arg9[%get3A_845] {strides = array<i32>} : memref<576xf32, #tpu.memory_space<vmem>>, vector<16xf32>,
        %broadcast_in_dim3A_847 = vector.shape_cast %broadcast_in_dim3A : vector<16xi32> to vector<16x1xi32>
        %gather3A_848 = vector.shape_cast %broadcast_in_dim3A_847 : vector<16x1xi32> to vector<16xi32>
        %gather3A_849 = tpu.dynamic_gather %get3A_846[%gather3A_848] in [0] : vector<16xf32>, vector<16xi32> -> vector<16xf32>
        %bitcast3A_850 = vector.bitcast %gather3A_849 : vector<16xf32> to vector<16xi32>
        %add3A_851 = arith.constant 32768 : i32
        %add3A_852 = vector.broadcast %add3A_851 : i32 to vector<16xi32>
        %add3A_853 = arith.addi %bitcast3A_850, %add3A_852 : vector<16xi32>
        %shift_right_arithmetic3A_854 = arith.constant 16 : i32
        %shift_right_arithmetic3A_855 = vector.broadcast %shift_right_arithmetic3A_854 : i32 to vector<16xi32>
        %shift_right_arithmetic3A_856 = arith.shrsi %add3A_853, %shift_right_arithmetic3A_855 : vector<16xi32>
        %shift_left3A_857 = arith.constant 16 : i32
        %shift_left3A_858 = vector.broadcast %shift_left3A_857 : i32 to vector<16xi32>
        %shift_left3A_859 = arith.shli %shift_right_arithmetic3A_856, %shift_left3A_858 : vector<16xi32>
        %or3A_860 = arith.ori %shift_right_arithmetic3A_856, %shift_left3A_859 : vector<16xi32>
        %bitcast3A_861 = vector.bitcast %or3A_860 : vector<16xi32> to vector<32xbf16>
        %get3A_862 = arith.index_cast %add3A_719 : i32 to index
        %get3A_863 = arith.constant 256 : index
        %get3A_864 = tpu.vector_load %arg10[%get3A_862, %get3A_863] {strides = array<i32>} : memref<192x384xi32, #tpu.memory_space<vmem>>, vector<16xi32>,
        %bitcast3A_865 = vector.bitcast %get3A_864 : vector<16xi32> to vector<32xbf16>
        %mul3A_866 = arith.mulf %bitcast3A_865, %bitcast3A_861 : vector<32xbf16>
        %get3A_867 = arith.index_cast %add3A_719 : i32 to index
        %get3A_868 = arith.constant 272 : index
        %get3A_869 = tpu.vector_load %arg10[%get3A_867, %get3A_868] {strides = array<i32>} : memref<192x384xi32, #tpu.memory_space<vmem>>, vector<16xi32>,
        %bitcast3A_870 = vector.bitcast %get3A_869 : vector<16xi32> to vector<32xbf16>
        %mul3A_871 = arith.mulf %bitcast3A_870, %bitcast3A_861 : vector<32xbf16>
        %get3A_872 = arith.index_cast %add3A_719 : i32 to index
        %get3A_873 = arith.constant 288 : index
        %get3A_874 = tpu.vector_load %arg10[%get3A_872, %get3A_873] {strides = array<i32>} : memref<192x384xi32, #tpu.memory_space<vmem>>, vector<16xi32>,
        %bitcast3A_875 = vector.bitcast %get3A_874 : vector<16xi32> to vector<32xbf16>
        %mul3A_876 = arith.mulf %bitcast3A_875, %bitcast3A_861 : vector<32xbf16>
        %get3A_877 = arith.index_cast %add3A_719 : i32 to index
        %get3A_878 = arith.constant 304 : index
        %get3A_879 = tpu.vector_load %arg10[%get3A_877, %get3A_878] {strides = array<i32>} : memref<192x384xi32, #tpu.memory_space<vmem>>, vector<16xi32>,
        %bitcast3A_880 = vector.bitcast %get3A_879 : vector<16xi32> to vector<32xbf16>
        %mul3A_881 = arith.mulf %bitcast3A_880, %bitcast3A_861 : vector<32xbf16>
        %get3A_882 = arith.index_cast %add3A_719 : i32 to index
        %get3A_883 = arith.constant 320 : index
        %get3A_884 = tpu.vector_load %arg10[%get3A_882, %get3A_883] {strides = array<i32>} : memref<192x384xi32, #tpu.memory_space<vmem>>, vector<16xi32>,
        %bitcast3A_885 = vector.bitcast %get3A_884 : vector<16xi32> to vector<32xbf16>
        %mul3A_886 = arith.mulf %bitcast3A_885, %bitcast3A_861 : vector<32xbf16>
        %get3A_887 = arith.index_cast %add3A_719 : i32 to index
        %get3A_888 = arith.constant 336 : index
        %get3A_889 = tpu.vector_load %arg10[%get3A_887, %get3A_888] {strides = array<i32>} : memref<192x384xi32, #tpu.memory_space<vmem>>, vector<16xi32>,
        %bitcast3A_890 = vector.bitcast %get3A_889 : vector<16xi32> to vector<32xbf16>
        %mul3A_891 = arith.mulf %bitcast3A_890, %bitcast3A_861 : vector<32xbf16>
        %get3A_892 = arith.index_cast %add3A_719 : i32 to index
        %get3A_893 = arith.constant 352 : index
        %get3A_894 = tpu.vector_load %arg10[%get3A_892, %get3A_893] {strides = array<i32>} : memref<192x384xi32, #tpu.memory_space<vmem>>, vector<16xi32>,
        %bitcast3A_895 = vector.bitcast %get3A_894 : vector<16xi32> to vector<32xbf16>
        %mul3A_896 = arith.mulf %bitcast3A_895, %bitcast3A_861 : vector<32xbf16>
        %get3A_897 = arith.index_cast %add3A_719 : i32 to index
        %get3A_898 = arith.constant 368 : index
        %get3A_899 = tpu.vector_load %arg10[%get3A_897, %get3A_898] {strides = array<i32>} : memref<192x384xi32, #tpu.memory_space<vmem>>, vector<16xi32>,
        %bitcast3A_900 = vector.bitcast %get3A_899 : vector<16xi32> to vector<32xbf16>
        %mul3A_901 = arith.mulf %bitcast3A_900, %bitcast3A_861 : vector<32xbf16>
        %add3A_902 = arith.addf %add3A_835, %mul3A_866 : vector<32xbf16>
        %add3A_903 = arith.addf %add3A_836, %mul3A_871 : vector<32xbf16>
        %add3A_904 = arith.addf %add3A_837, %mul3A_876 : vector<32xbf16>
        %add3A_905 = arith.addf %add3A_838, %mul3A_881 : vector<32xbf16>
        %add3A_906 = arith.addf %add3A_839, %mul3A_886 : vector<32xbf16>
        %add3A_907 = arith.addf %add3A_840, %mul3A_891 : vector<32xbf16>
        %add3A_908 = arith.addf %add3A_841, %mul3A_896 : vector<32xbf16>
        %add3A_909 = arith.addf %add3A_842, %mul3A_901 : vector<32xbf16>
        %add3A_910 = arith.constant 32 : i32
        %add3A_911 = arith.addi %add3A_910, %scan3A_714 : i32
        %add3A_912 = arith.constant 96 : i32
        %add3A_913 = arith.addi %add3A_912, %shift_left3A_716 : i32
        %get3A_914 = arith.index_cast %add3A_913 : i32 to index
        %get3A_915 = tpu.vector_load %arg9[%get3A_914] {strides = array<i32>} : memref<576xf32, #tpu.memory_space<vmem>>, vector<16xf32>,
        %broadcast_in_dim3A_916 = vector.shape_cast %broadcast_in_dim3A : vector<16xi32> to vector<16x1xi32>
        %gather3A_917 = vector.shape_cast %broadcast_in_dim3A_916 : vector<16x1xi32> to vector<16xi32>
        %gather3A_918 = tpu.dynamic_gather %get3A_915[%gather3A_917] in [0] : vector<16xf32>, vector<16xi32> -> vector<16xf32>
        %bitcast3A_919 = vector.bitcast %gather3A_918 : vector<16xf32> to vector<16xi32>
        %add3A_920 = arith.constant 32768 : i32
        %add3A_921 = vector.broadcast %add3A_920 : i32 to vector<16xi32>
        %add3A_922 = arith.addi %bitcast3A_919, %add3A_921 : vector<16xi32>
        %shift_right_arithmetic3A_923 = arith.constant 16 : i32
        %shift_right_arithmetic3A_924 = vector.broadcast %shift_right_arithmetic3A_923 : i32 to vector<16xi32>
        %shift_right_arithmetic3A_925 = arith.shrsi %add3A_922, %shift_right_arithmetic3A_924 : vector<16xi32>
        %shift_left3A_926 = arith.constant 16 : i32
        %shift_left3A_927 = vector.broadcast %shift_left3A_926 : i32 to vector<16xi32>
        %shift_left3A_928 = arith.shli %shift_right_arithmetic3A_925, %shift_left3A_927 : vector<16xi32>
        %or3A_929 = arith.ori %shift_right_arithmetic3A_925, %shift_left3A_928 : vector<16xi32>
        %bitcast3A_930 = vector.bitcast %or3A_929 : vector<16xi32> to vector<32xbf16>
        %get3A_931 = arith.index_cast %add3A_911 : i32 to index
        %get3A_932 = arith.constant 0 : index
        %get3A_933 = tpu.vector_load %arg10[%get3A_931, %get3A_932] {strides = array<i32>} : memref<192x384xi32, #tpu.memory_space<vmem>>, vector<16xi32>,
        %bitcast3A_934 = vector.bitcast %get3A_933 : vector<16xi32> to vector<32xbf16>
        %mul3A_935 = arith.mulf %bitcast3A_934, %bitcast3A_930 : vector<32xbf16>
        %get3A_936 = arith.index_cast %add3A_911 : i32 to index
        %get3A_937 = arith.constant 16 : index
        %get3A_938 = tpu.vector_load %arg10[%get3A_936, %get3A_937] {strides = array<i32>} : memref<192x384xi32, #tpu.memory_space<vmem>>, vector<16xi32>,
        %bitcast3A_939 = vector.bitcast %get3A_938 : vector<16xi32> to vector<32xbf16>
        %mul3A_940 = arith.mulf %bitcast3A_939, %bitcast3A_930 : vector<32xbf16>
        %get3A_941 = arith.index_cast %add3A_911 : i32 to index
        %get3A_942 = arith.constant 32 : index
        %get3A_943 = tpu.vector_load %arg10[%get3A_941, %get3A_942] {strides = array<i32>} : memref<192x384xi32, #tpu.memory_space<vmem>>, vector<16xi32>,
        %bitcast3A_944 = vector.bitcast %get3A_943 : vector<16xi32> to vector<32xbf16>
        %mul3A_945 = arith.mulf %bitcast3A_944, %bitcast3A_930 : vector<32xbf16>
        %get3A_946 = arith.index_cast %add3A_911 : i32 to index
        %get3A_947 = arith.constant 48 : index
        %get3A_948 = tpu.vector_load %arg10[%get3A_946, %get3A_947] {strides = array<i32>} : memref<192x384xi32, #tpu.memory_space<vmem>>, vector<16xi32>,
        %bitcast3A_949 = vector.bitcast %get3A_948 : vector<16xi32> to vector<32xbf16>
        %mul3A_950 = arith.mulf %bitcast3A_949, %bitcast3A_930 : vector<32xbf16>
        %get3A_951 = arith.index_cast %add3A_911 : i32 to index
        %get3A_952 = arith.constant 64 : index
        %get3A_953 = tpu.vector_load %arg10[%get3A_951, %get3A_952] {strides = array<i32>} : memref<192x384xi32, #tpu.memory_space<vmem>>, vector<16xi32>,
        %bitcast3A_954 = vector.bitcast %get3A_953 : vector<16xi32> to vector<32xbf16>
        %mul3A_955 = arith.mulf %bitcast3A_954, %bitcast3A_930 : vector<32xbf16>
        %get3A_956 = arith.index_cast %add3A_911 : i32 to index
        %get3A_957 = arith.constant 80 : index
        %get3A_958 = tpu.vector_load %arg10[%get3A_956, %get3A_957] {strides = array<i32>} : memref<192x384xi32, #tpu.memory_space<vmem>>, vector<16xi32>,
        %bitcast3A_959 = vector.bitcast %get3A_958 : vector<16xi32> to vector<32xbf16>
        %mul3A_960 = arith.mulf %bitcast3A_959, %bitcast3A_930 : vector<32xbf16>
        %get3A_961 = arith.index_cast %add3A_911 : i32 to index
        %get3A_962 = arith.constant 96 : index
        %get3A_963 = tpu.vector_load %arg10[%get3A_961, %get3A_962] {strides = array<i32>} : memref<192x384xi32, #tpu.memory_space<vmem>>, vector<16xi32>,
        %bitcast3A_964 = vector.bitcast %get3A_963 : vector<16xi32> to vector<32xbf16>
        %mul3A_965 = arith.mulf %bitcast3A_964, %bitcast3A_930 : vector<32xbf16>
        %get3A_966 = arith.index_cast %add3A_911 : i32 to index
        %get3A_967 = arith.constant 112 : index
        %get3A_968 = tpu.vector_load %arg10[%get3A_966, %get3A_967] {strides = array<i32>} : memref<192x384xi32, #tpu.memory_space<vmem>>, vector<16xi32>,
        %bitcast3A_969 = vector.bitcast %get3A_968 : vector<16xi32> to vector<32xbf16>
        %mul3A_970 = arith.mulf %bitcast3A_969, %bitcast3A_930 : vector<32xbf16>
        %add3A_971 = arith.addf %add3A_902, %mul3A_935 : vector<32xbf16>
        %add3A_972 = arith.addf %add3A_903, %mul3A_940 : vector<32xbf16>
        %add3A_973 = arith.addf %add3A_904, %mul3A_945 : vector<32xbf16>
        %add3A_974 = arith.addf %add3A_905, %mul3A_950 : vector<32xbf16>
        %add3A_975 = arith.addf %add3A_906, %mul3A_955 : vector<32xbf16>
        %add3A_976 = arith.addf %add3A_907, %mul3A_960 : vector<32xbf16>
        %add3A_977 = arith.addf %add3A_908, %mul3A_965 : vector<32xbf16>
        %add3A_978 = arith.addf %add3A_909, %mul3A_970 : vector<32xbf16>
        %add3A_979 = arith.constant 128 : i32
        %add3A_980 = arith.addi %add3A_979, %shift_left3A_716 : i32
        %get3A_981 = arith.index_cast %add3A_980 : i32 to index
        %get3A_982 = tpu.vector_load %arg9[%get3A_981] {strides = array<i32>} : memref<576xf32, #tpu.memory_space<vmem>>, vector<16xf32>,
        %broadcast_in_dim3A_983 = vector.shape_cast %broadcast_in_dim3A : vector<16xi32> to vector<16x1xi32>
        %gather3A_984 = vector.shape_cast %broadcast_in_dim3A_983 : vector<16x1xi32> to vector<16xi32>
        %gather3A_985 = tpu.dynamic_gather %get3A_982[%gather3A_984] in [0] : vector<16xf32>, vector<16xi32> -> vector<16xf32>
        %bitcast3A_986 = vector.bitcast %gather3A_985 : vector<16xf32> to vector<16xi32>
        %add3A_987 = arith.constant 32768 : i32
        %add3A_988 = vector.broadcast %add3A_987 : i32 to vector<16xi32>
        %add3A_989 = arith.addi %bitcast3A_986, %add3A_988 : vector<16xi32>
        %shift_right_arithmetic3A_990 = arith.constant 16 : i32
        %shift_right_arithmetic3A_991 = vector.broadcast %shift_right_arithmetic3A_990 : i32 to vector<16xi32>
        %shift_right_arithmetic3A_992 = arith.shrsi %add3A_989, %shift_right_arithmetic3A_991 : vector<16xi32>
        %shift_left3A_993 = arith.constant 16 : i32
        %shift_left3A_994 = vector.broadcast %shift_left3A_993 : i32 to vector<16xi32>
        %shift_left3A_995 = arith.shli %shift_right_arithmetic3A_992, %shift_left3A_994 : vector<16xi32>
        %or3A_996 = arith.ori %shift_right_arithmetic3A_992, %shift_left3A_995 : vector<16xi32>
        %bitcast3A_997 = vector.bitcast %or3A_996 : vector<16xi32> to vector<32xbf16>
        %get3A_998 = arith.index_cast %add3A_911 : i32 to index
        %get3A_999 = arith.constant 128 : index
        %get3A_1000 = tpu.vector_load %arg10[%get3A_998, %get3A_999] {strides = array<i32>} : memref<192x384xi32, #tpu.memory_space<vmem>>, vector<16xi32>,
        %bitcast3A_1001 = vector.bitcast %get3A_1000 : vector<16xi32> to vector<32xbf16>
        %mul3A_1002 = arith.mulf %bitcast3A_1001, %bitcast3A_997 : vector<32xbf16>
        %get3A_1003 = arith.index_cast %add3A_911 : i32 to index
        %get3A_1004 = arith.constant 144 : index
        %get3A_1005 = tpu.vector_load %arg10[%get3A_1003, %get3A_1004] {strides = array<i32>} : memref<192x384xi32, #tpu.memory_space<vmem>>, vector<16xi32>,
        %bitcast3A_1006 = vector.bitcast %get3A_1005 : vector<16xi32> to vector<32xbf16>
        %mul3A_1007 = arith.mulf %bitcast3A_1006, %bitcast3A_997 : vector<32xbf16>
        %get3A_1008 = arith.index_cast %add3A_911 : i32 to index
        %get3A_1009 = arith.constant 160 : index
        %get3A_1010 = tpu.vector_load %arg10[%get3A_1008, %get3A_1009] {strides = array<i32>} : memref<192x384xi32, #tpu.memory_space<vmem>>, vector<16xi32>,
        %bitcast3A_1011 = vector.bitcast %get3A_1010 : vector<16xi32> to vector<32xbf16>
        %mul3A_1012 = arith.mulf %bitcast3A_1011, %bitcast3A_997 : vector<32xbf16>
        %get3A_1013 = arith.index_cast %add3A_911 : i32 to index
        %get3A_1014 = arith.constant 176 : index
        %get3A_1015 = tpu.vector_load %arg10[%get3A_1013, %get3A_1014] {strides = array<i32>} : memref<192x384xi32, #tpu.memory_space<vmem>>, vector<16xi32>,
        %bitcast3A_1016 = vector.bitcast %get3A_1015 : vector<16xi32> to vector<32xbf16>
        %mul3A_1017 = arith.mulf %bitcast3A_1016, %bitcast3A_997 : vector<32xbf16>
        %get3A_1018 = arith.index_cast %add3A_911 : i32 to index
        %get3A_1019 = arith.constant 192 : index
        %get3A_1020 = tpu.vector_load %arg10[%get3A_1018, %get3A_1019] {strides = array<i32>} : memref<192x384xi32, #tpu.memory_space<vmem>>, vector<16xi32>,
        %bitcast3A_1021 = vector.bitcast %get3A_1020 : vector<16xi32> to vector<32xbf16>
        %mul3A_1022 = arith.mulf %bitcast3A_1021, %bitcast3A_997 : vector<32xbf16>
        %get3A_1023 = arith.index_cast %add3A_911 : i32 to index
        %get3A_1024 = arith.constant 208 : index
        %get3A_1025 = tpu.vector_load %arg10[%get3A_1023, %get3A_1024] {strides = array<i32>} : memref<192x384xi32, #tpu.memory_space<vmem>>, vector<16xi32>,
        %bitcast3A_1026 = vector.bitcast %get3A_1025 : vector<16xi32> to vector<32xbf16>
        %mul3A_1027 = arith.mulf %bitcast3A_1026, %bitcast3A_997 : vector<32xbf16>
        %get3A_1028 = arith.index_cast %add3A_911 : i32 to index
        %get3A_1029 = arith.constant 224 : index
        %get3A_1030 = tpu.vector_load %arg10[%get3A_1028, %get3A_1029] {strides = array<i32>} : memref<192x384xi32, #tpu.memory_space<vmem>>, vector<16xi32>,
        %bitcast3A_1031 = vector.bitcast %get3A_1030 : vector<16xi32> to vector<32xbf16>
        %mul3A_1032 = arith.mulf %bitcast3A_1031, %bitcast3A_997 : vector<32xbf16>
        %get3A_1033 = arith.index_cast %add3A_911 : i32 to index
        %get3A_1034 = arith.constant 240 : index
        %get3A_1035 = tpu.vector_load %arg10[%get3A_1033, %get3A_1034] {strides = array<i32>} : memref<192x384xi32, #tpu.memory_space<vmem>>, vector<16xi32>,
        %bitcast3A_1036 = vector.bitcast %get3A_1035 : vector<16xi32> to vector<32xbf16>
        %mul3A_1037 = arith.mulf %bitcast3A_1036, %bitcast3A_997 : vector<32xbf16>
        %add3A_1038 = arith.addf %add3A_971, %mul3A_1002 : vector<32xbf16>
        %add3A_1039 = arith.addf %add3A_972, %mul3A_1007 : vector<32xbf16>
        %add3A_1040 = arith.addf %add3A_973, %mul3A_1012 : vector<32xbf16>
        %add3A_1041 = arith.addf %add3A_974, %mul3A_1017 : vector<32xbf16>
        %add3A_1042 = arith.addf %add3A_975, %mul3A_1022 : vector<32xbf16>
        %add3A_1043 = arith.addf %add3A_976, %mul3A_1027 : vector<32xbf16>
        %add3A_1044 = arith.addf %add3A_977, %mul3A_1032 : vector<32xbf16>
        %add3A_1045 = arith.addf %add3A_978, %mul3A_1037 : vector<32xbf16>
        %add3A_1046 = arith.constant 160 : i32
        %add3A_1047 = arith.addi %add3A_1046, %shift_left3A_716 : i32
        %get3A_1048 = arith.index_cast %add3A_1047 : i32 to index
        %get3A_1049 = tpu.vector_load %arg9[%get3A_1048] {strides = array<i32>} : memref<576xf32, #tpu.memory_space<vmem>>, vector<16xf32>,
        %broadcast_in_dim3A_1050 = vector.shape_cast %broadcast_in_dim3A : vector<16xi32> to vector<16x1xi32>
        %gather3A_1051 = vector.shape_cast %broadcast_in_dim3A_1050 : vector<16x1xi32> to vector<16xi32>
        %gather3A_1052 = tpu.dynamic_gather %get3A_1049[%gather3A_1051] in [0] : vector<16xf32>, vector<16xi32> -> vector<16xf32>
        %bitcast3A_1053 = vector.bitcast %gather3A_1052 : vector<16xf32> to vector<16xi32>
        %add3A_1054 = arith.constant 32768 : i32
        %add3A_1055 = vector.broadcast %add3A_1054 : i32 to vector<16xi32>
        %add3A_1056 = arith.addi %bitcast3A_1053, %add3A_1055 : vector<16xi32>
        %shift_right_arithmetic3A_1057 = arith.constant 16 : i32
        %shift_right_arithmetic3A_1058 = vector.broadcast %shift_right_arithmetic3A_1057 : i32 to vector<16xi32>
        %shift_right_arithmetic3A_1059 = arith.shrsi %add3A_1056, %shift_right_arithmetic3A_1058 : vector<16xi32>
        %shift_left3A_1060 = arith.constant 16 : i32
        %shift_left3A_1061 = vector.broadcast %shift_left3A_1060 : i32 to vector<16xi32>
        %shift_left3A_1062 = arith.shli %shift_right_arithmetic3A_1059, %shift_left3A_1061 : vector<16xi32>
        %or3A_1063 = arith.ori %shift_right_arithmetic3A_1059, %shift_left3A_1062 : vector<16xi32>
        %bitcast3A_1064 = vector.bitcast %or3A_1063 : vector<16xi32> to vector<32xbf16>
        %get3A_1065 = arith.index_cast %add3A_911 : i32 to index
        %get3A_1066 = arith.constant 256 : index
        %get3A_1067 = tpu.vector_load %arg10[%get3A_1065, %get3A_1066] {strides = array<i32>} : memref<192x384xi32, #tpu.memory_space<vmem>>, vector<16xi32>,
        %bitcast3A_1068 = vector.bitcast %get3A_1067 : vector<16xi32> to vector<32xbf16>
        %mul3A_1069 = arith.mulf %bitcast3A_1068, %bitcast3A_1064 : vector<32xbf16>
        %get3A_1070 = arith.index_cast %add3A_911 : i32 to index
        %get3A_1071 = arith.constant 272 : index
        %get3A_1072 = tpu.vector_load %arg10[%get3A_1070, %get3A_1071] {strides = array<i32>} : memref<192x384xi32, #tpu.memory_space<vmem>>, vector<16xi32>,
        %bitcast3A_1073 = vector.bitcast %get3A_1072 : vector<16xi32> to vector<32xbf16>
        %mul3A_1074 = arith.mulf %bitcast3A_1073, %bitcast3A_1064 : vector<32xbf16>
        %get3A_1075 = arith.index_cast %add3A_911 : i32 to index
        %get3A_1076 = arith.constant 288 : index
        %get3A_1077 = tpu.vector_load %arg10[%get3A_1075, %get3A_1076] {strides = array<i32>} : memref<192x384xi32, #tpu.memory_space<vmem>>, vector<16xi32>,
        %bitcast3A_1078 = vector.bitcast %get3A_1077 : vector<16xi32> to vector<32xbf16>
        %mul3A_1079 = arith.mulf %bitcast3A_1078, %bitcast3A_1064 : vector<32xbf16>
        %get3A_1080 = arith.index_cast %add3A_911 : i32 to index
        %get3A_1081 = arith.constant 304 : index
        %get3A_1082 = tpu.vector_load %arg10[%get3A_1080, %get3A_1081] {strides = array<i32>} : memref<192x384xi32, #tpu.memory_space<vmem>>, vector<16xi32>,
        %bitcast3A_1083 = vector.bitcast %get3A_1082 : vector<16xi32> to vector<32xbf16>
        %mul3A_1084 = arith.mulf %bitcast3A_1083, %bitcast3A_1064 : vector<32xbf16>
        %get3A_1085 = arith.index_cast %add3A_911 : i32 to index
        %get3A_1086 = arith.constant 320 : index
        %get3A_1087 = tpu.vector_load %arg10[%get3A_1085, %get3A_1086] {strides = array<i32>} : memref<192x384xi32, #tpu.memory_space<vmem>>, vector<16xi32>,
        %bitcast3A_1088 = vector.bitcast %get3A_1087 : vector<16xi32> to vector<32xbf16>
        %mul3A_1089 = arith.mulf %bitcast3A_1088, %bitcast3A_1064 : vector<32xbf16>
        %get3A_1090 = arith.index_cast %add3A_911 : i32 to index
        %get3A_1091 = arith.constant 336 : index
        %get3A_1092 = tpu.vector_load %arg10[%get3A_1090, %get3A_1091] {strides = array<i32>} : memref<192x384xi32, #tpu.memory_space<vmem>>, vector<16xi32>,
        %bitcast3A_1093 = vector.bitcast %get3A_1092 : vector<16xi32> to vector<32xbf16>
        %mul3A_1094 = arith.mulf %bitcast3A_1093, %bitcast3A_1064 : vector<32xbf16>
        %get3A_1095 = arith.index_cast %add3A_911 : i32 to index
        %get3A_1096 = arith.constant 352 : index
        %get3A_1097 = tpu.vector_load %arg10[%get3A_1095, %get3A_1096] {strides = array<i32>} : memref<192x384xi32, #tpu.memory_space<vmem>>, vector<16xi32>,
        %bitcast3A_1098 = vector.bitcast %get3A_1097 : vector<16xi32> to vector<32xbf16>
        %mul3A_1099 = arith.mulf %bitcast3A_1098, %bitcast3A_1064 : vector<32xbf16>
        %get3A_1100 = arith.index_cast %add3A_911 : i32 to index
        %get3A_1101 = arith.constant 368 : index
        %get3A_1102 = tpu.vector_load %arg10[%get3A_1100, %get3A_1101] {strides = array<i32>} : memref<192x384xi32, #tpu.memory_space<vmem>>, vector<16xi32>,
        %bitcast3A_1103 = vector.bitcast %get3A_1102 : vector<16xi32> to vector<32xbf16>
        %mul3A_1104 = arith.mulf %bitcast3A_1103, %bitcast3A_1064 : vector<32xbf16>
        %add3A_1105 = arith.addf %add3A_1038, %mul3A_1069 : vector<32xbf16>
        %add3A_1106 = arith.addf %add3A_1039, %mul3A_1074 : vector<32xbf16>
        %add3A_1107 = arith.addf %add3A_1040, %mul3A_1079 : vector<32xbf16>
        %add3A_1108 = arith.addf %add3A_1041, %mul3A_1084 : vector<32xbf16>
        %add3A_1109 = arith.addf %add3A_1042, %mul3A_1089 : vector<32xbf16>
        %add3A_1110 = arith.addf %add3A_1043, %mul3A_1094 : vector<32xbf16>
        %add3A_1111 = arith.addf %add3A_1044, %mul3A_1099 : vector<32xbf16>
        %add3A_1112 = arith.addf %add3A_1045, %mul3A_1104 : vector<32xbf16>
        %add3A_1113 = arith.constant 64 : i32
        %add3A_1114 = arith.addi %add3A_1113, %scan3A_714 : i32
        %add3A_1115 = arith.constant 192 : i32
        %add3A_1116 = arith.addi %add3A_1115, %shift_left3A_716 : i32
        %get3A_1117 = arith.index_cast %add3A_1116 : i32 to index
        %get3A_1118 = tpu.vector_load %arg9[%get3A_1117] {strides = array<i32>} : memref<576xf32, #tpu.memory_space<vmem>>, vector<16xf32>,
        %broadcast_in_dim3A_1119 = vector.shape_cast %broadcast_in_dim3A : vector<16xi32> to vector<16x1xi32>
        %gather3A_1120 = vector.shape_cast %broadcast_in_dim3A_1119 : vector<16x1xi32> to vector<16xi32>
        %gather3A_1121 = tpu.dynamic_gather %get3A_1118[%gather3A_1120] in [0] : vector<16xf32>, vector<16xi32> -> vector<16xf32>
        %bitcast3A_1122 = vector.bitcast %gather3A_1121 : vector<16xf32> to vector<16xi32>
        %add3A_1123 = arith.constant 32768 : i32
        %add3A_1124 = vector.broadcast %add3A_1123 : i32 to vector<16xi32>
        %add3A_1125 = arith.addi %bitcast3A_1122, %add3A_1124 : vector<16xi32>
        %shift_right_arithmetic3A_1126 = arith.constant 16 : i32
        %shift_right_arithmetic3A_1127 = vector.broadcast %shift_right_arithmetic3A_1126 : i32 to vector<16xi32>
        %shift_right_arithmetic3A_1128 = arith.shrsi %add3A_1125, %shift_right_arithmetic3A_1127 : vector<16xi32>
        %shift_left3A_1129 = arith.constant 16 : i32
        %shift_left3A_1130 = vector.broadcast %shift_left3A_1129 : i32 to vector<16xi32>
        %shift_left3A_1131 = arith.shli %shift_right_arithmetic3A_1128, %shift_left3A_1130 : vector<16xi32>
        %or3A_1132 = arith.ori %shift_right_arithmetic3A_1128, %shift_left3A_1131 : vector<16xi32>
        %bitcast3A_1133 = vector.bitcast %or3A_1132 : vector<16xi32> to vector<32xbf16>
        %get3A_1134 = arith.index_cast %add3A_1114 : i32 to index
        %get3A_1135 = arith.constant 0 : index
        %get3A_1136 = tpu.vector_load %arg10[%get3A_1134, %get3A_1135] {strides = array<i32>} : memref<192x384xi32, #tpu.memory_space<vmem>>, vector<16xi32>,
        %bitcast3A_1137 = vector.bitcast %get3A_1136 : vector<16xi32> to vector<32xbf16>
        %mul3A_1138 = arith.mulf %bitcast3A_1137, %bitcast3A_1133 : vector<32xbf16>
        %get3A_1139 = arith.index_cast %add3A_1114 : i32 to index
        %get3A_1140 = arith.constant 16 : index
        %get3A_1141 = tpu.vector_load %arg10[%get3A_1139, %get3A_1140] {strides = array<i32>} : memref<192x384xi32, #tpu.memory_space<vmem>>, vector<16xi32>,
        %bitcast3A_1142 = vector.bitcast %get3A_1141 : vector<16xi32> to vector<32xbf16>
        %mul3A_1143 = arith.mulf %bitcast3A_1142, %bitcast3A_1133 : vector<32xbf16>
        %get3A_1144 = arith.index_cast %add3A_1114 : i32 to index
        %get3A_1145 = arith.constant 32 : index
        %get3A_1146 = tpu.vector_load %arg10[%get3A_1144, %get3A_1145] {strides = array<i32>} : memref<192x384xi32, #tpu.memory_space<vmem>>, vector<16xi32>,
        %bitcast3A_1147 = vector.bitcast %get3A_1146 : vector<16xi32> to vector<32xbf16>
        %mul3A_1148 = arith.mulf %bitcast3A_1147, %bitcast3A_1133 : vector<32xbf16>
        %get3A_1149 = arith.index_cast %add3A_1114 : i32 to index
        %get3A_1150 = arith.constant 48 : index
        %get3A_1151 = tpu.vector_load %arg10[%get3A_1149, %get3A_1150] {strides = array<i32>} : memref<192x384xi32, #tpu.memory_space<vmem>>, vector<16xi32>,
        %bitcast3A_1152 = vector.bitcast %get3A_1151 : vector<16xi32> to vector<32xbf16>
        %mul3A_1153 = arith.mulf %bitcast3A_1152, %bitcast3A_1133 : vector<32xbf16>
        %get3A_1154 = arith.index_cast %add3A_1114 : i32 to index
        %get3A_1155 = arith.constant 64 : index
        %get3A_1156 = tpu.vector_load %arg10[%get3A_1154, %get3A_1155] {strides = array<i32>} : memref<192x384xi32, #tpu.memory_space<vmem>>, vector<16xi32>,
        %bitcast3A_1157 = vector.bitcast %get3A_1156 : vector<16xi32> to vector<32xbf16>
        %mul3A_1158 = arith.mulf %bitcast3A_1157, %bitcast3A_1133 : vector<32xbf16>
        %get3A_1159 = arith.index_cast %add3A_1114 : i32 to index
        %get3A_1160 = arith.constant 80 : index
        %get3A_1161 = tpu.vector_load %arg10[%get3A_1159, %get3A_1160] {strides = array<i32>} : memref<192x384xi32, #tpu.memory_space<vmem>>, vector<16xi32>,
        %bitcast3A_1162 = vector.bitcast %get3A_1161 : vector<16xi32> to vector<32xbf16>
        %mul3A_1163 = arith.mulf %bitcast3A_1162, %bitcast3A_1133 : vector<32xbf16>
        %get3A_1164 = arith.index_cast %add3A_1114 : i32 to index
        %get3A_1165 = arith.constant 96 : index
        %get3A_1166 = tpu.vector_load %arg10[%get3A_1164, %get3A_1165] {strides = array<i32>} : memref<192x384xi32, #tpu.memory_space<vmem>>, vector<16xi32>,
        %bitcast3A_1167 = vector.bitcast %get3A_1166 : vector<16xi32> to vector<32xbf16>
        %mul3A_1168 = arith.mulf %bitcast3A_1167, %bitcast3A_1133 : vector<32xbf16>
        %get3A_1169 = arith.index_cast %add3A_1114 : i32 to index
        %get3A_1170 = arith.constant 112 : index
        %get3A_1171 = tpu.vector_load %arg10[%get3A_1169, %get3A_1170] {strides = array<i32>} : memref<192x384xi32, #tpu.memory_space<vmem>>, vector<16xi32>,
        %bitcast3A_1172 = vector.bitcast %get3A_1171 : vector<16xi32> to vector<32xbf16>
        %mul3A_1173 = arith.mulf %bitcast3A_1172, %bitcast3A_1133 : vector<32xbf16>
        %add3A_1174 = arith.addf %add3A_1105, %mul3A_1138 : vector<32xbf16>
        %add3A_1175 = arith.addf %add3A_1106, %mul3A_1143 : vector<32xbf16>
        %add3A_1176 = arith.addf %add3A_1107, %mul3A_1148 : vector<32xbf16>
        %add3A_1177 = arith.addf %add3A_1108, %mul3A_1153 : vector<32xbf16>
        %add3A_1178 = arith.addf %add3A_1109, %mul3A_1158 : vector<32xbf16>
        %add3A_1179 = arith.addf %add3A_1110, %mul3A_1163 : vector<32xbf16>
        %add3A_1180 = arith.addf %add3A_1111, %mul3A_1168 : vector<32xbf16>
        %add3A_1181 = arith.addf %add3A_1112, %mul3A_1173 : vector<32xbf16>
        %add3A_1182 = arith.constant 224 : i32
        %add3A_1183 = arith.addi %add3A_1182, %shift_left3A_716 : i32
        %get3A_1184 = arith.index_cast %add3A_1183 : i32 to index
        %get3A_1185 = tpu.vector_load %arg9[%get3A_1184] {strides = array<i32>} : memref<576xf32, #tpu.memory_space<vmem>>, vector<16xf32>,
        %broadcast_in_dim3A_1186 = vector.shape_cast %broadcast_in_dim3A : vector<16xi32> to vector<16x1xi32>
        %gather3A_1187 = vector.shape_cast %broadcast_in_dim3A_1186 : vector<16x1xi32> to vector<16xi32>
        %gather3A_1188 = tpu.dynamic_gather %get3A_1185[%gather3A_1187] in [0] : vector<16xf32>, vector<16xi32> -> vector<16xf32>
        %bitcast3A_1189 = vector.bitcast %gather3A_1188 : vector<16xf32> to vector<16xi32>
        %add3A_1190 = arith.constant 32768 : i32
        %add3A_1191 = vector.broadcast %add3A_1190 : i32 to vector<16xi32>
        %add3A_1192 = arith.addi %bitcast3A_1189, %add3A_1191 : vector<16xi32>
        %shift_right_arithmetic3A_1193 = arith.constant 16 : i32
        %shift_right_arithmetic3A_1194 = vector.broadcast %shift_right_arithmetic3A_1193 : i32 to vector<16xi32>
        %shift_right_arithmetic3A_1195 = arith.shrsi %add3A_1192, %shift_right_arithmetic3A_1194 : vector<16xi32>
        %shift_left3A_1196 = arith.constant 16 : i32
        %shift_left3A_1197 = vector.broadcast %shift_left3A_1196 : i32 to vector<16xi32>
        %shift_left3A_1198 = arith.shli %shift_right_arithmetic3A_1195, %shift_left3A_1197 : vector<16xi32>
        %or3A_1199 = arith.ori %shift_right_arithmetic3A_1195, %shift_left3A_1198 : vector<16xi32>
        %bitcast3A_1200 = vector.bitcast %or3A_1199 : vector<16xi32> to vector<32xbf16>
        %get3A_1201 = arith.index_cast %add3A_1114 : i32 to index
        %get3A_1202 = arith.constant 128 : index
        %get3A_1203 = tpu.vector_load %arg10[%get3A_1201, %get3A_1202] {strides = array<i32>} : memref<192x384xi32, #tpu.memory_space<vmem>>, vector<16xi32>,
        %bitcast3A_1204 = vector.bitcast %get3A_1203 : vector<16xi32> to vector<32xbf16>
        %mul3A_1205 = arith.mulf %bitcast3A_1204, %bitcast3A_1200 : vector<32xbf16>
        %get3A_1206 = arith.index_cast %add3A_1114 : i32 to index
        %get3A_1207 = arith.constant 144 : index
        %get3A_1208 = tpu.vector_load %arg10[%get3A_1206, %get3A_1207] {strides = array<i32>} : memref<192x384xi32, #tpu.memory_space<vmem>>, vector<16xi32>,
        %bitcast3A_1209 = vector.bitcast %get3A_1208 : vector<16xi32> to vector<32xbf16>
        %mul3A_1210 = arith.mulf %bitcast3A_1209, %bitcast3A_1200 : vector<32xbf16>
        %get3A_1211 = arith.index_cast %add3A_1114 : i32 to index
        %get3A_1212 = arith.constant 160 : index
        %get3A_1213 = tpu.vector_load %arg10[%get3A_1211, %get3A_1212] {strides = array<i32>} : memref<192x384xi32, #tpu.memory_space<vmem>>, vector<16xi32>,
        %bitcast3A_1214 = vector.bitcast %get3A_1213 : vector<16xi32> to vector<32xbf16>
        %mul3A_1215 = arith.mulf %bitcast3A_1214, %bitcast3A_1200 : vector<32xbf16>
        %get3A_1216 = arith.index_cast %add3A_1114 : i32 to index
        %get3A_1217 = arith.constant 176 : index
        %get3A_1218 = tpu.vector_load %arg10[%get3A_1216, %get3A_1217] {strides = array<i32>} : memref<192x384xi32, #tpu.memory_space<vmem>>, vector<16xi32>,
        %bitcast3A_1219 = vector.bitcast %get3A_1218 : vector<16xi32> to vector<32xbf16>
        %mul3A_1220 = arith.mulf %bitcast3A_1219, %bitcast3A_1200 : vector<32xbf16>
        %get3A_1221 = arith.index_cast %add3A_1114 : i32 to index
        %get3A_1222 = arith.constant 192 : index
        %get3A_1223 = tpu.vector_load %arg10[%get3A_1221, %get3A_1222] {strides = array<i32>} : memref<192x384xi32, #tpu.memory_space<vmem>>, vector<16xi32>,
        %bitcast3A_1224 = vector.bitcast %get3A_1223 : vector<16xi32> to vector<32xbf16>
        %mul3A_1225 = arith.mulf %bitcast3A_1224, %bitcast3A_1200 : vector<32xbf16>
        %get3A_1226 = arith.index_cast %add3A_1114 : i32 to index
        %get3A_1227 = arith.constant 208 : index
        %get3A_1228 = tpu.vector_load %arg10[%get3A_1226, %get3A_1227] {strides = array<i32>} : memref<192x384xi32, #tpu.memory_space<vmem>>, vector<16xi32>,
        %bitcast3A_1229 = vector.bitcast %get3A_1228 : vector<16xi32> to vector<32xbf16>
        %mul3A_1230 = arith.mulf %bitcast3A_1229, %bitcast3A_1200 : vector<32xbf16>
        %get3A_1231 = arith.index_cast %add3A_1114 : i32 to index
        %get3A_1232 = arith.constant 224 : index
        %get3A_1233 = tpu.vector_load %arg10[%get3A_1231, %get3A_1232] {strides = array<i32>} : memref<192x384xi32, #tpu.memory_space<vmem>>, vector<16xi32>,
        %bitcast3A_1234 = vector.bitcast %get3A_1233 : vector<16xi32> to vector<32xbf16>
        %mul3A_1235 = arith.mulf %bitcast3A_1234, %bitcast3A_1200 : vector<32xbf16>
        %get3A_1236 = arith.index_cast %add3A_1114 : i32 to index
        %get3A_1237 = arith.constant 240 : index
        %get3A_1238 = tpu.vector_load %arg10[%get3A_1236, %get3A_1237] {strides = array<i32>} : memref<192x384xi32, #tpu.memory_space<vmem>>, vector<16xi32>,
        %bitcast3A_1239 = vector.bitcast %get3A_1238 : vector<16xi32> to vector<32xbf16>
        %mul3A_1240 = arith.mulf %bitcast3A_1239, %bitcast3A_1200 : vector<32xbf16>
        %add3A_1241 = arith.addf %add3A_1174, %mul3A_1205 : vector<32xbf16>
        %add3A_1242 = arith.addf %add3A_1175, %mul3A_1210 : vector<32xbf16>
        %add3A_1243 = arith.addf %add3A_1176, %mul3A_1215 : vector<32xbf16>
        %add3A_1244 = arith.addf %add3A_1177, %mul3A_1220 : vector<32xbf16>
        %add3A_1245 = arith.addf %add3A_1178, %mul3A_1225 : vector<32xbf16>
        %add3A_1246 = arith.addf %add3A_1179, %mul3A_1230 : vector<32xbf16>
        %add3A_1247 = arith.addf %add3A_1180, %mul3A_1235 : vector<32xbf16>
        %add3A_1248 = arith.addf %add3A_1181, %mul3A_1240 : vector<32xbf16>
        %add3A_1249 = arith.constant 256 : i32
        %add3A_1250 = arith.addi %add3A_1249, %shift_left3A_716 : i32
        %get3A_1251 = arith.index_cast %add3A_1250 : i32 to index
        %get3A_1252 = tpu.vector_load %arg9[%get3A_1251] {strides = array<i32>} : memref<576xf32, #tpu.memory_space<vmem>>, vector<16xf32>,
        %broadcast_in_dim3A_1253 = vector.shape_cast %broadcast_in_dim3A : vector<16xi32> to vector<16x1xi32>
        %gather3A_1254 = vector.shape_cast %broadcast_in_dim3A_1253 : vector<16x1xi32> to vector<16xi32>
        %gather3A_1255 = tpu.dynamic_gather %get3A_1252[%gather3A_1254] in [0] : vector<16xf32>, vector<16xi32> -> vector<16xf32>
        %bitcast3A_1256 = vector.bitcast %gather3A_1255 : vector<16xf32> to vector<16xi32>
        %add3A_1257 = arith.constant 32768 : i32
        %add3A_1258 = vector.broadcast %add3A_1257 : i32 to vector<16xi32>
        %add3A_1259 = arith.addi %bitcast3A_1256, %add3A_1258 : vector<16xi32>
        %shift_right_arithmetic3A_1260 = arith.constant 16 : i32
        %shift_right_arithmetic3A_1261 = vector.broadcast %shift_right_arithmetic3A_1260 : i32 to vector<16xi32>
        %shift_right_arithmetic3A_1262 = arith.shrsi %add3A_1259, %shift_right_arithmetic3A_1261 : vector<16xi32>
        %shift_left3A_1263 = arith.constant 16 : i32
        %shift_left3A_1264 = vector.broadcast %shift_left3A_1263 : i32 to vector<16xi32>
        %shift_left3A_1265 = arith.shli %shift_right_arithmetic3A_1262, %shift_left3A_1264 : vector<16xi32>
        %or3A_1266 = arith.ori %shift_right_arithmetic3A_1262, %shift_left3A_1265 : vector<16xi32>
        %bitcast3A_1267 = vector.bitcast %or3A_1266 : vector<16xi32> to vector<32xbf16>
        %get3A_1268 = arith.index_cast %add3A_1114 : i32 to index
        %get3A_1269 = arith.constant 256 : index
        %get3A_1270 = tpu.vector_load %arg10[%get3A_1268, %get3A_1269] {strides = array<i32>} : memref<192x384xi32, #tpu.memory_space<vmem>>, vector<16xi32>,
        %bitcast3A_1271 = vector.bitcast %get3A_1270 : vector<16xi32> to vector<32xbf16>
        %mul3A_1272 = arith.mulf %bitcast3A_1271, %bitcast3A_1267 : vector<32xbf16>
        %get3A_1273 = arith.index_cast %add3A_1114 : i32 to index
        %get3A_1274 = arith.constant 272 : index
        %get3A_1275 = tpu.vector_load %arg10[%get3A_1273, %get3A_1274] {strides = array<i32>} : memref<192x384xi32, #tpu.memory_space<vmem>>, vector<16xi32>,
        %bitcast3A_1276 = vector.bitcast %get3A_1275 : vector<16xi32> to vector<32xbf16>
        %mul3A_1277 = arith.mulf %bitcast3A_1276, %bitcast3A_1267 : vector<32xbf16>
        %get3A_1278 = arith.index_cast %add3A_1114 : i32 to index
        %get3A_1279 = arith.constant 288 : index
        %get3A_1280 = tpu.vector_load %arg10[%get3A_1278, %get3A_1279] {strides = array<i32>} : memref<192x384xi32, #tpu.memory_space<vmem>>, vector<16xi32>,
        %bitcast3A_1281 = vector.bitcast %get3A_1280 : vector<16xi32> to vector<32xbf16>
        %mul3A_1282 = arith.mulf %bitcast3A_1281, %bitcast3A_1267 : vector<32xbf16>
        %get3A_1283 = arith.index_cast %add3A_1114 : i32 to index
        %get3A_1284 = arith.constant 304 : index
        %get3A_1285 = tpu.vector_load %arg10[%get3A_1283, %get3A_1284] {strides = array<i32>} : memref<192x384xi32, #tpu.memory_space<vmem>>, vector<16xi32>,
        %bitcast3A_1286 = vector.bitcast %get3A_1285 : vector<16xi32> to vector<32xbf16>
        %mul3A_1287 = arith.mulf %bitcast3A_1286, %bitcast3A_1267 : vector<32xbf16>
        %get3A_1288 = arith.index_cast %add3A_1114 : i32 to index
        %get3A_1289 = arith.constant 320 : index
        %get3A_1290 = tpu.vector_load %arg10[%get3A_1288, %get3A_1289] {strides = array<i32>} : memref<192x384xi32, #tpu.memory_space<vmem>>, vector<16xi32>,
        %bitcast3A_1291 = vector.bitcast %get3A_1290 : vector<16xi32> to vector<32xbf16>
        %mul3A_1292 = arith.mulf %bitcast3A_1291, %bitcast3A_1267 : vector<32xbf16>
        %get3A_1293 = arith.index_cast %add3A_1114 : i32 to index
        %get3A_1294 = arith.constant 336 : index
        %get3A_1295 = tpu.vector_load %arg10[%get3A_1293, %get3A_1294] {strides = array<i32>} : memref<192x384xi32, #tpu.memory_space<vmem>>, vector<16xi32>,
        %bitcast3A_1296 = vector.bitcast %get3A_1295 : vector<16xi32> to vector<32xbf16>
        %mul3A_1297 = arith.mulf %bitcast3A_1296, %bitcast3A_1267 : vector<32xbf16>
        %get3A_1298 = arith.index_cast %add3A_1114 : i32 to index
        %get3A_1299 = arith.constant 352 : index
        %get3A_1300 = tpu.vector_load %arg10[%get3A_1298, %get3A_1299] {strides = array<i32>} : memref<192x384xi32, #tpu.memory_space<vmem>>, vector<16xi32>,
        %bitcast3A_1301 = vector.bitcast %get3A_1300 : vector<16xi32> to vector<32xbf16>
        %mul3A_1302 = arith.mulf %bitcast3A_1301, %bitcast3A_1267 : vector<32xbf16>
        %get3A_1303 = arith.index_cast %add3A_1114 : i32 to index
        %get3A_1304 = arith.constant 368 : index
        %get3A_1305 = tpu.vector_load %arg10[%get3A_1303, %get3A_1304] {strides = array<i32>} : memref<192x384xi32, #tpu.memory_space<vmem>>, vector<16xi32>,
        %bitcast3A_1306 = vector.bitcast %get3A_1305 : vector<16xi32> to vector<32xbf16>
        %mul3A_1307 = arith.mulf %bitcast3A_1306, %bitcast3A_1267 : vector<32xbf16>
        %add3A_1308 = arith.addf %add3A_1241, %mul3A_1272 : vector<32xbf16>
        %add3A_1309 = arith.addf %add3A_1242, %mul3A_1277 : vector<32xbf16>
        %add3A_1310 = arith.addf %add3A_1243, %mul3A_1282 : vector<32xbf16>
        %add3A_1311 = arith.addf %add3A_1244, %mul3A_1287 : vector<32xbf16>
        %add3A_1312 = arith.addf %add3A_1245, %mul3A_1292 : vector<32xbf16>
        %add3A_1313 = arith.addf %add3A_1246, %mul3A_1297 : vector<32xbf16>
        %add3A_1314 = arith.addf %add3A_1247, %mul3A_1302 : vector<32xbf16>
        %add3A_1315 = arith.addf %add3A_1248, %mul3A_1307 : vector<32xbf16>
        %add3A_1316 = arith.constant 0 : i32
        %add3A_1317 = arith.addi %add3A_1316, %scan3A_714 : i32
        %bitcast3A_1318 = vector.bitcast %add3A_1308 : vector<32xbf16> to vector<16xi32>
        %shift_left3A_1319 = arith.constant 16 : i32
        %shift_left3A_1320 = vector.broadcast %shift_left3A_1319 : i32 to vector<16xi32>
        %shift_left3A_1321 = arith.shli %bitcast3A_1318, %shift_left3A_1320 : vector<16xi32>
        %bitcast3A_1322 = vector.bitcast %shift_left3A_1321 : vector<16xi32> to vector<16xf32>
        %swap3A_1323 = arith.index_cast %add3A_1317 : i32 to index
        %swap3A_1324 = arith.constant 0 : index
        %swap3A_1325 = tpu.vector_load %arg11[%swap3A_1323, %swap3A_1324] {strides = array<i32>} : memref<64x256xf32, #tpu.memory_space<vmem>>, vector<16xf32>,
        tpu.vector_store %arg11[%swap3A_1323, %swap3A_1324], %bitcast3A_1322 {strides = array<i32>} : memref<64x256xf32, #tpu.memory_space<vmem>>, vector<16xf32>,
        %and3A_1326 = arith.constant -65536 : i32
        %and3A_1327 = vector.broadcast %and3A_1326 : i32 to vector<16xi32>
        %and3A_1328 = arith.andi %bitcast3A_1318, %and3A_1327 : vector<16xi32>
        %bitcast3A_1329 = vector.bitcast %and3A_1328 : vector<16xi32> to vector<16xf32>
        %swap3A_1330 = arith.index_cast %add3A_1317 : i32 to index
        %swap3A_1331 = arith.constant 16 : index
        %swap3A_1332 = tpu.vector_load %arg11[%swap3A_1330, %swap3A_1331] {strides = array<i32>} : memref<64x256xf32, #tpu.memory_space<vmem>>, vector<16xf32>,
        tpu.vector_store %arg11[%swap3A_1330, %swap3A_1331], %bitcast3A_1329 {strides = array<i32>} : memref<64x256xf32, #tpu.memory_space<vmem>>, vector<16xf32>,
        %bitcast3A_1333 = vector.bitcast %add3A_1309 : vector<32xbf16> to vector<16xi32>
        %shift_left3A_1334 = arith.constant 16 : i32
        %shift_left3A_1335 = vector.broadcast %shift_left3A_1334 : i32 to vector<16xi32>
        %shift_left3A_1336 = arith.shli %bitcast3A_1333, %shift_left3A_1335 : vector<16xi32>
        %bitcast3A_1337 = vector.bitcast %shift_left3A_1336 : vector<16xi32> to vector<16xf32>
        %swap3A_1338 = arith.index_cast %add3A_1317 : i32 to index
        %swap3A_1339 = arith.constant 32 : index
        %swap3A_1340 = tpu.vector_load %arg11[%swap3A_1338, %swap3A_1339] {strides = array<i32>} : memref<64x256xf32, #tpu.memory_space<vmem>>, vector<16xf32>,
        tpu.vector_store %arg11[%swap3A_1338, %swap3A_1339], %bitcast3A_1337 {strides = array<i32>} : memref<64x256xf32, #tpu.memory_space<vmem>>, vector<16xf32>,
        %and3A_1341 = arith.constant -65536 : i32
        %and3A_1342 = vector.broadcast %and3A_1341 : i32 to vector<16xi32>
        %and3A_1343 = arith.andi %bitcast3A_1333, %and3A_1342 : vector<16xi32>
        %bitcast3A_1344 = vector.bitcast %and3A_1343 : vector<16xi32> to vector<16xf32>
        %swap3A_1345 = arith.index_cast %add3A_1317 : i32 to index
        %swap3A_1346 = arith.constant 48 : index
        %swap3A_1347 = tpu.vector_load %arg11[%swap3A_1345, %swap3A_1346] {strides = array<i32>} : memref<64x256xf32, #tpu.memory_space<vmem>>, vector<16xf32>,
        tpu.vector_store %arg11[%swap3A_1345, %swap3A_1346], %bitcast3A_1344 {strides = array<i32>} : memref<64x256xf32, #tpu.memory_space<vmem>>, vector<16xf32>,
        %bitcast3A_1348 = vector.bitcast %add3A_1310 : vector<32xbf16> to vector<16xi32>
        %shift_left3A_1349 = arith.constant 16 : i32
        %shift_left3A_1350 = vector.broadcast %shift_left3A_1349 : i32 to vector<16xi32>
        %shift_left3A_1351 = arith.shli %bitcast3A_1348, %shift_left3A_1350 : vector<16xi32>
        %bitcast3A_1352 = vector.bitcast %shift_left3A_1351 : vector<16xi32> to vector<16xf32>
        %swap3A_1353 = arith.index_cast %add3A_1317 : i32 to index
        %swap3A_1354 = arith.constant 64 : index
        %swap3A_1355 = tpu.vector_load %arg11[%swap3A_1353, %swap3A_1354] {strides = array<i32>} : memref<64x256xf32, #tpu.memory_space<vmem>>, vector<16xf32>,
        tpu.vector_store %arg11[%swap3A_1353, %swap3A_1354], %bitcast3A_1352 {strides = array<i32>} : memref<64x256xf32, #tpu.memory_space<vmem>>, vector<16xf32>,
        %and3A_1356 = arith.constant -65536 : i32
        %and3A_1357 = vector.broadcast %and3A_1356 : i32 to vector<16xi32>
        %and3A_1358 = arith.andi %bitcast3A_1348, %and3A_1357 : vector<16xi32>
        %bitcast3A_1359 = vector.bitcast %and3A_1358 : vector<16xi32> to vector<16xf32>
        %swap3A_1360 = arith.index_cast %add3A_1317 : i32 to index
        %swap3A_1361 = arith.constant 80 : index
        %swap3A_1362 = tpu.vector_load %arg11[%swap3A_1360, %swap3A_1361] {strides = array<i32>} : memref<64x256xf32, #tpu.memory_space<vmem>>, vector<16xf32>,
        tpu.vector_store %arg11[%swap3A_1360, %swap3A_1361], %bitcast3A_1359 {strides = array<i32>} : memref<64x256xf32, #tpu.memory_space<vmem>>, vector<16xf32>,
        %bitcast3A_1363 = vector.bitcast %add3A_1311 : vector<32xbf16> to vector<16xi32>
        %shift_left3A_1364 = arith.constant 16 : i32
        %shift_left3A_1365 = vector.broadcast %shift_left3A_1364 : i32 to vector<16xi32>
        %shift_left3A_1366 = arith.shli %bitcast3A_1363, %shift_left3A_1365 : vector<16xi32>
        %bitcast3A_1367 = vector.bitcast %shift_left3A_1366 : vector<16xi32> to vector<16xf32>
        %swap3A_1368 = arith.index_cast %add3A_1317 : i32 to index
        %swap3A_1369 = arith.constant 96 : index
        %swap3A_1370 = tpu.vector_load %arg11[%swap3A_1368, %swap3A_1369] {strides = array<i32>} : memref<64x256xf32, #tpu.memory_space<vmem>>, vector<16xf32>,
        tpu.vector_store %arg11[%swap3A_1368, %swap3A_1369], %bitcast3A_1367 {strides = array<i32>} : memref<64x256xf32, #tpu.memory_space<vmem>>, vector<16xf32>,
        %and3A_1371 = arith.constant -65536 : i32
        %and3A_1372 = vector.broadcast %and3A_1371 : i32 to vector<16xi32>
        %and3A_1373 = arith.andi %bitcast3A_1363, %and3A_1372 : vector<16xi32>
        %bitcast3A_1374 = vector.bitcast %and3A_1373 : vector<16xi32> to vector<16xf32>
        %swap3A_1375 = arith.index_cast %add3A_1317 : i32 to index
        %swap3A_1376 = arith.constant 112 : index
        %swap3A_1377 = tpu.vector_load %arg11[%swap3A_1375, %swap3A_1376] {strides = array<i32>} : memref<64x256xf32, #tpu.memory_space<vmem>>, vector<16xf32>,
        tpu.vector_store %arg11[%swap3A_1375, %swap3A_1376], %bitcast3A_1374 {strides = array<i32>} : memref<64x256xf32, #tpu.memory_space<vmem>>, vector<16xf32>,
        %bitcast3A_1378 = vector.bitcast %add3A_1312 : vector<32xbf16> to vector<16xi32>
        %shift_left3A_1379 = arith.constant 16 : i32
        %shift_left3A_1380 = vector.broadcast %shift_left3A_1379 : i32 to vector<16xi32>
        %shift_left3A_1381 = arith.shli %bitcast3A_1378, %shift_left3A_1380 : vector<16xi32>
        %bitcast3A_1382 = vector.bitcast %shift_left3A_1381 : vector<16xi32> to vector<16xf32>
        %swap3A_1383 = arith.index_cast %add3A_1317 : i32 to index
        %swap3A_1384 = arith.constant 128 : index
        %swap3A_1385 = tpu.vector_load %arg11[%swap3A_1383, %swap3A_1384] {strides = array<i32>} : memref<64x256xf32, #tpu.memory_space<vmem>>, vector<16xf32>,
        tpu.vector_store %arg11[%swap3A_1383, %swap3A_1384], %bitcast3A_1382 {strides = array<i32>} : memref<64x256xf32, #tpu.memory_space<vmem>>, vector<16xf32>,
        %and3A_1386 = arith.constant -65536 : i32
        %and3A_1387 = vector.broadcast %and3A_1386 : i32 to vector<16xi32>
        %and3A_1388 = arith.andi %bitcast3A_1378, %and3A_1387 : vector<16xi32>
        %bitcast3A_1389 = vector.bitcast %and3A_1388 : vector<16xi32> to vector<16xf32>
        %swap3A_1390 = arith.index_cast %add3A_1317 : i32 to index
        %swap3A_1391 = arith.constant 144 : index
        %swap3A_1392 = tpu.vector_load %arg11[%swap3A_1390, %swap3A_1391] {strides = array<i32>} : memref<64x256xf32, #tpu.memory_space<vmem>>, vector<16xf32>,
        tpu.vector_store %arg11[%swap3A_1390, %swap3A_1391], %bitcast3A_1389 {strides = array<i32>} : memref<64x256xf32, #tpu.memory_space<vmem>>, vector<16xf32>,
        %bitcast3A_1393 = vector.bitcast %add3A_1313 : vector<32xbf16> to vector<16xi32>
        %shift_left3A_1394 = arith.constant 16 : i32
        %shift_left3A_1395 = vector.broadcast %shift_left3A_1394 : i32 to vector<16xi32>
        %shift_left3A_1396 = arith.shli %bitcast3A_1393, %shift_left3A_1395 : vector<16xi32>
        %bitcast3A_1397 = vector.bitcast %shift_left3A_1396 : vector<16xi32> to vector<16xf32>
        %swap3A_1398 = arith.index_cast %add3A_1317 : i32 to index
        %swap3A_1399 = arith.constant 160 : index
        %swap3A_1400 = tpu.vector_load %arg11[%swap3A_1398, %swap3A_1399] {strides = array<i32>} : memref<64x256xf32, #tpu.memory_space<vmem>>, vector<16xf32>,
        tpu.vector_store %arg11[%swap3A_1398, %swap3A_1399], %bitcast3A_1397 {strides = array<i32>} : memref<64x256xf32, #tpu.memory_space<vmem>>, vector<16xf32>,
        %and3A_1401 = arith.constant -65536 : i32
        %and3A_1402 = vector.broadcast %and3A_1401 : i32 to vector<16xi32>
        %and3A_1403 = arith.andi %bitcast3A_1393, %and3A_1402 : vector<16xi32>
        %bitcast3A_1404 = vector.bitcast %and3A_1403 : vector<16xi32> to vector<16xf32>
        %swap3A_1405 = arith.index_cast %add3A_1317 : i32 to index
        %swap3A_1406 = arith.constant 176 : index
        %swap3A_1407 = tpu.vector_load %arg11[%swap3A_1405, %swap3A_1406] {strides = array<i32>} : memref<64x256xf32, #tpu.memory_space<vmem>>, vector<16xf32>,
        tpu.vector_store %arg11[%swap3A_1405, %swap3A_1406], %bitcast3A_1404 {strides = array<i32>} : memref<64x256xf32, #tpu.memory_space<vmem>>, vector<16xf32>,
        %bitcast3A_1408 = vector.bitcast %add3A_1314 : vector<32xbf16> to vector<16xi32>
        %shift_left3A_1409 = arith.constant 16 : i32
        %shift_left3A_1410 = vector.broadcast %shift_left3A_1409 : i32 to vector<16xi32>
        %shift_left3A_1411 = arith.shli %bitcast3A_1408, %shift_left3A_1410 : vector<16xi32>
        %bitcast3A_1412 = vector.bitcast %shift_left3A_1411 : vector<16xi32> to vector<16xf32>
        %swap3A_1413 = arith.index_cast %add3A_1317 : i32 to index
        %swap3A_1414 = arith.constant 192 : index
        %swap3A_1415 = tpu.vector_load %arg11[%swap3A_1413, %swap3A_1414] {strides = array<i32>} : memref<64x256xf32, #tpu.memory_space<vmem>>, vector<16xf32>,
        tpu.vector_store %arg11[%swap3A_1413, %swap3A_1414], %bitcast3A_1412 {strides = array<i32>} : memref<64x256xf32, #tpu.memory_space<vmem>>, vector<16xf32>,
        %and3A_1416 = arith.constant -65536 : i32
        %and3A_1417 = vector.broadcast %and3A_1416 : i32 to vector<16xi32>
        %and3A_1418 = arith.andi %bitcast3A_1408, %and3A_1417 : vector<16xi32>
        %bitcast3A_1419 = vector.bitcast %and3A_1418 : vector<16xi32> to vector<16xf32>
        %swap3A_1420 = arith.index_cast %add3A_1317 : i32 to index
        %swap3A_1421 = arith.constant 208 : index
        %swap3A_1422 = tpu.vector_load %arg11[%swap3A_1420, %swap3A_1421] {strides = array<i32>} : memref<64x256xf32, #tpu.memory_space<vmem>>, vector<16xf32>,
        tpu.vector_store %arg11[%swap3A_1420, %swap3A_1421], %bitcast3A_1419 {strides = array<i32>} : memref<64x256xf32, #tpu.memory_space<vmem>>, vector<16xf32>,
        %bitcast3A_1423 = vector.bitcast %add3A_1315 : vector<32xbf16> to vector<16xi32>
        %shift_left3A_1424 = arith.constant 16 : i32
        %shift_left3A_1425 = vector.broadcast %shift_left3A_1424 : i32 to vector<16xi32>
        %shift_left3A_1426 = arith.shli %bitcast3A_1423, %shift_left3A_1425 : vector<16xi32>
        %bitcast3A_1427 = vector.bitcast %shift_left3A_1426 : vector<16xi32> to vector<16xf32>
        %swap3A_1428 = arith.index_cast %add3A_1317 : i32 to index
        %swap3A_1429 = arith.constant 224 : index
        %swap3A_1430 = tpu.vector_load %arg11[%swap3A_1428, %swap3A_1429] {strides = array<i32>} : memref<64x256xf32, #tpu.memory_space<vmem>>, vector<16xf32>,
        tpu.vector_store %arg11[%swap3A_1428, %swap3A_1429], %bitcast3A_1427 {strides = array<i32>} : memref<64x256xf32, #tpu.memory_space<vmem>>, vector<16xf32>,
        %and3A_1431 = arith.constant -65536 : i32
        %and3A_1432 = vector.broadcast %and3A_1431 : i32 to vector<16xi32>
        %and3A_1433 = arith.andi %bitcast3A_1423, %and3A_1432 : vector<16xi32>
        %bitcast3A_1434 = vector.bitcast %and3A_1433 : vector<16xi32> to vector<16xf32>
        %swap3A_1435 = arith.index_cast %add3A_1317 : i32 to index
        %swap3A_1436 = arith.constant 240 : index
        %swap3A_1437 = tpu.vector_load %arg11[%swap3A_1435, %swap3A_1436] {strides = array<i32>} : memref<64x256xf32, #tpu.memory_space<vmem>>, vector<16xf32>,
        tpu.vector_store %arg11[%swap3A_1435, %swap3A_1436], %bitcast3A_1434 {strides = array<i32>} : memref<64x256xf32, #tpu.memory_space<vmem>>, vector<16xf32>,
      }
      %scan3A_646 = arith.constant 32 : i32
      %mul3A_647 = arith.constant 32 : i32
      %mul3A_648 = arith.muli %mul3A_320, %mul3A_647 : i32
      %add3A_649 = arith.addi %mul3A_2, %mul3A_648 : i32
      %dma_start3A_650 = arith.constant 0 : i32
      %dma_start3A_651 = arith.constant 0 : i32
      %dma_start3A_652 = tpu.memref_slice %arg11[%dma_start3A_650, %dma_start3A_651] : memref<64x256xf32, #tpu.memory_space<vmem>> -> memref<32x256xf32, #tpu.memory_space<vmem>>
      %dma_start3A_653 = arith.constant 0 : i32
      %dma_start3A_654 = tpu.memref_slice %arg6[%add3A_649, %dma_start3A_653] : memref<262144x256xf32, #tpu.memory_space<hbm>> -> memref<32x256xf32, #tpu.memory_space<hbm>>
      %dma_start3A_655 = arith.constant 0 : i32
      %dma_start3A_656 = tpu.memref_slice %arg6[%add3A_649, %dma_start3A_655] : memref<262144x256xf32, #tpu.memory_space<hbm>> -> memref<32x256xf32, #tpu.memory_space<hbm>>
      %dma_start3A_657 = arith.constant 0 : i32
      %dma_start3A_658 = arith.constant 0 : i32
      %dma_start3A_659 = tpu.memref_slice %arg11[%dma_start3A_657, %dma_start3A_658] : memref<64x256xf32, #tpu.memory_space<vmem>> -> memref<32x256xf32, #tpu.memory_space<vmem>>
      tpu.enqueue_dma source(%dma_start3A_659 : memref<32x256xf32, #tpu.memory_space<vmem>>) target(%dma_start3A_656 : memref<32x256xf32, #tpu.memory_space<hbm>>) target_semaphore(%arg14 : memref<!tpu.dma_semaphore, #tpu.memory_space<semaphore_mem>>)
      %add3A_660 = arith.constant 2 : i32
      %add3A_661 = arith.addi %mul3A_320, %add3A_660 : i32
      %lt3A = arith.constant 256 : i32
      %lt3A_662 = arith.cmpi slt, %add3A_661, %lt3A : i32
      %convert_element_type3A_663 = arith.extui %lt3A_662 : i1 to i32
      %cond3A_664 = arith.constant 0 : i32
      %cond3A_665 = arith.cmpi ne, %convert_element_type3A_663, %cond3A_664 : i32
      scf.if %cond3A_665 {
        %add3A_714 = arith.constant 2 : i32
        %add3A_715 = arith.addi %mul3A_320, %add3A_714 : i32
        %mul3A_716 = arith.constant 32 : i32
        %mul3A_717 = arith.muli %add3A_715, %mul3A_716 : i32
        %multiple_of3A_718 = tpu.assume_multiple %mul3A_717, 32 : i32
        %add3A_719 = arith.constant 0 : i32
        %add3A_720 = arith.addi %add3A_719, %multiple_of3A_718 : i32
        %add3A_721 = arith.constant 0 : i32
        %add3A_722 = arith.addi %add3A_720, %add3A_721 : i32
        %get3A_723 = arith.index_cast %add3A_722 : i32 to index
        %get3A_724 = tpu.vector_load %arg7[%get3A_723] {strides = array<i32>} : memref<24576xf32, #tpu.memory_space<vmem>>, vector<16xf32>,
        %add3A_725 = arith.constant 1.000000e+00 : f32
        %add3A_726 = vector.broadcast %add3A_725 : f32 to vector<16xf32>
        %add3A_727 = arith.addf %get3A_724, %add3A_726 : vector<16xf32>
        %mul3A_728 = arith.constant 2.555000e+02 : f32
        %mul3A_729 = vector.broadcast %mul3A_728 : f32 to vector<16xf32>
        %mul3A_730 = arith.mulf %add3A_727, %mul3A_729 : vector<16xf32>
        %convert_element_type3A_731 = arith.fptosi %mul3A_730 : vector<16xf32> to vector<16xi32>
        %jit3A_732 = arith.constant 0 : i32
        %jit3A_733 = arith.constant 510 : i32
        %max3A_734 = vector.broadcast %jit3A_732 : i32 to vector<16xi32>
        %max3A_735 = arith.maxsi %max3A_734, %convert_element_type3A_731 : vector<16xi32>
        %min3A_736 = vector.broadcast %jit3A_733 : i32 to vector<16xi32>
        %min3A_737 = arith.minsi %min3A_736, %max3A_735 : vector<16xi32>
        %convert_element_type3A_738 = arith.sitofp %min3A_737 : vector<16xi32> to vector<16xf32>
        %sub3A_739 = arith.subf %mul3A_730, %convert_element_type3A_738 : vector<16xf32>
        %sub3A_740 = arith.constant 1.000000e+00 : f32
        %sub3A_741 = vector.broadcast %sub3A_740 : f32 to vector<16xf32>
        %sub3A_742 = arith.subf %sub3A_741, %sub3A_739 : vector<16xf32>
        %swap3A_743 = arith.constant 0 : index
        %swap3A_744 = tpu.vector_load %arg8[%swap3A_743] {strides = array<i32>} : memref<192xi32, #tpu.memory_space<vmem>>, vector<16xi32>,
        tpu.vector_store %arg8[%swap3A_743], %min3A_737 {strides = array<i32>} : memref<192xi32, #tpu.memory_space<vmem>>, vector<16xi32>,
        %mul3A_745 = arith.constant 5.000000e-01 : f32
        %mul3A_746 = vector.broadcast %mul3A_745 : f32 to vector<16xf32>
        %mul3A_747 = arith.mulf %mul3A_746, %sub3A_742 : vector<16xf32>
        %mul3A_748 = arith.mulf %mul3A_747, %sub3A_742 : vector<16xf32>
        %mul3A_749 = arith.mulf %sub3A_739, %sub3A_742 : vector<16xf32>
        %add3A_750 = arith.constant 5.000000e-01 : f32
        %add3A_751 = vector.broadcast %add3A_750 : f32 to vector<16xf32>
        %add3A_752 = arith.addf %add3A_751, %mul3A_749 : vector<16xf32>
        %mul3A_753 = arith.constant 5.000000e-01 : f32
        %mul3A_754 = vector.broadcast %mul3A_753 : f32 to vector<16xf32>
        %mul3A_755 = arith.mulf %mul3A_754, %sub3A_739 : vector<16xf32>
        %mul3A_756 = arith.mulf %mul3A_755, %sub3A_739 : vector<16xf32>
        %swap3A_757 = arith.constant 0 : index
        %swap3A_758 = tpu.vector_load %arg9[%swap3A_757] {strides = array<i32>} : memref<576xf32, #tpu.memory_space<vmem>>, vector<16xf32>,
        tpu.vector_store %arg9[%swap3A_757], %mul3A_748 {strides = array<i32>} : memref<576xf32, #tpu.memory_space<vmem>>, vector<16xf32>,
        %swap3A_759 = arith.constant 32 : index
        %swap3A_760 = tpu.vector_load %arg9[%swap3A_759] {strides = array<i32>} : memref<576xf32, #tpu.memory_space<vmem>>, vector<16xf32>,
        tpu.vector_store %arg9[%swap3A_759], %add3A_752 {strides = array<i32>} : memref<576xf32, #tpu.memory_space<vmem>>, vector<16xf32>,
        %swap3A_761 = arith.constant 64 : index
        %swap3A_762 = tpu.vector_load %arg9[%swap3A_761] {strides = array<i32>} : memref<576xf32, #tpu.memory_space<vmem>>, vector<16xf32>,
        tpu.vector_store %arg9[%swap3A_761], %mul3A_756 {strides = array<i32>} : memref<576xf32, #tpu.memory_space<vmem>>, vector<16xf32>,
        %add3A_763 = arith.constant 0 : i32
        %add3A_764 = arith.addi %add3A_763, %multiple_of3A_718 : i32
        %add3A_765 = arith.constant 16 : i32
        %add3A_766 = arith.addi %add3A_764, %add3A_765 : i32
        %get3A_767 = arith.index_cast %add3A_766 : i32 to index
        %get3A_768 = tpu.vector_load %arg7[%get3A_767] {strides = array<i32>} : memref<24576xf32, #tpu.memory_space<vmem>>, vector<16xf32>,
        %add3A_769 = arith.constant 1.000000e+00 : f32
        %add3A_770 = vector.broadcast %add3A_769 : f32 to vector<16xf32>
        %add3A_771 = arith.addf %get3A_768, %add3A_770 : vector<16xf32>
        %mul3A_772 = arith.constant 2.555000e+02 : f32
        %mul3A_773 = vector.broadcast %mul3A_772 : f32 to vector<16xf32>
        %mul3A_774 = arith.mulf %add3A_771, %mul3A_773 : vector<16xf32>
        %convert_element_type3A_775 = arith.fptosi %mul3A_774 : vector<16xf32> to vector<16xi32>
        %jit3A_776 = arith.constant 0 : i32
        %jit3A_777 = arith.constant 510 : i32
        %max3A_778 = vector.broadcast %jit3A_776 : i32 to vector<16xi32>
        %max3A_779 = arith.maxsi %max3A_778, %convert_element_type3A_775 : vector<16xi32>
        %min3A_780 = vector.broadcast %jit3A_777 : i32 to vector<16xi32>
        %min3A_781 = arith.minsi %min3A_780, %max3A_779 : vector<16xi32>
        %convert_element_type3A_782 = arith.sitofp %min3A_781 : vector<16xi32> to vector<16xf32>
        %sub3A_783 = arith.subf %mul3A_774, %convert_element_type3A_782 : vector<16xf32>
        %sub3A_784 = arith.constant 1.000000e+00 : f32
        %sub3A_785 = vector.broadcast %sub3A_784 : f32 to vector<16xf32>
        %sub3A_786 = arith.subf %sub3A_785, %sub3A_783 : vector<16xf32>
        %swap3A_787 = arith.constant 16 : index
        %swap3A_788 = tpu.vector_load %arg8[%swap3A_787] {strides = array<i32>} : memref<192xi32, #tpu.memory_space<vmem>>, vector<16xi32>,
        tpu.vector_store %arg8[%swap3A_787], %min3A_781 {strides = array<i32>} : memref<192xi32, #tpu.memory_space<vmem>>, vector<16xi32>,
        %mul3A_789 = arith.constant 5.000000e-01 : f32
        %mul3A_790 = vector.broadcast %mul3A_789 : f32 to vector<16xf32>
        %mul3A_791 = arith.mulf %mul3A_790, %sub3A_786 : vector<16xf32>
        %mul3A_792 = arith.mulf %mul3A_791, %sub3A_786 : vector<16xf32>
        %mul3A_793 = arith.mulf %sub3A_783, %sub3A_786 : vector<16xf32>
        %add3A_794 = arith.constant 5.000000e-01 : f32
        %add3A_795 = vector.broadcast %add3A_794 : f32 to vector<16xf32>
        %add3A_796 = arith.addf %add3A_795, %mul3A_793 : vector<16xf32>
        %mul3A_797 = arith.constant 5.000000e-01 : f32
        %mul3A_798 = vector.broadcast %mul3A_797 : f32 to vector<16xf32>
        %mul3A_799 = arith.mulf %mul3A_798, %sub3A_783 : vector<16xf32>
        %mul3A_800 = arith.mulf %mul3A_799, %sub3A_783 : vector<16xf32>
        %swap3A_801 = arith.constant 16 : index
        %swap3A_802 = tpu.vector_load %arg9[%swap3A_801] {strides = array<i32>} : memref<576xf32, #tpu.memory_space<vmem>>, vector<16xf32>,
        tpu.vector_store %arg9[%swap3A_801], %mul3A_792 {strides = array<i32>} : memref<576xf32, #tpu.memory_space<vmem>>, vector<16xf32>,
        %swap3A_803 = arith.constant 48 : index
        %swap3A_804 = tpu.vector_load %arg9[%swap3A_803] {strides = array<i32>} : memref<576xf32, #tpu.memory_space<vmem>>, vector<16xf32>,
        tpu.vector_store %arg9[%swap3A_803], %add3A_796 {strides = array<i32>} : memref<576xf32, #tpu.memory_space<vmem>>, vector<16xf32>,
        %swap3A_805 = arith.constant 80 : index
        %swap3A_806 = tpu.vector_load %arg9[%swap3A_805] {strides = array<i32>} : memref<576xf32, #tpu.memory_space<vmem>>, vector<16xf32>,
        tpu.vector_store %arg9[%swap3A_805], %mul3A_800 {strides = array<i32>} : memref<576xf32, #tpu.memory_space<vmem>>, vector<16xf32>,
        %add3A_807 = arith.constant 8192 : i32
        %add3A_808 = arith.addi %add3A_807, %multiple_of3A_718 : i32
        %add3A_809 = arith.constant 0 : i32
        %add3A_810 = arith.addi %add3A_808, %add3A_809 : i32
        %get3A_811 = arith.index_cast %add3A_810 : i32 to index
        %get3A_812 = tpu.vector_load %arg7[%get3A_811] {strides = array<i32>} : memref<24576xf32, #tpu.memory_space<vmem>>, vector<16xf32>,
        %add3A_813 = arith.constant 1.000000e+00 : f32
        %add3A_814 = vector.broadcast %add3A_813 : f32 to vector<16xf32>
        %add3A_815 = arith.addf %get3A_812, %add3A_814 : vector<16xf32>
        %mul3A_816 = arith.constant 2.555000e+02 : f32
        %mul3A_817 = vector.broadcast %mul3A_816 : f32 to vector<16xf32>
        %mul3A_818 = arith.mulf %add3A_815, %mul3A_817 : vector<16xf32>
        %convert_element_type3A_819 = arith.fptosi %mul3A_818 : vector<16xf32> to vector<16xi32>
        %jit3A_820 = arith.constant 0 : i32
        %jit3A_821 = arith.constant 510 : i32
        %max3A_822 = vector.broadcast %jit3A_820 : i32 to vector<16xi32>
        %max3A_823 = arith.maxsi %max3A_822, %convert_element_type3A_819 : vector<16xi32>
        %min3A_824 = vector.broadcast %jit3A_821 : i32 to vector<16xi32>
        %min3A_825 = arith.minsi %min3A_824, %max3A_823 : vector<16xi32>
        %convert_element_type3A_826 = arith.sitofp %min3A_825 : vector<16xi32> to vector<16xf32>
        %sub3A_827 = arith.subf %mul3A_818, %convert_element_type3A_826 : vector<16xf32>
        %sub3A_828 = arith.constant 1.000000e+00 : f32
        %sub3A_829 = vector.broadcast %sub3A_828 : f32 to vector<16xf32>
        %sub3A_830 = arith.subf %sub3A_829, %sub3A_827 : vector<16xf32>
        %swap3A_831 = arith.constant 32 : index
        %swap3A_832 = tpu.vector_load %arg8[%swap3A_831] {strides = array<i32>} : memref<192xi32, #tpu.memory_space<vmem>>, vector<16xi32>,
        tpu.vector_store %arg8[%swap3A_831], %min3A_825 {strides = array<i32>} : memref<192xi32, #tpu.memory_space<vmem>>, vector<16xi32>,
        %mul3A_833 = arith.constant 5.000000e-01 : f32
        %mul3A_834 = vector.broadcast %mul3A_833 : f32 to vector<16xf32>
        %mul3A_835 = arith.mulf %mul3A_834, %sub3A_830 : vector<16xf32>
        %mul3A_836 = arith.mulf %mul3A_835, %sub3A_830 : vector<16xf32>
        %mul3A_837 = arith.mulf %sub3A_827, %sub3A_830 : vector<16xf32>
        %add3A_838 = arith.constant 5.000000e-01 : f32
        %add3A_839 = vector.broadcast %add3A_838 : f32 to vector<16xf32>
        %add3A_840 = arith.addf %add3A_839, %mul3A_837 : vector<16xf32>
        %mul3A_841 = arith.constant 5.000000e-01 : f32
        %mul3A_842 = vector.broadcast %mul3A_841 : f32 to vector<16xf32>
        %mul3A_843 = arith.mulf %mul3A_842, %sub3A_827 : vector<16xf32>
        %mul3A_844 = arith.mulf %mul3A_843, %sub3A_827 : vector<16xf32>
        %swap3A_845 = arith.constant 96 : index
        %swap3A_846 = tpu.vector_load %arg9[%swap3A_845] {strides = array<i32>} : memref<576xf32, #tpu.memory_space<vmem>>, vector<16xf32>,
        tpu.vector_store %arg9[%swap3A_845], %mul3A_836 {strides = array<i32>} : memref<576xf32, #tpu.memory_space<vmem>>, vector<16xf32>,
        %swap3A_847 = arith.constant 128 : index
        %swap3A_848 = tpu.vector_load %arg9[%swap3A_847] {strides = array<i32>} : memref<576xf32, #tpu.memory_space<vmem>>, vector<16xf32>,
        tpu.vector_store %arg9[%swap3A_847], %add3A_840 {strides = array<i32>} : memref<576xf32, #tpu.memory_space<vmem>>, vector<16xf32>,
        %swap3A_849 = arith.constant 160 : index
        %swap3A_850 = tpu.vector_load %arg9[%swap3A_849] {strides = array<i32>} : memref<576xf32, #tpu.memory_space<vmem>>, vector<16xf32>,
        tpu.vector_store %arg9[%swap3A_849], %mul3A_844 {strides = array<i32>} : memref<576xf32, #tpu.memory_space<vmem>>, vector<16xf32>,
        %add3A_851 = arith.constant 8192 : i32
        %add3A_852 = arith.addi %add3A_851, %multiple_of3A_718 : i32
        %add3A_853 = arith.constant 16 : i32
        %add3A_854 = arith.addi %add3A_852, %add3A_853 : i32
        %get3A_855 = arith.index_cast %add3A_854 : i32 to index
        %get3A_856 = tpu.vector_load %arg7[%get3A_855] {strides = array<i32>} : memref<24576xf32, #tpu.memory_space<vmem>>, vector<16xf32>,
        %add3A_857 = arith.constant 1.000000e+00 : f32
        %add3A_858 = vector.broadcast %add3A_857 : f32 to vector<16xf32>
        %add3A_859 = arith.addf %get3A_856, %add3A_858 : vector<16xf32>
        %mul3A_860 = arith.constant 2.555000e+02 : f32
        %mul3A_861 = vector.broadcast %mul3A_860 : f32 to vector<16xf32>
        %mul3A_862 = arith.mulf %add3A_859, %mul3A_861 : vector<16xf32>
        %convert_element_type3A_863 = arith.fptosi %mul3A_862 : vector<16xf32> to vector<16xi32>
        %jit3A_864 = arith.constant 0 : i32
        %jit3A_865 = arith.constant 510 : i32
        %max3A_866 = vector.broadcast %jit3A_864 : i32 to vector<16xi32>
        %max3A_867 = arith.maxsi %max3A_866, %convert_element_type3A_863 : vector<16xi32>
        %min3A_868 = vector.broadcast %jit3A_865 : i32 to vector<16xi32>
        %min3A_869 = arith.minsi %min3A_868, %max3A_867 : vector<16xi32>
        %convert_element_type3A_870 = arith.sitofp %min3A_869 : vector<16xi32> to vector<16xf32>
        %sub3A_871 = arith.subf %mul3A_862, %convert_element_type3A_870 : vector<16xf32>
        %sub3A_872 = arith.constant 1.000000e+00 : f32
        %sub3A_873 = vector.broadcast %sub3A_872 : f32 to vector<16xf32>
        %sub3A_874 = arith.subf %sub3A_873, %sub3A_871 : vector<16xf32>
        %swap3A_875 = arith.constant 48 : index
        %swap3A_876 = tpu.vector_load %arg8[%swap3A_875] {strides = array<i32>} : memref<192xi32, #tpu.memory_space<vmem>>, vector<16xi32>,
        tpu.vector_store %arg8[%swap3A_875], %min3A_869 {strides = array<i32>} : memref<192xi32, #tpu.memory_space<vmem>>, vector<16xi32>,
        %mul3A_877 = arith.constant 5.000000e-01 : f32
        %mul3A_878 = vector.broadcast %mul3A_877 : f32 to vector<16xf32>
        %mul3A_879 = arith.mulf %mul3A_878, %sub3A_874 : vector<16xf32>
        %mul3A_880 = arith.mulf %mul3A_879, %sub3A_874 : vector<16xf32>
        %mul3A_881 = arith.mulf %sub3A_871, %sub3A_874 : vector<16xf32>
        %add3A_882 = arith.constant 5.000000e-01 : f32
        %add3A_883 = vector.broadcast %add3A_882 : f32 to vector<16xf32>
        %add3A_884 = arith.addf %add3A_883, %mul3A_881 : vector<16xf32>
        %mul3A_885 = arith.constant 5.000000e-01 : f32
        %mul3A_886 = vector.broadcast %mul3A_885 : f32 to vector<16xf32>
        %mul3A_887 = arith.mulf %mul3A_886, %sub3A_871 : vector<16xf32>
        %mul3A_888 = arith.mulf %mul3A_887, %sub3A_871 : vector<16xf32>
        %swap3A_889 = arith.constant 112 : index
        %swap3A_890 = tpu.vector_load %arg9[%swap3A_889] {strides = array<i32>} : memref<576xf32, #tpu.memory_space<vmem>>, vector<16xf32>,
        tpu.vector_store %arg9[%swap3A_889], %mul3A_880 {strides = array<i32>} : memref<576xf32, #tpu.memory_space<vmem>>, vector<16xf32>,
        %swap3A_891 = arith.constant 144 : index
        %swap3A_892 = tpu.vector_load %arg9[%swap3A_891] {strides = array<i32>} : memref<576xf32, #tpu.memory_space<vmem>>, vector<16xf32>,
        tpu.vector_store %arg9[%swap3A_891], %add3A_884 {strides = array<i32>} : memref<576xf32, #tpu.memory_space<vmem>>, vector<16xf32>,
        %swap3A_893 = arith.constant 176 : index
        %swap3A_894 = tpu.vector_load %arg9[%swap3A_893] {strides = array<i32>} : memref<576xf32, #tpu.memory_space<vmem>>, vector<16xf32>,
        tpu.vector_store %arg9[%swap3A_893], %mul3A_888 {strides = array<i32>} : memref<576xf32, #tpu.memory_space<vmem>>, vector<16xf32>,
        %add3A_895 = arith.constant 16384 : i32
        %add3A_896 = arith.addi %add3A_895, %multiple_of3A_718 : i32
        %add3A_897 = arith.constant 0 : i32
        %add3A_898 = arith.addi %add3A_896, %add3A_897 : i32
        %get3A_899 = arith.index_cast %add3A_898 : i32 to index
        %get3A_900 = tpu.vector_load %arg7[%get3A_899] {strides = array<i32>} : memref<24576xf32, #tpu.memory_space<vmem>>, vector<16xf32>,
        %add3A_901 = arith.constant 1.000000e+00 : f32
        %add3A_902 = vector.broadcast %add3A_901 : f32 to vector<16xf32>
        %add3A_903 = arith.addf %get3A_900, %add3A_902 : vector<16xf32>
        %mul3A_904 = arith.constant 2.555000e+02 : f32
        %mul3A_905 = vector.broadcast %mul3A_904 : f32 to vector<16xf32>
        %mul3A_906 = arith.mulf %add3A_903, %mul3A_905 : vector<16xf32>
        %convert_element_type3A_907 = arith.fptosi %mul3A_906 : vector<16xf32> to vector<16xi32>
        %jit3A_908 = arith.constant 0 : i32
        %jit3A_909 = arith.constant 510 : i32
        %max3A_910 = vector.broadcast %jit3A_908 : i32 to vector<16xi32>
        %max3A_911 = arith.maxsi %max3A_910, %convert_element_type3A_907 : vector<16xi32>
        %min3A_912 = vector.broadcast %jit3A_909 : i32 to vector<16xi32>
        %min3A_913 = arith.minsi %min3A_912, %max3A_911 : vector<16xi32>
        %convert_element_type3A_914 = arith.sitofp %min3A_913 : vector<16xi32> to vector<16xf32>
        %sub3A_915 = arith.subf %mul3A_906, %convert_element_type3A_914 : vector<16xf32>
        %sub3A_916 = arith.constant 1.000000e+00 : f32
        %sub3A_917 = vector.broadcast %sub3A_916 : f32 to vector<16xf32>
        %sub3A_918 = arith.subf %sub3A_917, %sub3A_915 : vector<16xf32>
        %swap3A_919 = arith.constant 64 : index
        %swap3A_920 = tpu.vector_load %arg8[%swap3A_919] {strides = array<i32>} : memref<192xi32, #tpu.memory_space<vmem>>, vector<16xi32>,
        tpu.vector_store %arg8[%swap3A_919], %min3A_913 {strides = array<i32>} : memref<192xi32, #tpu.memory_space<vmem>>, vector<16xi32>,
        %mul3A_921 = arith.constant 5.000000e-01 : f32
        %mul3A_922 = vector.broadcast %mul3A_921 : f32 to vector<16xf32>
        %mul3A_923 = arith.mulf %mul3A_922, %sub3A_918 : vector<16xf32>
        %mul3A_924 = arith.mulf %mul3A_923, %sub3A_918 : vector<16xf32>
        %mul3A_925 = arith.mulf %sub3A_915, %sub3A_918 : vector<16xf32>
        %add3A_926 = arith.constant 5.000000e-01 : f32
        %add3A_927 = vector.broadcast %add3A_926 : f32 to vector<16xf32>
        %add3A_928 = arith.addf %add3A_927, %mul3A_925 : vector<16xf32>
        %mul3A_929 = arith.constant 5.000000e-01 : f32
        %mul3A_930 = vector.broadcast %mul3A_929 : f32 to vector<16xf32>
        %mul3A_931 = arith.mulf %mul3A_930, %sub3A_915 : vector<16xf32>
        %mul3A_932 = arith.mulf %mul3A_931, %sub3A_915 : vector<16xf32>
        %swap3A_933 = arith.constant 192 : index
        %swap3A_934 = tpu.vector_load %arg9[%swap3A_933] {strides = array<i32>} : memref<576xf32, #tpu.memory_space<vmem>>, vector<16xf32>,
        tpu.vector_store %arg9[%swap3A_933], %mul3A_924 {strides = array<i32>} : memref<576xf32, #tpu.memory_space<vmem>>, vector<16xf32>,
        %swap3A_935 = arith.constant 224 : index
        %swap3A_936 = tpu.vector_load %arg9[%swap3A_935] {strides = array<i32>} : memref<576xf32, #tpu.memory_space<vmem>>, vector<16xf32>,
        tpu.vector_store %arg9[%swap3A_935], %add3A_928 {strides = array<i32>} : memref<576xf32, #tpu.memory_space<vmem>>, vector<16xf32>,
        %swap3A_937 = arith.constant 256 : index
        %swap3A_938 = tpu.vector_load %arg9[%swap3A_937] {strides = array<i32>} : memref<576xf32, #tpu.memory_space<vmem>>, vector<16xf32>,
        tpu.vector_store %arg9[%swap3A_937], %mul3A_932 {strides = array<i32>} : memref<576xf32, #tpu.memory_space<vmem>>, vector<16xf32>,
        %add3A_939 = arith.constant 16384 : i32
        %add3A_940 = arith.addi %add3A_939, %multiple_of3A_718 : i32
        %add3A_941 = arith.constant 16 : i32
        %add3A_942 = arith.addi %add3A_940, %add3A_941 : i32
        %get3A_943 = arith.index_cast %add3A_942 : i32 to index
        %get3A_944 = tpu.vector_load %arg7[%get3A_943] {strides = array<i32>} : memref<24576xf32, #tpu.memory_space<vmem>>, vector<16xf32>,
        %add3A_945 = arith.constant 1.000000e+00 : f32
        %add3A_946 = vector.broadcast %add3A_945 : f32 to vector<16xf32>
        %add3A_947 = arith.addf %get3A_944, %add3A_946 : vector<16xf32>
        %mul3A_948 = arith.constant 2.555000e+02 : f32
        %mul3A_949 = vector.broadcast %mul3A_948 : f32 to vector<16xf32>
        %mul3A_950 = arith.mulf %add3A_947, %mul3A_949 : vector<16xf32>
        %convert_element_type3A_951 = arith.fptosi %mul3A_950 : vector<16xf32> to vector<16xi32>
        %jit3A_952 = arith.constant 0 : i32
        %jit3A_953 = arith.constant 510 : i32
        %max3A_954 = vector.broadcast %jit3A_952 : i32 to vector<16xi32>
        %max3A_955 = arith.maxsi %max3A_954, %convert_element_type3A_951 : vector<16xi32>
        %min3A_956 = vector.broadcast %jit3A_953 : i32 to vector<16xi32>
        %min3A_957 = arith.minsi %min3A_956, %max3A_955 : vector<16xi32>
        %convert_element_type3A_958 = arith.sitofp %min3A_957 : vector<16xi32> to vector<16xf32>
        %sub3A_959 = arith.subf %mul3A_950, %convert_element_type3A_958 : vector<16xf32>
        %sub3A_960 = arith.constant 1.000000e+00 : f32
        %sub3A_961 = vector.broadcast %sub3A_960 : f32 to vector<16xf32>
        %sub3A_962 = arith.subf %sub3A_961, %sub3A_959 : vector<16xf32>
        %swap3A_963 = arith.constant 80 : index
        %swap3A_964 = tpu.vector_load %arg8[%swap3A_963] {strides = array<i32>} : memref<192xi32, #tpu.memory_space<vmem>>, vector<16xi32>,
        tpu.vector_store %arg8[%swap3A_963], %min3A_957 {strides = array<i32>} : memref<192xi32, #tpu.memory_space<vmem>>, vector<16xi32>,
        %mul3A_965 = arith.constant 5.000000e-01 : f32
        %mul3A_966 = vector.broadcast %mul3A_965 : f32 to vector<16xf32>
        %mul3A_967 = arith.mulf %mul3A_966, %sub3A_962 : vector<16xf32>
        %mul3A_968 = arith.mulf %mul3A_967, %sub3A_962 : vector<16xf32>
        %mul3A_969 = arith.mulf %sub3A_959, %sub3A_962 : vector<16xf32>
        %add3A_970 = arith.constant 5.000000e-01 : f32
        %add3A_971 = vector.broadcast %add3A_970 : f32 to vector<16xf32>
        %add3A_972 = arith.addf %add3A_971, %mul3A_969 : vector<16xf32>
        %mul3A_973 = arith.constant 5.000000e-01 : f32
        %mul3A_974 = vector.broadcast %mul3A_973 : f32 to vector<16xf32>
        %mul3A_975 = arith.mulf %mul3A_974, %sub3A_959 : vector<16xf32>
        %mul3A_976 = arith.mulf %mul3A_975, %sub3A_959 : vector<16xf32>
        %swap3A_977 = arith.constant 208 : index
        %swap3A_978 = tpu.vector_load %arg9[%swap3A_977] {strides = array<i32>} : memref<576xf32, #tpu.memory_space<vmem>>, vector<16xf32>,
        tpu.vector_store %arg9[%swap3A_977], %mul3A_968 {strides = array<i32>} : memref<576xf32, #tpu.memory_space<vmem>>, vector<16xf32>,
        %swap3A_979 = arith.constant 240 : index
        %swap3A_980 = tpu.vector_load %arg9[%swap3A_979] {strides = array<i32>} : memref<576xf32, #tpu.memory_space<vmem>>, vector<16xf32>,
        tpu.vector_store %arg9[%swap3A_979], %add3A_972 {strides = array<i32>} : memref<576xf32, #tpu.memory_space<vmem>>, vector<16xf32>,
        %swap3A_981 = arith.constant 272 : index
        %swap3A_982 = tpu.vector_load %arg9[%swap3A_981] {strides = array<i32>} : memref<576xf32, #tpu.memory_space<vmem>>, vector<16xf32>,
        tpu.vector_store %arg9[%swap3A_981], %mul3A_976 {strides = array<i32>} : memref<576xf32, #tpu.memory_space<vmem>>, vector<16xf32>,
        %dma_start3A_983 = arith.constant 0 : i32
        %dma_start3A_984 = arith.constant 0 : i32
        %dma_start3A_985 = tpu.memref_slice %arg10[%dma_start3A_983, %dma_start3A_984] : memref<192x384xi32, #tpu.memory_space<vmem>> -> memref<32x384xi32, #tpu.memory_space<vmem>>
        %dma_start3A_986 = arith.constant 0 : i32
        %dma_start3A_987 = tpu.memref_slice %arg8[%dma_start3A_986] : memref<192xi32, #tpu.memory_space<vmem>> -> memref<32xi32, #tpu.memory_space<vmem>>
        %dma_start3A_988 = arith.constant 0 : i32
        %dma_start3A_989 = arith.constant 0 : i32
        %dma_start3A_990 = tpu.memref_slice %arg3[%dma_start3A_988, %dma_start3A_989] : memref<512x384xi32, #tpu.memory_space<hbm>> -> memref<512x384xi32, #tpu.memory_space<hbm>>
        tpu.enqueue_indirect_dma source(%dma_start3A_990 : memref<512x384xi32, #tpu.memory_space<hbm>>) target(%dma_start3A_985 : memref<32x384xi32, #tpu.memory_space<vmem>>) offsets(%dma_start3A_987 : memref<32xi32, #tpu.memory_space<vmem>>) semaphore(%arg12 : memref<!tpu.dma_semaphore, #tpu.memory_space<semaphore_mem>>)
        %dma_start3A_991 = arith.constant 32 : i32
        %dma_start3A_992 = arith.constant 0 : i32
        %dma_start3A_993 = tpu.memref_slice %arg10[%dma_start3A_991, %dma_start3A_992] : memref<192x384xi32, #tpu.memory_space<vmem>> -> memref<32x384xi32, #tpu.memory_space<vmem>>
        %dma_start3A_994 = arith.constant 32 : i32
        %dma_start3A_995 = tpu.memref_slice %arg8[%dma_start3A_994] : memref<192xi32, #tpu.memory_space<vmem>> -> memref<32xi32, #tpu.memory_space<vmem>>
        %dma_start3A_996 = arith.constant 0 : i32
        %dma_start3A_997 = arith.constant 0 : i32
        %dma_start3A_998 = tpu.memref_slice %arg4[%dma_start3A_996, %dma_start3A_997] : memref<512x384xi32, #tpu.memory_space<hbm>> -> memref<512x384xi32, #tpu.memory_space<hbm>>
        tpu.enqueue_indirect_dma source(%dma_start3A_998 : memref<512x384xi32, #tpu.memory_space<hbm>>) target(%dma_start3A_993 : memref<32x384xi32, #tpu.memory_space<vmem>>) offsets(%dma_start3A_995 : memref<32xi32, #tpu.memory_space<vmem>>) semaphore(%arg12 : memref<!tpu.dma_semaphore, #tpu.memory_space<semaphore_mem>>)
        %dma_start3A_999 = arith.constant 64 : i32
        %dma_start3A_1000 = arith.constant 0 : i32
        %dma_start3A_1001 = tpu.memref_slice %arg10[%dma_start3A_999, %dma_start3A_1000] : memref<192x384xi32, #tpu.memory_space<vmem>> -> memref<32x384xi32, #tpu.memory_space<vmem>>
        %dma_start3A_1002 = arith.constant 64 : i32
        %dma_start3A_1003 = tpu.memref_slice %arg8[%dma_start3A_1002] : memref<192xi32, #tpu.memory_space<vmem>> -> memref<32xi32, #tpu.memory_space<vmem>>
        %dma_start3A_1004 = arith.constant 0 : i32
        %dma_start3A_1005 = arith.constant 0 : i32
        %dma_start3A_1006 = tpu.memref_slice %arg5[%dma_start3A_1004, %dma_start3A_1005] : memref<512x384xi32, #tpu.memory_space<hbm>> -> memref<512x384xi32, #tpu.memory_space<hbm>>
        tpu.enqueue_indirect_dma source(%dma_start3A_1006 : memref<512x384xi32, #tpu.memory_space<hbm>>) target(%dma_start3A_1001 : memref<32x384xi32, #tpu.memory_space<vmem>>) offsets(%dma_start3A_1003 : memref<32xi32, #tpu.memory_space<vmem>>) semaphore(%arg12 : memref<!tpu.dma_semaphore, #tpu.memory_space<semaphore_mem>>)
      } else {
      }
      %dma_wait3A_666 = arith.constant 96 : i32
      %dma_wait3A_667 = arith.constant 0 : i32
      %dma_wait3A_668 = tpu.memref_slice %arg10[%dma_wait3A_666, %dma_wait3A_667] : memref<192x384xi32, #tpu.memory_space<vmem>> -> memref<32x384xi32, #tpu.memory_space<vmem>>
      %dma_wait3A_669 = arith.constant 96 : i32
      %dma_wait3A_670 = tpu.memref_slice %arg8[%dma_wait3A_669] : memref<192xi32, #tpu.memory_space<vmem>> -> memref<32xi32, #tpu.memory_space<vmem>>
      %dma_wait3A_671 = arith.constant 0 : i32
      %dma_wait3A_672 = arith.constant 0 : i32
      %dma_wait3A_673 = tpu.memref_slice %arg3[%dma_wait3A_671, %dma_wait3A_672] : memref<512x384xi32, #tpu.memory_space<hbm>> -> memref<512x384xi32, #tpu.memory_space<hbm>>
      tpu.wait_indirect_dma semaphore(%arg13 : memref<!tpu.dma_semaphore, #tpu.memory_space<semaphore_mem>>) src(%dma_wait3A_673 : memref<512x384xi32, #tpu.memory_space<hbm>>) dst(%dma_wait3A_668 : memref<32x384xi32, #tpu.memory_space<vmem>>)
      %dma_wait3A_674 = arith.constant 128 : i32
      %dma_wait3A_675 = arith.constant 0 : i32
      %dma_wait3A_676 = tpu.memref_slice %arg10[%dma_wait3A_674, %dma_wait3A_675] : memref<192x384xi32, #tpu.memory_space<vmem>> -> memref<32x384xi32, #tpu.memory_space<vmem>>
      %dma_wait3A_677 = arith.constant 128 : i32
      %dma_wait3A_678 = tpu.memref_slice %arg8[%dma_wait3A_677] : memref<192xi32, #tpu.memory_space<vmem>> -> memref<32xi32, #tpu.memory_space<vmem>>
      %dma_wait3A_679 = arith.constant 0 : i32
      %dma_wait3A_680 = arith.constant 0 : i32
      %dma_wait3A_681 = tpu.memref_slice %arg4[%dma_wait3A_679, %dma_wait3A_680] : memref<512x384xi32, #tpu.memory_space<hbm>> -> memref<512x384xi32, #tpu.memory_space<hbm>>
      tpu.wait_indirect_dma semaphore(%arg13 : memref<!tpu.dma_semaphore, #tpu.memory_space<semaphore_mem>>) src(%dma_wait3A_681 : memref<512x384xi32, #tpu.memory_space<hbm>>) dst(%dma_wait3A_676 : memref<32x384xi32, #tpu.memory_space<vmem>>)
      %dma_wait3A_682 = arith.constant 160 : i32
      %dma_wait3A_683 = arith.constant 0 : i32
      %dma_wait3A_684 = tpu.memref_slice %arg10[%dma_wait3A_682, %dma_wait3A_683] : memref<192x384xi32, #tpu.memory_space<vmem>> -> memref<32x384xi32, #tpu.memory_space<vmem>>
      %dma_wait3A_685 = arith.constant 160 : i32
      %dma_wait3A_686 = tpu.memref_slice %arg8[%dma_wait3A_685] : memref<192xi32, #tpu.memory_space<vmem>> -> memref<32xi32, #tpu.memory_space<vmem>>
      %dma_wait3A_687 = arith.constant 0 : i32
      %dma_wait3A_688 = arith.constant 0 : i32
      %dma_wait3A_689 = tpu.memref_slice %arg5[%dma_wait3A_687, %dma_wait3A_688] : memref<512x384xi32, #tpu.memory_space<hbm>> -> memref<512x384xi32, #tpu.memory_space<hbm>>
      tpu.wait_indirect_dma semaphore(%arg13 : memref<!tpu.dma_semaphore, #tpu.memory_space<semaphore_mem>>) src(%dma_wait3A_689 : memref<512x384xi32, #tpu.memory_space<hbm>>) dst(%dma_wait3A_684 : memref<32x384xi32, #tpu.memory_space<vmem>>)
      %gt3A_690 = arith.constant 0 : i32
      %gt3A_691 = arith.cmpi sgt, %scan3A_318, %gt3A_690 : i32
      %convert_element_type3A_692 = arith.extui %gt3A_691 : i1 to i32
      %cond3A_693 = arith.constant 0 : i32
      %cond3A_694 = arith.cmpi ne, %convert_element_type3A_692, %cond3A_693 : i32
      scf.if %cond3A_694 {
        %mul3A_714 = arith.constant 32 : i32
        %mul3A_715 = arith.muli %add3A_322, %mul3A_714 : i32
        %add3A_716 = arith.addi %mul3A_2, %mul3A_715 : i32
        %dma_wait3A_717 = arith.constant 32 : i32
        %dma_wait3A_718 = arith.constant 0 : i32
        %dma_wait3A_719 = tpu.memref_slice %arg11[%dma_wait3A_717, %dma_wait3A_718] : memref<64x256xf32, #tpu.memory_space<vmem>> -> memref<32x256xf32, #tpu.memory_space<vmem>>
        %dma_wait3A_720 = arith.constant 0 : i32
        %dma_wait3A_721 = tpu.memref_slice %arg6[%add3A_716, %dma_wait3A_720] : memref<262144x256xf32, #tpu.memory_space<hbm>> -> memref<32x256xf32, #tpu.memory_space<hbm>>
        %dma_wait3A_722 = arith.constant 0 : i32
        %dma_wait3A_723 = tpu.memref_slice %arg6[%add3A_716, %dma_wait3A_722] : memref<262144x256xf32, #tpu.memory_space<hbm>> -> memref<32x256xf32, #tpu.memory_space<hbm>>
        %dma_wait3A_724 = arith.constant 32 : i32
        %dma_wait3A_725 = arith.constant 0 : i32
        %dma_wait3A_726 = tpu.memref_slice %arg11[%dma_wait3A_724, %dma_wait3A_725] : memref<64x256xf32, #tpu.memory_space<vmem>> -> memref<32x256xf32, #tpu.memory_space<vmem>>
        tpu.wait_dma2 semaphore(%arg15 : memref<!tpu.dma_semaphore, #tpu.memory_space<semaphore_mem>>) src(%dma_wait3A_726 : memref<32x256xf32, #tpu.memory_space<vmem>>) dst(%dma_wait3A_723 : memref<32x256xf32, #tpu.memory_space<hbm>>)
      } else {
      }
      %scan3A_695 = arith.constant 0 : i32
      %scan3A_696 = arith.constant 0 : i32
      %scan3A_697 = arith.constant 32 : i32
      %scan3A_698 = arith.addi %scan3A_696, %scan3A_697 : i32
      %scan3A_699 = arith.constant 1 : i32
      scf.for %scan3A_714 = %scan3A_696 to %scan3A_698 step %scan3A_699  : i32 {
        %shift_right_arithmetic3A = arith.constant 4 : i32
        %shift_right_arithmetic3A_715 = arith.shrsi %scan3A_714, %shift_right_arithmetic3A : i32
        %shift_left3A = arith.constant 4 : i32
        %shift_left3A_716 = arith.shli %shift_right_arithmetic3A_715, %shift_left3A : i32
        %and3A = arith.constant 15 : i32
        %and3A_717 = arith.andi %scan3A_714, %and3A : i32
        %broadcast_in_dim3A = vector.broadcast %and3A_717 : i32 to vector<16xi32>
        %add3A_718 = arith.constant 96 : i32
        %add3A_719 = arith.addi %add3A_718, %scan3A_714 : i32
        %add3A_720 = arith.constant 288 : i32
        %add3A_721 = arith.addi %add3A_720, %shift_left3A_716 : i32
        %get3A_722 = arith.index_cast %add3A_721 : i32 to index
        %get3A_723 = tpu.vector_load %arg9[%get3A_722] {strides = array<i32>} : memref<576xf32, #tpu.memory_space<vmem>>, vector<16xf32>,
        %broadcast_in_dim3A_724 = vector.shape_cast %broadcast_in_dim3A : vector<16xi32> to vector<16x1xi32>
        %gather3A = vector.shape_cast %broadcast_in_dim3A_724 : vector<16x1xi32> to vector<16xi32>
        %gather3A_725 = tpu.dynamic_gather %get3A_723[%gather3A] in [0] : vector<16xf32>, vector<16xi32> -> vector<16xf32>
        %bitcast3A = vector.bitcast %gather3A_725 : vector<16xf32> to vector<16xi32>
        %add3A_726 = arith.constant 32768 : i32
        %add3A_727 = vector.broadcast %add3A_726 : i32 to vector<16xi32>
        %add3A_728 = arith.addi %bitcast3A, %add3A_727 : vector<16xi32>
        %shift_right_arithmetic3A_729 = arith.constant 16 : i32
        %shift_right_arithmetic3A_730 = vector.broadcast %shift_right_arithmetic3A_729 : i32 to vector<16xi32>
        %shift_right_arithmetic3A_731 = arith.shrsi %add3A_728, %shift_right_arithmetic3A_730 : vector<16xi32>
        %shift_left3A_732 = arith.constant 16 : i32
        %shift_left3A_733 = vector.broadcast %shift_left3A_732 : i32 to vector<16xi32>
        %shift_left3A_734 = arith.shli %shift_right_arithmetic3A_731, %shift_left3A_733 : vector<16xi32>
        %or3A = arith.ori %shift_right_arithmetic3A_731, %shift_left3A_734 : vector<16xi32>
        %bitcast3A_735 = vector.bitcast %or3A : vector<16xi32> to vector<32xbf16>
        %get3A_736 = arith.index_cast %add3A_719 : i32 to index
        %get3A_737 = arith.constant 0 : index
        %get3A_738 = tpu.vector_load %arg10[%get3A_736, %get3A_737] {strides = array<i32>} : memref<192x384xi32, #tpu.memory_space<vmem>>, vector<16xi32>,
        %bitcast3A_739 = vector.bitcast %get3A_738 : vector<16xi32> to vector<32xbf16>
        %mul3A_740 = arith.mulf %bitcast3A_739, %bitcast3A_735 : vector<32xbf16>
        %get3A_741 = arith.index_cast %add3A_719 : i32 to index
        %get3A_742 = arith.constant 16 : index
        %get3A_743 = tpu.vector_load %arg10[%get3A_741, %get3A_742] {strides = array<i32>} : memref<192x384xi32, #tpu.memory_space<vmem>>, vector<16xi32>,
        %bitcast3A_744 = vector.bitcast %get3A_743 : vector<16xi32> to vector<32xbf16>
        %mul3A_745 = arith.mulf %bitcast3A_744, %bitcast3A_735 : vector<32xbf16>
        %get3A_746 = arith.index_cast %add3A_719 : i32 to index
        %get3A_747 = arith.constant 32 : index
        %get3A_748 = tpu.vector_load %arg10[%get3A_746, %get3A_747] {strides = array<i32>} : memref<192x384xi32, #tpu.memory_space<vmem>>, vector<16xi32>,
        %bitcast3A_749 = vector.bitcast %get3A_748 : vector<16xi32> to vector<32xbf16>
        %mul3A_750 = arith.mulf %bitcast3A_749, %bitcast3A_735 : vector<32xbf16>
        %get3A_751 = arith.index_cast %add3A_719 : i32 to index
        %get3A_752 = arith.constant 48 : index
        %get3A_753 = tpu.vector_load %arg10[%get3A_751, %get3A_752] {strides = array<i32>} : memref<192x384xi32, #tpu.memory_space<vmem>>, vector<16xi32>,
        %bitcast3A_754 = vector.bitcast %get3A_753 : vector<16xi32> to vector<32xbf16>
        %mul3A_755 = arith.mulf %bitcast3A_754, %bitcast3A_735 : vector<32xbf16>
        %get3A_756 = arith.index_cast %add3A_719 : i32 to index
        %get3A_757 = arith.constant 64 : index
        %get3A_758 = tpu.vector_load %arg10[%get3A_756, %get3A_757] {strides = array<i32>} : memref<192x384xi32, #tpu.memory_space<vmem>>, vector<16xi32>,
        %bitcast3A_759 = vector.bitcast %get3A_758 : vector<16xi32> to vector<32xbf16>
        %mul3A_760 = arith.mulf %bitcast3A_759, %bitcast3A_735 : vector<32xbf16>
        %get3A_761 = arith.index_cast %add3A_719 : i32 to index
        %get3A_762 = arith.constant 80 : index
        %get3A_763 = tpu.vector_load %arg10[%get3A_761, %get3A_762] {strides = array<i32>} : memref<192x384xi32, #tpu.memory_space<vmem>>, vector<16xi32>,
        %bitcast3A_764 = vector.bitcast %get3A_763 : vector<16xi32> to vector<32xbf16>
        %mul3A_765 = arith.mulf %bitcast3A_764, %bitcast3A_735 : vector<32xbf16>
        %get3A_766 = arith.index_cast %add3A_719 : i32 to index
        %get3A_767 = arith.constant 96 : index
        %get3A_768 = tpu.vector_load %arg10[%get3A_766, %get3A_767] {strides = array<i32>} : memref<192x384xi32, #tpu.memory_space<vmem>>, vector<16xi32>,
        %bitcast3A_769 = vector.bitcast %get3A_768 : vector<16xi32> to vector<32xbf16>
        %mul3A_770 = arith.mulf %bitcast3A_769, %bitcast3A_735 : vector<32xbf16>
        %get3A_771 = arith.index_cast %add3A_719 : i32 to index
        %get3A_772 = arith.constant 112 : index
        %get3A_773 = tpu.vector_load %arg10[%get3A_771, %get3A_772] {strides = array<i32>} : memref<192x384xi32, #tpu.memory_space<vmem>>, vector<16xi32>,
        %bitcast3A_774 = vector.bitcast %get3A_773 : vector<16xi32> to vector<32xbf16>
        %mul3A_775 = arith.mulf %bitcast3A_774, %bitcast3A_735 : vector<32xbf16>
        %add3A_776 = arith.constant 320 : i32
        %add3A_777 = arith.addi %add3A_776, %shift_left3A_716 : i32
        %get3A_778 = arith.index_cast %add3A_777 : i32 to index
        %get3A_779 = tpu.vector_load %arg9[%get3A_778] {strides = array<i32>} : memref<576xf32, #tpu.memory_space<vmem>>, vector<16xf32>,
        %broadcast_in_dim3A_780 = vector.shape_cast %broadcast_in_dim3A : vector<16xi32> to vector<16x1xi32>
        %gather3A_781 = vector.shape_cast %broadcast_in_dim3A_780 : vector<16x1xi32> to vector<16xi32>
        %gather3A_782 = tpu.dynamic_gather %get3A_779[%gather3A_781] in [0] : vector<16xf32>, vector<16xi32> -> vector<16xf32>
        %bitcast3A_783 = vector.bitcast %gather3A_782 : vector<16xf32> to vector<16xi32>
        %add3A_784 = arith.constant 32768 : i32
        %add3A_785 = vector.broadcast %add3A_784 : i32 to vector<16xi32>
        %add3A_786 = arith.addi %bitcast3A_783, %add3A_785 : vector<16xi32>
        %shift_right_arithmetic3A_787 = arith.constant 16 : i32
        %shift_right_arithmetic3A_788 = vector.broadcast %shift_right_arithmetic3A_787 : i32 to vector<16xi32>
        %shift_right_arithmetic3A_789 = arith.shrsi %add3A_786, %shift_right_arithmetic3A_788 : vector<16xi32>
        %shift_left3A_790 = arith.constant 16 : i32
        %shift_left3A_791 = vector.broadcast %shift_left3A_790 : i32 to vector<16xi32>
        %shift_left3A_792 = arith.shli %shift_right_arithmetic3A_789, %shift_left3A_791 : vector<16xi32>
        %or3A_793 = arith.ori %shift_right_arithmetic3A_789, %shift_left3A_792 : vector<16xi32>
        %bitcast3A_794 = vector.bitcast %or3A_793 : vector<16xi32> to vector<32xbf16>
        %get3A_795 = arith.index_cast %add3A_719 : i32 to index
        %get3A_796 = arith.constant 128 : index
        %get3A_797 = tpu.vector_load %arg10[%get3A_795, %get3A_796] {strides = array<i32>} : memref<192x384xi32, #tpu.memory_space<vmem>>, vector<16xi32>,
        %bitcast3A_798 = vector.bitcast %get3A_797 : vector<16xi32> to vector<32xbf16>
        %mul3A_799 = arith.mulf %bitcast3A_798, %bitcast3A_794 : vector<32xbf16>
        %get3A_800 = arith.index_cast %add3A_719 : i32 to index
        %get3A_801 = arith.constant 144 : index
        %get3A_802 = tpu.vector_load %arg10[%get3A_800, %get3A_801] {strides = array<i32>} : memref<192x384xi32, #tpu.memory_space<vmem>>, vector<16xi32>,
        %bitcast3A_803 = vector.bitcast %get3A_802 : vector<16xi32> to vector<32xbf16>
        %mul3A_804 = arith.mulf %bitcast3A_803, %bitcast3A_794 : vector<32xbf16>
        %get3A_805 = arith.index_cast %add3A_719 : i32 to index
        %get3A_806 = arith.constant 160 : index
        %get3A_807 = tpu.vector_load %arg10[%get3A_805, %get3A_806] {strides = array<i32>} : memref<192x384xi32, #tpu.memory_space<vmem>>, vector<16xi32>,
        %bitcast3A_808 = vector.bitcast %get3A_807 : vector<16xi32> to vector<32xbf16>
        %mul3A_809 = arith.mulf %bitcast3A_808, %bitcast3A_794 : vector<32xbf16>
        %get3A_810 = arith.index_cast %add3A_719 : i32 to index
        %get3A_811 = arith.constant 176 : index
        %get3A_812 = tpu.vector_load %arg10[%get3A_810, %get3A_811] {strides = array<i32>} : memref<192x384xi32, #tpu.memory_space<vmem>>, vector<16xi32>,
        %bitcast3A_813 = vector.bitcast %get3A_812 : vector<16xi32> to vector<32xbf16>
        %mul3A_814 = arith.mulf %bitcast3A_813, %bitcast3A_794 : vector<32xbf16>
        %get3A_815 = arith.index_cast %add3A_719 : i32 to index
        %get3A_816 = arith.constant 192 : index
        %get3A_817 = tpu.vector_load %arg10[%get3A_815, %get3A_816] {strides = array<i32>} : memref<192x384xi32, #tpu.memory_space<vmem>>, vector<16xi32>,
        %bitcast3A_818 = vector.bitcast %get3A_817 : vector<16xi32> to vector<32xbf16>
        %mul3A_819 = arith.mulf %bitcast3A_818, %bitcast3A_794 : vector<32xbf16>
        %get3A_820 = arith.index_cast %add3A_719 : i32 to index
        %get3A_821 = arith.constant 208 : index
        %get3A_822 = tpu.vector_load %arg10[%get3A_820, %get3A_821] {strides = array<i32>} : memref<192x384xi32, #tpu.memory_space<vmem>>, vector<16xi32>,
        %bitcast3A_823 = vector.bitcast %get3A_822 : vector<16xi32> to vector<32xbf16>
        %mul3A_824 = arith.mulf %bitcast3A_823, %bitcast3A_794 : vector<32xbf16>
        %get3A_825 = arith.index_cast %add3A_719 : i32 to index
        %get3A_826 = arith.constant 224 : index
        %get3A_827 = tpu.vector_load %arg10[%get3A_825, %get3A_826] {strides = array<i32>} : memref<192x384xi32, #tpu.memory_space<vmem>>, vector<16xi32>,
        %bitcast3A_828 = vector.bitcast %get3A_827 : vector<16xi32> to vector<32xbf16>
        %mul3A_829 = arith.mulf %bitcast3A_828, %bitcast3A_794 : vector<32xbf16>
        %get3A_830 = arith.index_cast %add3A_719 : i32 to index
        %get3A_831 = arith.constant 240 : index
        %get3A_832 = tpu.vector_load %arg10[%get3A_830, %get3A_831] {strides = array<i32>} : memref<192x384xi32, #tpu.memory_space<vmem>>, vector<16xi32>,
        %bitcast3A_833 = vector.bitcast %get3A_832 : vector<16xi32> to vector<32xbf16>
        %mul3A_834 = arith.mulf %bitcast3A_833, %bitcast3A_794 : vector<32xbf16>
        %add3A_835 = arith.addf %mul3A_740, %mul3A_799 : vector<32xbf16>
        %add3A_836 = arith.addf %mul3A_745, %mul3A_804 : vector<32xbf16>
        %add3A_837 = arith.addf %mul3A_750, %mul3A_809 : vector<32xbf16>
        %add3A_838 = arith.addf %mul3A_755, %mul3A_814 : vector<32xbf16>
        %add3A_839 = arith.addf %mul3A_760, %mul3A_819 : vector<32xbf16>
        %add3A_840 = arith.addf %mul3A_765, %mul3A_824 : vector<32xbf16>
        %add3A_841 = arith.addf %mul3A_770, %mul3A_829 : vector<32xbf16>
        %add3A_842 = arith.addf %mul3A_775, %mul3A_834 : vector<32xbf16>
        %add3A_843 = arith.constant 352 : i32
        %add3A_844 = arith.addi %add3A_843, %shift_left3A_716 : i32
        %get3A_845 = arith.index_cast %add3A_844 : i32 to index
        %get3A_846 = tpu.vector_load %arg9[%get3A_845] {strides = array<i32>} : memref<576xf32, #tpu.memory_space<vmem>>, vector<16xf32>,
        %broadcast_in_dim3A_847 = vector.shape_cast %broadcast_in_dim3A : vector<16xi32> to vector<16x1xi32>
        %gather3A_848 = vector.shape_cast %broadcast_in_dim3A_847 : vector<16x1xi32> to vector<16xi32>
        %gather3A_849 = tpu.dynamic_gather %get3A_846[%gather3A_848] in [0] : vector<16xf32>, vector<16xi32> -> vector<16xf32>
        %bitcast3A_850 = vector.bitcast %gather3A_849 : vector<16xf32> to vector<16xi32>
        %add3A_851 = arith.constant 32768 : i32
        %add3A_852 = vector.broadcast %add3A_851 : i32 to vector<16xi32>
        %add3A_853 = arith.addi %bitcast3A_850, %add3A_852 : vector<16xi32>
        %shift_right_arithmetic3A_854 = arith.constant 16 : i32
        %shift_right_arithmetic3A_855 = vector.broadcast %shift_right_arithmetic3A_854 : i32 to vector<16xi32>
        %shift_right_arithmetic3A_856 = arith.shrsi %add3A_853, %shift_right_arithmetic3A_855 : vector<16xi32>
        %shift_left3A_857 = arith.constant 16 : i32
        %shift_left3A_858 = vector.broadcast %shift_left3A_857 : i32 to vector<16xi32>
        %shift_left3A_859 = arith.shli %shift_right_arithmetic3A_856, %shift_left3A_858 : vector<16xi32>
        %or3A_860 = arith.ori %shift_right_arithmetic3A_856, %shift_left3A_859 : vector<16xi32>
        %bitcast3A_861 = vector.bitcast %or3A_860 : vector<16xi32> to vector<32xbf16>
        %get3A_862 = arith.index_cast %add3A_719 : i32 to index
        %get3A_863 = arith.constant 256 : index
        %get3A_864 = tpu.vector_load %arg10[%get3A_862, %get3A_863] {strides = array<i32>} : memref<192x384xi32, #tpu.memory_space<vmem>>, vector<16xi32>,
        %bitcast3A_865 = vector.bitcast %get3A_864 : vector<16xi32> to vector<32xbf16>
        %mul3A_866 = arith.mulf %bitcast3A_865, %bitcast3A_861 : vector<32xbf16>
        %get3A_867 = arith.index_cast %add3A_719 : i32 to index
        %get3A_868 = arith.constant 272 : index
        %get3A_869 = tpu.vector_load %arg10[%get3A_867, %get3A_868] {strides = array<i32>} : memref<192x384xi32, #tpu.memory_space<vmem>>, vector<16xi32>,
        %bitcast3A_870 = vector.bitcast %get3A_869 : vector<16xi32> to vector<32xbf16>
        %mul3A_871 = arith.mulf %bitcast3A_870, %bitcast3A_861 : vector<32xbf16>
        %get3A_872 = arith.index_cast %add3A_719 : i32 to index
        %get3A_873 = arith.constant 288 : index
        %get3A_874 = tpu.vector_load %arg10[%get3A_872, %get3A_873] {strides = array<i32>} : memref<192x384xi32, #tpu.memory_space<vmem>>, vector<16xi32>,
        %bitcast3A_875 = vector.bitcast %get3A_874 : vector<16xi32> to vector<32xbf16>
        %mul3A_876 = arith.mulf %bitcast3A_875, %bitcast3A_861 : vector<32xbf16>
        %get3A_877 = arith.index_cast %add3A_719 : i32 to index
        %get3A_878 = arith.constant 304 : index
        %get3A_879 = tpu.vector_load %arg10[%get3A_877, %get3A_878] {strides = array<i32>} : memref<192x384xi32, #tpu.memory_space<vmem>>, vector<16xi32>,
        %bitcast3A_880 = vector.bitcast %get3A_879 : vector<16xi32> to vector<32xbf16>
        %mul3A_881 = arith.mulf %bitcast3A_880, %bitcast3A_861 : vector<32xbf16>
        %get3A_882 = arith.index_cast %add3A_719 : i32 to index
        %get3A_883 = arith.constant 320 : index
        %get3A_884 = tpu.vector_load %arg10[%get3A_882, %get3A_883] {strides = array<i32>} : memref<192x384xi32, #tpu.memory_space<vmem>>, vector<16xi32>,
        %bitcast3A_885 = vector.bitcast %get3A_884 : vector<16xi32> to vector<32xbf16>
        %mul3A_886 = arith.mulf %bitcast3A_885, %bitcast3A_861 : vector<32xbf16>
        %get3A_887 = arith.index_cast %add3A_719 : i32 to index
        %get3A_888 = arith.constant 336 : index
        %get3A_889 = tpu.vector_load %arg10[%get3A_887, %get3A_888] {strides = array<i32>} : memref<192x384xi32, #tpu.memory_space<vmem>>, vector<16xi32>,
        %bitcast3A_890 = vector.bitcast %get3A_889 : vector<16xi32> to vector<32xbf16>
        %mul3A_891 = arith.mulf %bitcast3A_890, %bitcast3A_861 : vector<32xbf16>
        %get3A_892 = arith.index_cast %add3A_719 : i32 to index
        %get3A_893 = arith.constant 352 : index
        %get3A_894 = tpu.vector_load %arg10[%get3A_892, %get3A_893] {strides = array<i32>} : memref<192x384xi32, #tpu.memory_space<vmem>>, vector<16xi32>,
        %bitcast3A_895 = vector.bitcast %get3A_894 : vector<16xi32> to vector<32xbf16>
        %mul3A_896 = arith.mulf %bitcast3A_895, %bitcast3A_861 : vector<32xbf16>
        %get3A_897 = arith.index_cast %add3A_719 : i32 to index
        %get3A_898 = arith.constant 368 : index
        %get3A_899 = tpu.vector_load %arg10[%get3A_897, %get3A_898] {strides = array<i32>} : memref<192x384xi32, #tpu.memory_space<vmem>>, vector<16xi32>,
        %bitcast3A_900 = vector.bitcast %get3A_899 : vector<16xi32> to vector<32xbf16>
        %mul3A_901 = arith.mulf %bitcast3A_900, %bitcast3A_861 : vector<32xbf16>
        %add3A_902 = arith.addf %add3A_835, %mul3A_866 : vector<32xbf16>
        %add3A_903 = arith.addf %add3A_836, %mul3A_871 : vector<32xbf16>
        %add3A_904 = arith.addf %add3A_837, %mul3A_876 : vector<32xbf16>
        %add3A_905 = arith.addf %add3A_838, %mul3A_881 : vector<32xbf16>
        %add3A_906 = arith.addf %add3A_839, %mul3A_886 : vector<32xbf16>
        %add3A_907 = arith.addf %add3A_840, %mul3A_891 : vector<32xbf16>
        %add3A_908 = arith.addf %add3A_841, %mul3A_896 : vector<32xbf16>
        %add3A_909 = arith.addf %add3A_842, %mul3A_901 : vector<32xbf16>
        %add3A_910 = arith.constant 128 : i32
        %add3A_911 = arith.addi %add3A_910, %scan3A_714 : i32
        %add3A_912 = arith.constant 384 : i32
        %add3A_913 = arith.addi %add3A_912, %shift_left3A_716 : i32
        %get3A_914 = arith.index_cast %add3A_913 : i32 to index
        %get3A_915 = tpu.vector_load %arg9[%get3A_914] {strides = array<i32>} : memref<576xf32, #tpu.memory_space<vmem>>, vector<16xf32>,
        %broadcast_in_dim3A_916 = vector.shape_cast %broadcast_in_dim3A : vector<16xi32> to vector<16x1xi32>
        %gather3A_917 = vector.shape_cast %broadcast_in_dim3A_916 : vector<16x1xi32> to vector<16xi32>
        %gather3A_918 = tpu.dynamic_gather %get3A_915[%gather3A_917] in [0] : vector<16xf32>, vector<16xi32> -> vector<16xf32>
        %bitcast3A_919 = vector.bitcast %gather3A_918 : vector<16xf32> to vector<16xi32>
        %add3A_920 = arith.constant 32768 : i32
        %add3A_921 = vector.broadcast %add3A_920 : i32 to vector<16xi32>
        %add3A_922 = arith.addi %bitcast3A_919, %add3A_921 : vector<16xi32>
        %shift_right_arithmetic3A_923 = arith.constant 16 : i32
        %shift_right_arithmetic3A_924 = vector.broadcast %shift_right_arithmetic3A_923 : i32 to vector<16xi32>
        %shift_right_arithmetic3A_925 = arith.shrsi %add3A_922, %shift_right_arithmetic3A_924 : vector<16xi32>
        %shift_left3A_926 = arith.constant 16 : i32
        %shift_left3A_927 = vector.broadcast %shift_left3A_926 : i32 to vector<16xi32>
        %shift_left3A_928 = arith.shli %shift_right_arithmetic3A_925, %shift_left3A_927 : vector<16xi32>
        %or3A_929 = arith.ori %shift_right_arithmetic3A_925, %shift_left3A_928 : vector<16xi32>
        %bitcast3A_930 = vector.bitcast %or3A_929 : vector<16xi32> to vector<32xbf16>
        %get3A_931 = arith.index_cast %add3A_911 : i32 to index
        %get3A_932 = arith.constant 0 : index
        %get3A_933 = tpu.vector_load %arg10[%get3A_931, %get3A_932] {strides = array<i32>} : memref<192x384xi32, #tpu.memory_space<vmem>>, vector<16xi32>,
        %bitcast3A_934 = vector.bitcast %get3A_933 : vector<16xi32> to vector<32xbf16>
        %mul3A_935 = arith.mulf %bitcast3A_934, %bitcast3A_930 : vector<32xbf16>
        %get3A_936 = arith.index_cast %add3A_911 : i32 to index
        %get3A_937 = arith.constant 16 : index
        %get3A_938 = tpu.vector_load %arg10[%get3A_936, %get3A_937] {strides = array<i32>} : memref<192x384xi32, #tpu.memory_space<vmem>>, vector<16xi32>,
        %bitcast3A_939 = vector.bitcast %get3A_938 : vector<16xi32> to vector<32xbf16>
        %mul3A_940 = arith.mulf %bitcast3A_939, %bitcast3A_930 : vector<32xbf16>
        %get3A_941 = arith.index_cast %add3A_911 : i32 to index
        %get3A_942 = arith.constant 32 : index
        %get3A_943 = tpu.vector_load %arg10[%get3A_941, %get3A_942] {strides = array<i32>} : memref<192x384xi32, #tpu.memory_space<vmem>>, vector<16xi32>,
        %bitcast3A_944 = vector.bitcast %get3A_943 : vector<16xi32> to vector<32xbf16>
        %mul3A_945 = arith.mulf %bitcast3A_944, %bitcast3A_930 : vector<32xbf16>
        %get3A_946 = arith.index_cast %add3A_911 : i32 to index
        %get3A_947 = arith.constant 48 : index
        %get3A_948 = tpu.vector_load %arg10[%get3A_946, %get3A_947] {strides = array<i32>} : memref<192x384xi32, #tpu.memory_space<vmem>>, vector<16xi32>,
        %bitcast3A_949 = vector.bitcast %get3A_948 : vector<16xi32> to vector<32xbf16>
        %mul3A_950 = arith.mulf %bitcast3A_949, %bitcast3A_930 : vector<32xbf16>
        %get3A_951 = arith.index_cast %add3A_911 : i32 to index
        %get3A_952 = arith.constant 64 : index
        %get3A_953 = tpu.vector_load %arg10[%get3A_951, %get3A_952] {strides = array<i32>} : memref<192x384xi32, #tpu.memory_space<vmem>>, vector<16xi32>,
        %bitcast3A_954 = vector.bitcast %get3A_953 : vector<16xi32> to vector<32xbf16>
        %mul3A_955 = arith.mulf %bitcast3A_954, %bitcast3A_930 : vector<32xbf16>
        %get3A_956 = arith.index_cast %add3A_911 : i32 to index
        %get3A_957 = arith.constant 80 : index
        %get3A_958 = tpu.vector_load %arg10[%get3A_956, %get3A_957] {strides = array<i32>} : memref<192x384xi32, #tpu.memory_space<vmem>>, vector<16xi32>,
        %bitcast3A_959 = vector.bitcast %get3A_958 : vector<16xi32> to vector<32xbf16>
        %mul3A_960 = arith.mulf %bitcast3A_959, %bitcast3A_930 : vector<32xbf16>
        %get3A_961 = arith.index_cast %add3A_911 : i32 to index
        %get3A_962 = arith.constant 96 : index
        %get3A_963 = tpu.vector_load %arg10[%get3A_961, %get3A_962] {strides = array<i32>} : memref<192x384xi32, #tpu.memory_space<vmem>>, vector<16xi32>,
        %bitcast3A_964 = vector.bitcast %get3A_963 : vector<16xi32> to vector<32xbf16>
        %mul3A_965 = arith.mulf %bitcast3A_964, %bitcast3A_930 : vector<32xbf16>
        %get3A_966 = arith.index_cast %add3A_911 : i32 to index
        %get3A_967 = arith.constant 112 : index
        %get3A_968 = tpu.vector_load %arg10[%get3A_966, %get3A_967] {strides = array<i32>} : memref<192x384xi32, #tpu.memory_space<vmem>>, vector<16xi32>,
        %bitcast3A_969 = vector.bitcast %get3A_968 : vector<16xi32> to vector<32xbf16>
        %mul3A_970 = arith.mulf %bitcast3A_969, %bitcast3A_930 : vector<32xbf16>
        %add3A_971 = arith.addf %add3A_902, %mul3A_935 : vector<32xbf16>
        %add3A_972 = arith.addf %add3A_903, %mul3A_940 : vector<32xbf16>
        %add3A_973 = arith.addf %add3A_904, %mul3A_945 : vector<32xbf16>
        %add3A_974 = arith.addf %add3A_905, %mul3A_950 : vector<32xbf16>
        %add3A_975 = arith.addf %add3A_906, %mul3A_955 : vector<32xbf16>
        %add3A_976 = arith.addf %add3A_907, %mul3A_960 : vector<32xbf16>
        %add3A_977 = arith.addf %add3A_908, %mul3A_965 : vector<32xbf16>
        %add3A_978 = arith.addf %add3A_909, %mul3A_970 : vector<32xbf16>
        %add3A_979 = arith.constant 416 : i32
        %add3A_980 = arith.addi %add3A_979, %shift_left3A_716 : i32
        %get3A_981 = arith.index_cast %add3A_980 : i32 to index
        %get3A_982 = tpu.vector_load %arg9[%get3A_981] {strides = array<i32>} : memref<576xf32, #tpu.memory_space<vmem>>, vector<16xf32>,
        %broadcast_in_dim3A_983 = vector.shape_cast %broadcast_in_dim3A : vector<16xi32> to vector<16x1xi32>
        %gather3A_984 = vector.shape_cast %broadcast_in_dim3A_983 : vector<16x1xi32> to vector<16xi32>
        %gather3A_985 = tpu.dynamic_gather %get3A_982[%gather3A_984] in [0] : vector<16xf32>, vector<16xi32> -> vector<16xf32>
        %bitcast3A_986 = vector.bitcast %gather3A_985 : vector<16xf32> to vector<16xi32>
        %add3A_987 = arith.constant 32768 : i32
        %add3A_988 = vector.broadcast %add3A_987 : i32 to vector<16xi32>
        %add3A_989 = arith.addi %bitcast3A_986, %add3A_988 : vector<16xi32>
        %shift_right_arithmetic3A_990 = arith.constant 16 : i32
        %shift_right_arithmetic3A_991 = vector.broadcast %shift_right_arithmetic3A_990 : i32 to vector<16xi32>
        %shift_right_arithmetic3A_992 = arith.shrsi %add3A_989, %shift_right_arithmetic3A_991 : vector<16xi32>
        %shift_left3A_993 = arith.constant 16 : i32
        %shift_left3A_994 = vector.broadcast %shift_left3A_993 : i32 to vector<16xi32>
        %shift_left3A_995 = arith.shli %shift_right_arithmetic3A_992, %shift_left3A_994 : vector<16xi32>
        %or3A_996 = arith.ori %shift_right_arithmetic3A_992, %shift_left3A_995 : vector<16xi32>
        %bitcast3A_997 = vector.bitcast %or3A_996 : vector<16xi32> to vector<32xbf16>
        %get3A_998 = arith.index_cast %add3A_911 : i32 to index
        %get3A_999 = arith.constant 128 : index
        %get3A_1000 = tpu.vector_load %arg10[%get3A_998, %get3A_999] {strides = array<i32>} : memref<192x384xi32, #tpu.memory_space<vmem>>, vector<16xi32>,
        %bitcast3A_1001 = vector.bitcast %get3A_1000 : vector<16xi32> to vector<32xbf16>
        %mul3A_1002 = arith.mulf %bitcast3A_1001, %bitcast3A_997 : vector<32xbf16>
        %get3A_1003 = arith.index_cast %add3A_911 : i32 to index
        %get3A_1004 = arith.constant 144 : index
        %get3A_1005 = tpu.vector_load %arg10[%get3A_1003, %get3A_1004] {strides = array<i32>} : memref<192x384xi32, #tpu.memory_space<vmem>>, vector<16xi32>,
        %bitcast3A_1006 = vector.bitcast %get3A_1005 : vector<16xi32> to vector<32xbf16>
        %mul3A_1007 = arith.mulf %bitcast3A_1006, %bitcast3A_997 : vector<32xbf16>
        %get3A_1008 = arith.index_cast %add3A_911 : i32 to index
        %get3A_1009 = arith.constant 160 : index
        %get3A_1010 = tpu.vector_load %arg10[%get3A_1008, %get3A_1009] {strides = array<i32>} : memref<192x384xi32, #tpu.memory_space<vmem>>, vector<16xi32>,
        %bitcast3A_1011 = vector.bitcast %get3A_1010 : vector<16xi32> to vector<32xbf16>
        %mul3A_1012 = arith.mulf %bitcast3A_1011, %bitcast3A_997 : vector<32xbf16>
        %get3A_1013 = arith.index_cast %add3A_911 : i32 to index
        %get3A_1014 = arith.constant 176 : index
        %get3A_1015 = tpu.vector_load %arg10[%get3A_1013, %get3A_1014] {strides = array<i32>} : memref<192x384xi32, #tpu.memory_space<vmem>>, vector<16xi32>,
        %bitcast3A_1016 = vector.bitcast %get3A_1015 : vector<16xi32> to vector<32xbf16>
        %mul3A_1017 = arith.mulf %bitcast3A_1016, %bitcast3A_997 : vector<32xbf16>
        %get3A_1018 = arith.index_cast %add3A_911 : i32 to index
        %get3A_1019 = arith.constant 192 : index
        %get3A_1020 = tpu.vector_load %arg10[%get3A_1018, %get3A_1019] {strides = array<i32>} : memref<192x384xi32, #tpu.memory_space<vmem>>, vector<16xi32>,
        %bitcast3A_1021 = vector.bitcast %get3A_1020 : vector<16xi32> to vector<32xbf16>
        %mul3A_1022 = arith.mulf %bitcast3A_1021, %bitcast3A_997 : vector<32xbf16>
        %get3A_1023 = arith.index_cast %add3A_911 : i32 to index
        %get3A_1024 = arith.constant 208 : index
        %get3A_1025 = tpu.vector_load %arg10[%get3A_1023, %get3A_1024] {strides = array<i32>} : memref<192x384xi32, #tpu.memory_space<vmem>>, vector<16xi32>,
        %bitcast3A_1026 = vector.bitcast %get3A_1025 : vector<16xi32> to vector<32xbf16>
        %mul3A_1027 = arith.mulf %bitcast3A_1026, %bitcast3A_997 : vector<32xbf16>
        %get3A_1028 = arith.index_cast %add3A_911 : i32 to index
        %get3A_1029 = arith.constant 224 : index
        %get3A_1030 = tpu.vector_load %arg10[%get3A_1028, %get3A_1029] {strides = array<i32>} : memref<192x384xi32, #tpu.memory_space<vmem>>, vector<16xi32>,
        %bitcast3A_1031 = vector.bitcast %get3A_1030 : vector<16xi32> to vector<32xbf16>
        %mul3A_1032 = arith.mulf %bitcast3A_1031, %bitcast3A_997 : vector<32xbf16>
        %get3A_1033 = arith.index_cast %add3A_911 : i32 to index
        %get3A_1034 = arith.constant 240 : index
        %get3A_1035 = tpu.vector_load %arg10[%get3A_1033, %get3A_1034] {strides = array<i32>} : memref<192x384xi32, #tpu.memory_space<vmem>>, vector<16xi32>,
        %bitcast3A_1036 = vector.bitcast %get3A_1035 : vector<16xi32> to vector<32xbf16>
        %mul3A_1037 = arith.mulf %bitcast3A_1036, %bitcast3A_997 : vector<32xbf16>
        %add3A_1038 = arith.addf %add3A_971, %mul3A_1002 : vector<32xbf16>
        %add3A_1039 = arith.addf %add3A_972, %mul3A_1007 : vector<32xbf16>
        %add3A_1040 = arith.addf %add3A_973, %mul3A_1012 : vector<32xbf16>
        %add3A_1041 = arith.addf %add3A_974, %mul3A_1017 : vector<32xbf16>
        %add3A_1042 = arith.addf %add3A_975, %mul3A_1022 : vector<32xbf16>
        %add3A_1043 = arith.addf %add3A_976, %mul3A_1027 : vector<32xbf16>
        %add3A_1044 = arith.addf %add3A_977, %mul3A_1032 : vector<32xbf16>
        %add3A_1045 = arith.addf %add3A_978, %mul3A_1037 : vector<32xbf16>
        %add3A_1046 = arith.constant 448 : i32
        %add3A_1047 = arith.addi %add3A_1046, %shift_left3A_716 : i32
        %get3A_1048 = arith.index_cast %add3A_1047 : i32 to index
        %get3A_1049 = tpu.vector_load %arg9[%get3A_1048] {strides = array<i32>} : memref<576xf32, #tpu.memory_space<vmem>>, vector<16xf32>,
        %broadcast_in_dim3A_1050 = vector.shape_cast %broadcast_in_dim3A : vector<16xi32> to vector<16x1xi32>
        %gather3A_1051 = vector.shape_cast %broadcast_in_dim3A_1050 : vector<16x1xi32> to vector<16xi32>
        %gather3A_1052 = tpu.dynamic_gather %get3A_1049[%gather3A_1051] in [0] : vector<16xf32>, vector<16xi32> -> vector<16xf32>
        %bitcast3A_1053 = vector.bitcast %gather3A_1052 : vector<16xf32> to vector<16xi32>
        %add3A_1054 = arith.constant 32768 : i32
        %add3A_1055 = vector.broadcast %add3A_1054 : i32 to vector<16xi32>
        %add3A_1056 = arith.addi %bitcast3A_1053, %add3A_1055 : vector<16xi32>
        %shift_right_arithmetic3A_1057 = arith.constant 16 : i32
        %shift_right_arithmetic3A_1058 = vector.broadcast %shift_right_arithmetic3A_1057 : i32 to vector<16xi32>
        %shift_right_arithmetic3A_1059 = arith.shrsi %add3A_1056, %shift_right_arithmetic3A_1058 : vector<16xi32>
        %shift_left3A_1060 = arith.constant 16 : i32
        %shift_left3A_1061 = vector.broadcast %shift_left3A_1060 : i32 to vector<16xi32>
        %shift_left3A_1062 = arith.shli %shift_right_arithmetic3A_1059, %shift_left3A_1061 : vector<16xi32>
        %or3A_1063 = arith.ori %shift_right_arithmetic3A_1059, %shift_left3A_1062 : vector<16xi32>
        %bitcast3A_1064 = vector.bitcast %or3A_1063 : vector<16xi32> to vector<32xbf16>
        %get3A_1065 = arith.index_cast %add3A_911 : i32 to index
        %get3A_1066 = arith.constant 256 : index
        %get3A_1067 = tpu.vector_load %arg10[%get3A_1065, %get3A_1066] {strides = array<i32>} : memref<192x384xi32, #tpu.memory_space<vmem>>, vector<16xi32>,
        %bitcast3A_1068 = vector.bitcast %get3A_1067 : vector<16xi32> to vector<32xbf16>
        %mul3A_1069 = arith.mulf %bitcast3A_1068, %bitcast3A_1064 : vector<32xbf16>
        %get3A_1070 = arith.index_cast %add3A_911 : i32 to index
        %get3A_1071 = arith.constant 272 : index
        %get3A_1072 = tpu.vector_load %arg10[%get3A_1070, %get3A_1071] {strides = array<i32>} : memref<192x384xi32, #tpu.memory_space<vmem>>, vector<16xi32>,
        %bitcast3A_1073 = vector.bitcast %get3A_1072 : vector<16xi32> to vector<32xbf16>
        %mul3A_1074 = arith.mulf %bitcast3A_1073, %bitcast3A_1064 : vector<32xbf16>
        %get3A_1075 = arith.index_cast %add3A_911 : i32 to index
        %get3A_1076 = arith.constant 288 : index
        %get3A_1077 = tpu.vector_load %arg10[%get3A_1075, %get3A_1076] {strides = array<i32>} : memref<192x384xi32, #tpu.memory_space<vmem>>, vector<16xi32>,
        %bitcast3A_1078 = vector.bitcast %get3A_1077 : vector<16xi32> to vector<32xbf16>
        %mul3A_1079 = arith.mulf %bitcast3A_1078, %bitcast3A_1064 : vector<32xbf16>
        %get3A_1080 = arith.index_cast %add3A_911 : i32 to index
        %get3A_1081 = arith.constant 304 : index
        %get3A_1082 = tpu.vector_load %arg10[%get3A_1080, %get3A_1081] {strides = array<i32>} : memref<192x384xi32, #tpu.memory_space<vmem>>, vector<16xi32>,
        %bitcast3A_1083 = vector.bitcast %get3A_1082 : vector<16xi32> to vector<32xbf16>
        %mul3A_1084 = arith.mulf %bitcast3A_1083, %bitcast3A_1064 : vector<32xbf16>
        %get3A_1085 = arith.index_cast %add3A_911 : i32 to index
        %get3A_1086 = arith.constant 320 : index
        %get3A_1087 = tpu.vector_load %arg10[%get3A_1085, %get3A_1086] {strides = array<i32>} : memref<192x384xi32, #tpu.memory_space<vmem>>, vector<16xi32>,
        %bitcast3A_1088 = vector.bitcast %get3A_1087 : vector<16xi32> to vector<32xbf16>
        %mul3A_1089 = arith.mulf %bitcast3A_1088, %bitcast3A_1064 : vector<32xbf16>
        %get3A_1090 = arith.index_cast %add3A_911 : i32 to index
        %get3A_1091 = arith.constant 336 : index
        %get3A_1092 = tpu.vector_load %arg10[%get3A_1090, %get3A_1091] {strides = array<i32>} : memref<192x384xi32, #tpu.memory_space<vmem>>, vector<16xi32>,
        %bitcast3A_1093 = vector.bitcast %get3A_1092 : vector<16xi32> to vector<32xbf16>
        %mul3A_1094 = arith.mulf %bitcast3A_1093, %bitcast3A_1064 : vector<32xbf16>
        %get3A_1095 = arith.index_cast %add3A_911 : i32 to index
        %get3A_1096 = arith.constant 352 : index
        %get3A_1097 = tpu.vector_load %arg10[%get3A_1095, %get3A_1096] {strides = array<i32>} : memref<192x384xi32, #tpu.memory_space<vmem>>, vector<16xi32>,
        %bitcast3A_1098 = vector.bitcast %get3A_1097 : vector<16xi32> to vector<32xbf16>
        %mul3A_1099 = arith.mulf %bitcast3A_1098, %bitcast3A_1064 : vector<32xbf16>
        %get3A_1100 = arith.index_cast %add3A_911 : i32 to index
        %get3A_1101 = arith.constant 368 : index
        %get3A_1102 = tpu.vector_load %arg10[%get3A_1100, %get3A_1101] {strides = array<i32>} : memref<192x384xi32, #tpu.memory_space<vmem>>, vector<16xi32>,
        %bitcast3A_1103 = vector.bitcast %get3A_1102 : vector<16xi32> to vector<32xbf16>
        %mul3A_1104 = arith.mulf %bitcast3A_1103, %bitcast3A_1064 : vector<32xbf16>
        %add3A_1105 = arith.addf %add3A_1038, %mul3A_1069 : vector<32xbf16>
        %add3A_1106 = arith.addf %add3A_1039, %mul3A_1074 : vector<32xbf16>
        %add3A_1107 = arith.addf %add3A_1040, %mul3A_1079 : vector<32xbf16>
        %add3A_1108 = arith.addf %add3A_1041, %mul3A_1084 : vector<32xbf16>
        %add3A_1109 = arith.addf %add3A_1042, %mul3A_1089 : vector<32xbf16>
        %add3A_1110 = arith.addf %add3A_1043, %mul3A_1094 : vector<32xbf16>
        %add3A_1111 = arith.addf %add3A_1044, %mul3A_1099 : vector<32xbf16>
        %add3A_1112 = arith.addf %add3A_1045, %mul3A_1104 : vector<32xbf16>
        %add3A_1113 = arith.constant 160 : i32
        %add3A_1114 = arith.addi %add3A_1113, %scan3A_714 : i32
        %add3A_1115 = arith.constant 480 : i32
        %add3A_1116 = arith.addi %add3A_1115, %shift_left3A_716 : i32
        %get3A_1117 = arith.index_cast %add3A_1116 : i32 to index
        %get3A_1118 = tpu.vector_load %arg9[%get3A_1117] {strides = array<i32>} : memref<576xf32, #tpu.memory_space<vmem>>, vector<16xf32>,
        %broadcast_in_dim3A_1119 = vector.shape_cast %broadcast_in_dim3A : vector<16xi32> to vector<16x1xi32>
        %gather3A_1120 = vector.shape_cast %broadcast_in_dim3A_1119 : vector<16x1xi32> to vector<16xi32>
        %gather3A_1121 = tpu.dynamic_gather %get3A_1118[%gather3A_1120] in [0] : vector<16xf32>, vector<16xi32> -> vector<16xf32>
        %bitcast3A_1122 = vector.bitcast %gather3A_1121 : vector<16xf32> to vector<16xi32>
        %add3A_1123 = arith.constant 32768 : i32
        %add3A_1124 = vector.broadcast %add3A_1123 : i32 to vector<16xi32>
        %add3A_1125 = arith.addi %bitcast3A_1122, %add3A_1124 : vector<16xi32>
        %shift_right_arithmetic3A_1126 = arith.constant 16 : i32
        %shift_right_arithmetic3A_1127 = vector.broadcast %shift_right_arithmetic3A_1126 : i32 to vector<16xi32>
        %shift_right_arithmetic3A_1128 = arith.shrsi %add3A_1125, %shift_right_arithmetic3A_1127 : vector<16xi32>
        %shift_left3A_1129 = arith.constant 16 : i32
        %shift_left3A_1130 = vector.broadcast %shift_left3A_1129 : i32 to vector<16xi32>
        %shift_left3A_1131 = arith.shli %shift_right_arithmetic3A_1128, %shift_left3A_1130 : vector<16xi32>
        %or3A_1132 = arith.ori %shift_right_arithmetic3A_1128, %shift_left3A_1131 : vector<16xi32>
        %bitcast3A_1133 = vector.bitcast %or3A_1132 : vector<16xi32> to vector<32xbf16>
        %get3A_1134 = arith.index_cast %add3A_1114 : i32 to index
        %get3A_1135 = arith.constant 0 : index
        %get3A_1136 = tpu.vector_load %arg10[%get3A_1134, %get3A_1135] {strides = array<i32>} : memref<192x384xi32, #tpu.memory_space<vmem>>, vector<16xi32>,
        %bitcast3A_1137 = vector.bitcast %get3A_1136 : vector<16xi32> to vector<32xbf16>
        %mul3A_1138 = arith.mulf %bitcast3A_1137, %bitcast3A_1133 : vector<32xbf16>
        %get3A_1139 = arith.index_cast %add3A_1114 : i32 to index
        %get3A_1140 = arith.constant 16 : index
        %get3A_1141 = tpu.vector_load %arg10[%get3A_1139, %get3A_1140] {strides = array<i32>} : memref<192x384xi32, #tpu.memory_space<vmem>>, vector<16xi32>,
        %bitcast3A_1142 = vector.bitcast %get3A_1141 : vector<16xi32> to vector<32xbf16>
        %mul3A_1143 = arith.mulf %bitcast3A_1142, %bitcast3A_1133 : vector<32xbf16>
        %get3A_1144 = arith.index_cast %add3A_1114 : i32 to index
        %get3A_1145 = arith.constant 32 : index
        %get3A_1146 = tpu.vector_load %arg10[%get3A_1144, %get3A_1145] {strides = array<i32>} : memref<192x384xi32, #tpu.memory_space<vmem>>, vector<16xi32>,
        %bitcast3A_1147 = vector.bitcast %get3A_1146 : vector<16xi32> to vector<32xbf16>
        %mul3A_1148 = arith.mulf %bitcast3A_1147, %bitcast3A_1133 : vector<32xbf16>
        %get3A_1149 = arith.index_cast %add3A_1114 : i32 to index
        %get3A_1150 = arith.constant 48 : index
        %get3A_1151 = tpu.vector_load %arg10[%get3A_1149, %get3A_1150] {strides = array<i32>} : memref<192x384xi32, #tpu.memory_space<vmem>>, vector<16xi32>,
        %bitcast3A_1152 = vector.bitcast %get3A_1151 : vector<16xi32> to vector<32xbf16>
        %mul3A_1153 = arith.mulf %bitcast3A_1152, %bitcast3A_1133 : vector<32xbf16>
        %get3A_1154 = arith.index_cast %add3A_1114 : i32 to index
        %get3A_1155 = arith.constant 64 : index
        %get3A_1156 = tpu.vector_load %arg10[%get3A_1154, %get3A_1155] {strides = array<i32>} : memref<192x384xi32, #tpu.memory_space<vmem>>, vector<16xi32>,
        %bitcast3A_1157 = vector.bitcast %get3A_1156 : vector<16xi32> to vector<32xbf16>
        %mul3A_1158 = arith.mulf %bitcast3A_1157, %bitcast3A_1133 : vector<32xbf16>
        %get3A_1159 = arith.index_cast %add3A_1114 : i32 to index
        %get3A_1160 = arith.constant 80 : index
        %get3A_1161 = tpu.vector_load %arg10[%get3A_1159, %get3A_1160] {strides = array<i32>} : memref<192x384xi32, #tpu.memory_space<vmem>>, vector<16xi32>,
        %bitcast3A_1162 = vector.bitcast %get3A_1161 : vector<16xi32> to vector<32xbf16>
        %mul3A_1163 = arith.mulf %bitcast3A_1162, %bitcast3A_1133 : vector<32xbf16>
        %get3A_1164 = arith.index_cast %add3A_1114 : i32 to index
        %get3A_1165 = arith.constant 96 : index
        %get3A_1166 = tpu.vector_load %arg10[%get3A_1164, %get3A_1165] {strides = array<i32>} : memref<192x384xi32, #tpu.memory_space<vmem>>, vector<16xi32>,
        %bitcast3A_1167 = vector.bitcast %get3A_1166 : vector<16xi32> to vector<32xbf16>
        %mul3A_1168 = arith.mulf %bitcast3A_1167, %bitcast3A_1133 : vector<32xbf16>
        %get3A_1169 = arith.index_cast %add3A_1114 : i32 to index
        %get3A_1170 = arith.constant 112 : index
        %get3A_1171 = tpu.vector_load %arg10[%get3A_1169, %get3A_1170] {strides = array<i32>} : memref<192x384xi32, #tpu.memory_space<vmem>>, vector<16xi32>,
        %bitcast3A_1172 = vector.bitcast %get3A_1171 : vector<16xi32> to vector<32xbf16>
        %mul3A_1173 = arith.mulf %bitcast3A_1172, %bitcast3A_1133 : vector<32xbf16>
        %add3A_1174 = arith.addf %add3A_1105, %mul3A_1138 : vector<32xbf16>
        %add3A_1175 = arith.addf %add3A_1106, %mul3A_1143 : vector<32xbf16>
        %add3A_1176 = arith.addf %add3A_1107, %mul3A_1148 : vector<32xbf16>
        %add3A_1177 = arith.addf %add3A_1108, %mul3A_1153 : vector<32xbf16>
        %add3A_1178 = arith.addf %add3A_1109, %mul3A_1158 : vector<32xbf16>
        %add3A_1179 = arith.addf %add3A_1110, %mul3A_1163 : vector<32xbf16>
        %add3A_1180 = arith.addf %add3A_1111, %mul3A_1168 : vector<32xbf16>
        %add3A_1181 = arith.addf %add3A_1112, %mul3A_1173 : vector<32xbf16>
        %add3A_1182 = arith.constant 512 : i32
        %add3A_1183 = arith.addi %add3A_1182, %shift_left3A_716 : i32
        %get3A_1184 = arith.index_cast %add3A_1183 : i32 to index
        %get3A_1185 = tpu.vector_load %arg9[%get3A_1184] {strides = array<i32>} : memref<576xf32, #tpu.memory_space<vmem>>, vector<16xf32>,
        %broadcast_in_dim3A_1186 = vector.shape_cast %broadcast_in_dim3A : vector<16xi32> to vector<16x1xi32>
        %gather3A_1187 = vector.shape_cast %broadcast_in_dim3A_1186 : vector<16x1xi32> to vector<16xi32>
        %gather3A_1188 = tpu.dynamic_gather %get3A_1185[%gather3A_1187] in [0] : vector<16xf32>, vector<16xi32> -> vector<16xf32>
        %bitcast3A_1189 = vector.bitcast %gather3A_1188 : vector<16xf32> to vector<16xi32>
        %add3A_1190 = arith.constant 32768 : i32
        %add3A_1191 = vector.broadcast %add3A_1190 : i32 to vector<16xi32>
        %add3A_1192 = arith.addi %bitcast3A_1189, %add3A_1191 : vector<16xi32>
        %shift_right_arithmetic3A_1193 = arith.constant 16 : i32
        %shift_right_arithmetic3A_1194 = vector.broadcast %shift_right_arithmetic3A_1193 : i32 to vector<16xi32>
        %shift_right_arithmetic3A_1195 = arith.shrsi %add3A_1192, %shift_right_arithmetic3A_1194 : vector<16xi32>
        %shift_left3A_1196 = arith.constant 16 : i32
        %shift_left3A_1197 = vector.broadcast %shift_left3A_1196 : i32 to vector<16xi32>
        %shift_left3A_1198 = arith.shli %shift_right_arithmetic3A_1195, %shift_left3A_1197 : vector<16xi32>
        %or3A_1199 = arith.ori %shift_right_arithmetic3A_1195, %shift_left3A_1198 : vector<16xi32>
        %bitcast3A_1200 = vector.bitcast %or3A_1199 : vector<16xi32> to vector<32xbf16>
        %get3A_1201 = arith.index_cast %add3A_1114 : i32 to index
        %get3A_1202 = arith.constant 128 : index
        %get3A_1203 = tpu.vector_load %arg10[%get3A_1201, %get3A_1202] {strides = array<i32>} : memref<192x384xi32, #tpu.memory_space<vmem>>, vector<16xi32>,
        %bitcast3A_1204 = vector.bitcast %get3A_1203 : vector<16xi32> to vector<32xbf16>
        %mul3A_1205 = arith.mulf %bitcast3A_1204, %bitcast3A_1200 : vector<32xbf16>
        %get3A_1206 = arith.index_cast %add3A_1114 : i32 to index
        %get3A_1207 = arith.constant 144 : index
        %get3A_1208 = tpu.vector_load %arg10[%get3A_1206, %get3A_1207] {strides = array<i32>} : memref<192x384xi32, #tpu.memory_space<vmem>>, vector<16xi32>,
        %bitcast3A_1209 = vector.bitcast %get3A_1208 : vector<16xi32> to vector<32xbf16>
        %mul3A_1210 = arith.mulf %bitcast3A_1209, %bitcast3A_1200 : vector<32xbf16>
        %get3A_1211 = arith.index_cast %add3A_1114 : i32 to index
        %get3A_1212 = arith.constant 160 : index
        %get3A_1213 = tpu.vector_load %arg10[%get3A_1211, %get3A_1212] {strides = array<i32>} : memref<192x384xi32, #tpu.memory_space<vmem>>, vector<16xi32>,
        %bitcast3A_1214 = vector.bitcast %get3A_1213 : vector<16xi32> to vector<32xbf16>
        %mul3A_1215 = arith.mulf %bitcast3A_1214, %bitcast3A_1200 : vector<32xbf16>
        %get3A_1216 = arith.index_cast %add3A_1114 : i32 to index
        %get3A_1217 = arith.constant 176 : index
        %get3A_1218 = tpu.vector_load %arg10[%get3A_1216, %get3A_1217] {strides = array<i32>} : memref<192x384xi32, #tpu.memory_space<vmem>>, vector<16xi32>,
        %bitcast3A_1219 = vector.bitcast %get3A_1218 : vector<16xi32> to vector<32xbf16>
        %mul3A_1220 = arith.mulf %bitcast3A_1219, %bitcast3A_1200 : vector<32xbf16>
        %get3A_1221 = arith.index_cast %add3A_1114 : i32 to index
        %get3A_1222 = arith.constant 192 : index
        %get3A_1223 = tpu.vector_load %arg10[%get3A_1221, %get3A_1222] {strides = array<i32>} : memref<192x384xi32, #tpu.memory_space<vmem>>, vector<16xi32>,
        %bitcast3A_1224 = vector.bitcast %get3A_1223 : vector<16xi32> to vector<32xbf16>
        %mul3A_1225 = arith.mulf %bitcast3A_1224, %bitcast3A_1200 : vector<32xbf16>
        %get3A_1226 = arith.index_cast %add3A_1114 : i32 to index
        %get3A_1227 = arith.constant 208 : index
        %get3A_1228 = tpu.vector_load %arg10[%get3A_1226, %get3A_1227] {strides = array<i32>} : memref<192x384xi32, #tpu.memory_space<vmem>>, vector<16xi32>,
        %bitcast3A_1229 = vector.bitcast %get3A_1228 : vector<16xi32> to vector<32xbf16>
        %mul3A_1230 = arith.mulf %bitcast3A_1229, %bitcast3A_1200 : vector<32xbf16>
        %get3A_1231 = arith.index_cast %add3A_1114 : i32 to index
        %get3A_1232 = arith.constant 224 : index
        %get3A_1233 = tpu.vector_load %arg10[%get3A_1231, %get3A_1232] {strides = array<i32>} : memref<192x384xi32, #tpu.memory_space<vmem>>, vector<16xi32>,
        %bitcast3A_1234 = vector.bitcast %get3A_1233 : vector<16xi32> to vector<32xbf16>
        %mul3A_1235 = arith.mulf %bitcast3A_1234, %bitcast3A_1200 : vector<32xbf16>
        %get3A_1236 = arith.index_cast %add3A_1114 : i32 to index
        %get3A_1237 = arith.constant 240 : index
        %get3A_1238 = tpu.vector_load %arg10[%get3A_1236, %get3A_1237] {strides = array<i32>} : memref<192x384xi32, #tpu.memory_space<vmem>>, vector<16xi32>,
        %bitcast3A_1239 = vector.bitcast %get3A_1238 : vector<16xi32> to vector<32xbf16>
        %mul3A_1240 = arith.mulf %bitcast3A_1239, %bitcast3A_1200 : vector<32xbf16>
        %add3A_1241 = arith.addf %add3A_1174, %mul3A_1205 : vector<32xbf16>
        %add3A_1242 = arith.addf %add3A_1175, %mul3A_1210 : vector<32xbf16>
        %add3A_1243 = arith.addf %add3A_1176, %mul3A_1215 : vector<32xbf16>
        %add3A_1244 = arith.addf %add3A_1177, %mul3A_1220 : vector<32xbf16>
        %add3A_1245 = arith.addf %add3A_1178, %mul3A_1225 : vector<32xbf16>
        %add3A_1246 = arith.addf %add3A_1179, %mul3A_1230 : vector<32xbf16>
        %add3A_1247 = arith.addf %add3A_1180, %mul3A_1235 : vector<32xbf16>
        %add3A_1248 = arith.addf %add3A_1181, %mul3A_1240 : vector<32xbf16>
        %add3A_1249 = arith.constant 544 : i32
        %add3A_1250 = arith.addi %add3A_1249, %shift_left3A_716 : i32
        %get3A_1251 = arith.index_cast %add3A_1250 : i32 to index
        %get3A_1252 = tpu.vector_load %arg9[%get3A_1251] {strides = array<i32>} : memref<576xf32, #tpu.memory_space<vmem>>, vector<16xf32>,
        %broadcast_in_dim3A_1253 = vector.shape_cast %broadcast_in_dim3A : vector<16xi32> to vector<16x1xi32>
        %gather3A_1254 = vector.shape_cast %broadcast_in_dim3A_1253 : vector<16x1xi32> to vector<16xi32>
        %gather3A_1255 = tpu.dynamic_gather %get3A_1252[%gather3A_1254] in [0] : vector<16xf32>, vector<16xi32> -> vector<16xf32>
        %bitcast3A_1256 = vector.bitcast %gather3A_1255 : vector<16xf32> to vector<16xi32>
        %add3A_1257 = arith.constant 32768 : i32
        %add3A_1258 = vector.broadcast %add3A_1257 : i32 to vector<16xi32>
        %add3A_1259 = arith.addi %bitcast3A_1256, %add3A_1258 : vector<16xi32>
        %shift_right_arithmetic3A_1260 = arith.constant 16 : i32
        %shift_right_arithmetic3A_1261 = vector.broadcast %shift_right_arithmetic3A_1260 : i32 to vector<16xi32>
        %shift_right_arithmetic3A_1262 = arith.shrsi %add3A_1259, %shift_right_arithmetic3A_1261 : vector<16xi32>
        %shift_left3A_1263 = arith.constant 16 : i32
        %shift_left3A_1264 = vector.broadcast %shift_left3A_1263 : i32 to vector<16xi32>
        %shift_left3A_1265 = arith.shli %shift_right_arithmetic3A_1262, %shift_left3A_1264 : vector<16xi32>
        %or3A_1266 = arith.ori %shift_right_arithmetic3A_1262, %shift_left3A_1265 : vector<16xi32>
        %bitcast3A_1267 = vector.bitcast %or3A_1266 : vector<16xi32> to vector<32xbf16>
        %get3A_1268 = arith.index_cast %add3A_1114 : i32 to index
        %get3A_1269 = arith.constant 256 : index
        %get3A_1270 = tpu.vector_load %arg10[%get3A_1268, %get3A_1269] {strides = array<i32>} : memref<192x384xi32, #tpu.memory_space<vmem>>, vector<16xi32>,
        %bitcast3A_1271 = vector.bitcast %get3A_1270 : vector<16xi32> to vector<32xbf16>
        %mul3A_1272 = arith.mulf %bitcast3A_1271, %bitcast3A_1267 : vector<32xbf16>
        %get3A_1273 = arith.index_cast %add3A_1114 : i32 to index
        %get3A_1274 = arith.constant 272 : index
        %get3A_1275 = tpu.vector_load %arg10[%get3A_1273, %get3A_1274] {strides = array<i32>} : memref<192x384xi32, #tpu.memory_space<vmem>>, vector<16xi32>,
        %bitcast3A_1276 = vector.bitcast %get3A_1275 : vector<16xi32> to vector<32xbf16>
        %mul3A_1277 = arith.mulf %bitcast3A_1276, %bitcast3A_1267 : vector<32xbf16>
        %get3A_1278 = arith.index_cast %add3A_1114 : i32 to index
        %get3A_1279 = arith.constant 288 : index
        %get3A_1280 = tpu.vector_load %arg10[%get3A_1278, %get3A_1279] {strides = array<i32>} : memref<192x384xi32, #tpu.memory_space<vmem>>, vector<16xi32>,
        %bitcast3A_1281 = vector.bitcast %get3A_1280 : vector<16xi32> to vector<32xbf16>
        %mul3A_1282 = arith.mulf %bitcast3A_1281, %bitcast3A_1267 : vector<32xbf16>
        %get3A_1283 = arith.index_cast %add3A_1114 : i32 to index
        %get3A_1284 = arith.constant 304 : index
        %get3A_1285 = tpu.vector_load %arg10[%get3A_1283, %get3A_1284] {strides = array<i32>} : memref<192x384xi32, #tpu.memory_space<vmem>>, vector<16xi32>,
        %bitcast3A_1286 = vector.bitcast %get3A_1285 : vector<16xi32> to vector<32xbf16>
        %mul3A_1287 = arith.mulf %bitcast3A_1286, %bitcast3A_1267 : vector<32xbf16>
        %get3A_1288 = arith.index_cast %add3A_1114 : i32 to index
        %get3A_1289 = arith.constant 320 : index
        %get3A_1290 = tpu.vector_load %arg10[%get3A_1288, %get3A_1289] {strides = array<i32>} : memref<192x384xi32, #tpu.memory_space<vmem>>, vector<16xi32>,
        %bitcast3A_1291 = vector.bitcast %get3A_1290 : vector<16xi32> to vector<32xbf16>
        %mul3A_1292 = arith.mulf %bitcast3A_1291, %bitcast3A_1267 : vector<32xbf16>
        %get3A_1293 = arith.index_cast %add3A_1114 : i32 to index
        %get3A_1294 = arith.constant 336 : index
        %get3A_1295 = tpu.vector_load %arg10[%get3A_1293, %get3A_1294] {strides = array<i32>} : memref<192x384xi32, #tpu.memory_space<vmem>>, vector<16xi32>,
        %bitcast3A_1296 = vector.bitcast %get3A_1295 : vector<16xi32> to vector<32xbf16>
        %mul3A_1297 = arith.mulf %bitcast3A_1296, %bitcast3A_1267 : vector<32xbf16>
        %get3A_1298 = arith.index_cast %add3A_1114 : i32 to index
        %get3A_1299 = arith.constant 352 : index
        %get3A_1300 = tpu.vector_load %arg10[%get3A_1298, %get3A_1299] {strides = array<i32>} : memref<192x384xi32, #tpu.memory_space<vmem>>, vector<16xi32>,
        %bitcast3A_1301 = vector.bitcast %get3A_1300 : vector<16xi32> to vector<32xbf16>
        %mul3A_1302 = arith.mulf %bitcast3A_1301, %bitcast3A_1267 : vector<32xbf16>
        %get3A_1303 = arith.index_cast %add3A_1114 : i32 to index
        %get3A_1304 = arith.constant 368 : index
        %get3A_1305 = tpu.vector_load %arg10[%get3A_1303, %get3A_1304] {strides = array<i32>} : memref<192x384xi32, #tpu.memory_space<vmem>>, vector<16xi32>,
        %bitcast3A_1306 = vector.bitcast %get3A_1305 : vector<16xi32> to vector<32xbf16>
        %mul3A_1307 = arith.mulf %bitcast3A_1306, %bitcast3A_1267 : vector<32xbf16>
        %add3A_1308 = arith.addf %add3A_1241, %mul3A_1272 : vector<32xbf16>
        %add3A_1309 = arith.addf %add3A_1242, %mul3A_1277 : vector<32xbf16>
        %add3A_1310 = arith.addf %add3A_1243, %mul3A_1282 : vector<32xbf16>
        %add3A_1311 = arith.addf %add3A_1244, %mul3A_1287 : vector<32xbf16>
        %add3A_1312 = arith.addf %add3A_1245, %mul3A_1292 : vector<32xbf16>
        %add3A_1313 = arith.addf %add3A_1246, %mul3A_1297 : vector<32xbf16>
        %add3A_1314 = arith.addf %add3A_1247, %mul3A_1302 : vector<32xbf16>
        %add3A_1315 = arith.addf %add3A_1248, %mul3A_1307 : vector<32xbf16>
        %add3A_1316 = arith.constant 32 : i32
        %add3A_1317 = arith.addi %add3A_1316, %scan3A_714 : i32
        %bitcast3A_1318 = vector.bitcast %add3A_1308 : vector<32xbf16> to vector<16xi32>
        %shift_left3A_1319 = arith.constant 16 : i32
        %shift_left3A_1320 = vector.broadcast %shift_left3A_1319 : i32 to vector<16xi32>
        %shift_left3A_1321 = arith.shli %bitcast3A_1318, %shift_left3A_1320 : vector<16xi32>
        %bitcast3A_1322 = vector.bitcast %shift_left3A_1321 : vector<16xi32> to vector<16xf32>
        %swap3A_1323 = arith.index_cast %add3A_1317 : i32 to index
        %swap3A_1324 = arith.constant 0 : index
        %swap3A_1325 = tpu.vector_load %arg11[%swap3A_1323, %swap3A_1324] {strides = array<i32>} : memref<64x256xf32, #tpu.memory_space<vmem>>, vector<16xf32>,
        tpu.vector_store %arg11[%swap3A_1323, %swap3A_1324], %bitcast3A_1322 {strides = array<i32>} : memref<64x256xf32, #tpu.memory_space<vmem>>, vector<16xf32>,
        %and3A_1326 = arith.constant -65536 : i32
        %and3A_1327 = vector.broadcast %and3A_1326 : i32 to vector<16xi32>
        %and3A_1328 = arith.andi %bitcast3A_1318, %and3A_1327 : vector<16xi32>
        %bitcast3A_1329 = vector.bitcast %and3A_1328 : vector<16xi32> to vector<16xf32>
        %swap3A_1330 = arith.index_cast %add3A_1317 : i32 to index
        %swap3A_1331 = arith.constant 16 : index
        %swap3A_1332 = tpu.vector_load %arg11[%swap3A_1330, %swap3A_1331] {strides = array<i32>} : memref<64x256xf32, #tpu.memory_space<vmem>>, vector<16xf32>,
        tpu.vector_store %arg11[%swap3A_1330, %swap3A_1331], %bitcast3A_1329 {strides = array<i32>} : memref<64x256xf32, #tpu.memory_space<vmem>>, vector<16xf32>,
        %bitcast3A_1333 = vector.bitcast %add3A_1309 : vector<32xbf16> to vector<16xi32>
        %shift_left3A_1334 = arith.constant 16 : i32
        %shift_left3A_1335 = vector.broadcast %shift_left3A_1334 : i32 to vector<16xi32>
        %shift_left3A_1336 = arith.shli %bitcast3A_1333, %shift_left3A_1335 : vector<16xi32>
        %bitcast3A_1337 = vector.bitcast %shift_left3A_1336 : vector<16xi32> to vector<16xf32>
        %swap3A_1338 = arith.index_cast %add3A_1317 : i32 to index
        %swap3A_1339 = arith.constant 32 : index
        %swap3A_1340 = tpu.vector_load %arg11[%swap3A_1338, %swap3A_1339] {strides = array<i32>} : memref<64x256xf32, #tpu.memory_space<vmem>>, vector<16xf32>,
        tpu.vector_store %arg11[%swap3A_1338, %swap3A_1339], %bitcast3A_1337 {strides = array<i32>} : memref<64x256xf32, #tpu.memory_space<vmem>>, vector<16xf32>,
        %and3A_1341 = arith.constant -65536 : i32
        %and3A_1342 = vector.broadcast %and3A_1341 : i32 to vector<16xi32>
        %and3A_1343 = arith.andi %bitcast3A_1333, %and3A_1342 : vector<16xi32>
        %bitcast3A_1344 = vector.bitcast %and3A_1343 : vector<16xi32> to vector<16xf32>
        %swap3A_1345 = arith.index_cast %add3A_1317 : i32 to index
        %swap3A_1346 = arith.constant 48 : index
        %swap3A_1347 = tpu.vector_load %arg11[%swap3A_1345, %swap3A_1346] {strides = array<i32>} : memref<64x256xf32, #tpu.memory_space<vmem>>, vector<16xf32>,
        tpu.vector_store %arg11[%swap3A_1345, %swap3A_1346], %bitcast3A_1344 {strides = array<i32>} : memref<64x256xf32, #tpu.memory_space<vmem>>, vector<16xf32>,
        %bitcast3A_1348 = vector.bitcast %add3A_1310 : vector<32xbf16> to vector<16xi32>
        %shift_left3A_1349 = arith.constant 16 : i32
        %shift_left3A_1350 = vector.broadcast %shift_left3A_1349 : i32 to vector<16xi32>
        %shift_left3A_1351 = arith.shli %bitcast3A_1348, %shift_left3A_1350 : vector<16xi32>
        %bitcast3A_1352 = vector.bitcast %shift_left3A_1351 : vector<16xi32> to vector<16xf32>
        %swap3A_1353 = arith.index_cast %add3A_1317 : i32 to index
        %swap3A_1354 = arith.constant 64 : index
        %swap3A_1355 = tpu.vector_load %arg11[%swap3A_1353, %swap3A_1354] {strides = array<i32>} : memref<64x256xf32, #tpu.memory_space<vmem>>, vector<16xf32>,
        tpu.vector_store %arg11[%swap3A_1353, %swap3A_1354], %bitcast3A_1352 {strides = array<i32>} : memref<64x256xf32, #tpu.memory_space<vmem>>, vector<16xf32>,
        %and3A_1356 = arith.constant -65536 : i32
        %and3A_1357 = vector.broadcast %and3A_1356 : i32 to vector<16xi32>
        %and3A_1358 = arith.andi %bitcast3A_1348, %and3A_1357 : vector<16xi32>
        %bitcast3A_1359 = vector.bitcast %and3A_1358 : vector<16xi32> to vector<16xf32>
        %swap3A_1360 = arith.index_cast %add3A_1317 : i32 to index
        %swap3A_1361 = arith.constant 80 : index
        %swap3A_1362 = tpu.vector_load %arg11[%swap3A_1360, %swap3A_1361] {strides = array<i32>} : memref<64x256xf32, #tpu.memory_space<vmem>>, vector<16xf32>,
        tpu.vector_store %arg11[%swap3A_1360, %swap3A_1361], %bitcast3A_1359 {strides = array<i32>} : memref<64x256xf32, #tpu.memory_space<vmem>>, vector<16xf32>,
        %bitcast3A_1363 = vector.bitcast %add3A_1311 : vector<32xbf16> to vector<16xi32>
        %shift_left3A_1364 = arith.constant 16 : i32
        %shift_left3A_1365 = vector.broadcast %shift_left3A_1364 : i32 to vector<16xi32>
        %shift_left3A_1366 = arith.shli %bitcast3A_1363, %shift_left3A_1365 : vector<16xi32>
        %bitcast3A_1367 = vector.bitcast %shift_left3A_1366 : vector<16xi32> to vector<16xf32>
        %swap3A_1368 = arith.index_cast %add3A_1317 : i32 to index
        %swap3A_1369 = arith.constant 96 : index
        %swap3A_1370 = tpu.vector_load %arg11[%swap3A_1368, %swap3A_1369] {strides = array<i32>} : memref<64x256xf32, #tpu.memory_space<vmem>>, vector<16xf32>,
        tpu.vector_store %arg11[%swap3A_1368, %swap3A_1369], %bitcast3A_1367 {strides = array<i32>} : memref<64x256xf32, #tpu.memory_space<vmem>>, vector<16xf32>,
        %and3A_1371 = arith.constant -65536 : i32
        %and3A_1372 = vector.broadcast %and3A_1371 : i32 to vector<16xi32>
        %and3A_1373 = arith.andi %bitcast3A_1363, %and3A_1372 : vector<16xi32>
        %bitcast3A_1374 = vector.bitcast %and3A_1373 : vector<16xi32> to vector<16xf32>
        %swap3A_1375 = arith.index_cast %add3A_1317 : i32 to index
        %swap3A_1376 = arith.constant 112 : index
        %swap3A_1377 = tpu.vector_load %arg11[%swap3A_1375, %swap3A_1376] {strides = array<i32>} : memref<64x256xf32, #tpu.memory_space<vmem>>, vector<16xf32>,
        tpu.vector_store %arg11[%swap3A_1375, %swap3A_1376], %bitcast3A_1374 {strides = array<i32>} : memref<64x256xf32, #tpu.memory_space<vmem>>, vector<16xf32>,
        %bitcast3A_1378 = vector.bitcast %add3A_1312 : vector<32xbf16> to vector<16xi32>
        %shift_left3A_1379 = arith.constant 16 : i32
        %shift_left3A_1380 = vector.broadcast %shift_left3A_1379 : i32 to vector<16xi32>
        %shift_left3A_1381 = arith.shli %bitcast3A_1378, %shift_left3A_1380 : vector<16xi32>
        %bitcast3A_1382 = vector.bitcast %shift_left3A_1381 : vector<16xi32> to vector<16xf32>
        %swap3A_1383 = arith.index_cast %add3A_1317 : i32 to index
        %swap3A_1384 = arith.constant 128 : index
        %swap3A_1385 = tpu.vector_load %arg11[%swap3A_1383, %swap3A_1384] {strides = array<i32>} : memref<64x256xf32, #tpu.memory_space<vmem>>, vector<16xf32>,
        tpu.vector_store %arg11[%swap3A_1383, %swap3A_1384], %bitcast3A_1382 {strides = array<i32>} : memref<64x256xf32, #tpu.memory_space<vmem>>, vector<16xf32>,
        %and3A_1386 = arith.constant -65536 : i32
        %and3A_1387 = vector.broadcast %and3A_1386 : i32 to vector<16xi32>
        %and3A_1388 = arith.andi %bitcast3A_1378, %and3A_1387 : vector<16xi32>
        %bitcast3A_1389 = vector.bitcast %and3A_1388 : vector<16xi32> to vector<16xf32>
        %swap3A_1390 = arith.index_cast %add3A_1317 : i32 to index
        %swap3A_1391 = arith.constant 144 : index
        %swap3A_1392 = tpu.vector_load %arg11[%swap3A_1390, %swap3A_1391] {strides = array<i32>} : memref<64x256xf32, #tpu.memory_space<vmem>>, vector<16xf32>,
        tpu.vector_store %arg11[%swap3A_1390, %swap3A_1391], %bitcast3A_1389 {strides = array<i32>} : memref<64x256xf32, #tpu.memory_space<vmem>>, vector<16xf32>,
        %bitcast3A_1393 = vector.bitcast %add3A_1313 : vector<32xbf16> to vector<16xi32>
        %shift_left3A_1394 = arith.constant 16 : i32
        %shift_left3A_1395 = vector.broadcast %shift_left3A_1394 : i32 to vector<16xi32>
        %shift_left3A_1396 = arith.shli %bitcast3A_1393, %shift_left3A_1395 : vector<16xi32>
        %bitcast3A_1397 = vector.bitcast %shift_left3A_1396 : vector<16xi32> to vector<16xf32>
        %swap3A_1398 = arith.index_cast %add3A_1317 : i32 to index
        %swap3A_1399 = arith.constant 160 : index
        %swap3A_1400 = tpu.vector_load %arg11[%swap3A_1398, %swap3A_1399] {strides = array<i32>} : memref<64x256xf32, #tpu.memory_space<vmem>>, vector<16xf32>,
        tpu.vector_store %arg11[%swap3A_1398, %swap3A_1399], %bitcast3A_1397 {strides = array<i32>} : memref<64x256xf32, #tpu.memory_space<vmem>>, vector<16xf32>,
        %and3A_1401 = arith.constant -65536 : i32
        %and3A_1402 = vector.broadcast %and3A_1401 : i32 to vector<16xi32>
        %and3A_1403 = arith.andi %bitcast3A_1393, %and3A_1402 : vector<16xi32>
        %bitcast3A_1404 = vector.bitcast %and3A_1403 : vector<16xi32> to vector<16xf32>
        %swap3A_1405 = arith.index_cast %add3A_1317 : i32 to index
        %swap3A_1406 = arith.constant 176 : index
        %swap3A_1407 = tpu.vector_load %arg11[%swap3A_1405, %swap3A_1406] {strides = array<i32>} : memref<64x256xf32, #tpu.memory_space<vmem>>, vector<16xf32>,
        tpu.vector_store %arg11[%swap3A_1405, %swap3A_1406], %bitcast3A_1404 {strides = array<i32>} : memref<64x256xf32, #tpu.memory_space<vmem>>, vector<16xf32>,
        %bitcast3A_1408 = vector.bitcast %add3A_1314 : vector<32xbf16> to vector<16xi32>
        %shift_left3A_1409 = arith.constant 16 : i32
        %shift_left3A_1410 = vector.broadcast %shift_left3A_1409 : i32 to vector<16xi32>
        %shift_left3A_1411 = arith.shli %bitcast3A_1408, %shift_left3A_1410 : vector<16xi32>
        %bitcast3A_1412 = vector.bitcast %shift_left3A_1411 : vector<16xi32> to vector<16xf32>
        %swap3A_1413 = arith.index_cast %add3A_1317 : i32 to index
        %swap3A_1414 = arith.constant 192 : index
        %swap3A_1415 = tpu.vector_load %arg11[%swap3A_1413, %swap3A_1414] {strides = array<i32>} : memref<64x256xf32, #tpu.memory_space<vmem>>, vector<16xf32>,
        tpu.vector_store %arg11[%swap3A_1413, %swap3A_1414], %bitcast3A_1412 {strides = array<i32>} : memref<64x256xf32, #tpu.memory_space<vmem>>, vector<16xf32>,
        %and3A_1416 = arith.constant -65536 : i32
        %and3A_1417 = vector.broadcast %and3A_1416 : i32 to vector<16xi32>
        %and3A_1418 = arith.andi %bitcast3A_1408, %and3A_1417 : vector<16xi32>
        %bitcast3A_1419 = vector.bitcast %and3A_1418 : vector<16xi32> to vector<16xf32>
        %swap3A_1420 = arith.index_cast %add3A_1317 : i32 to index
        %swap3A_1421 = arith.constant 208 : index
        %swap3A_1422 = tpu.vector_load %arg11[%swap3A_1420, %swap3A_1421] {strides = array<i32>} : memref<64x256xf32, #tpu.memory_space<vmem>>, vector<16xf32>,
        tpu.vector_store %arg11[%swap3A_1420, %swap3A_1421], %bitcast3A_1419 {strides = array<i32>} : memref<64x256xf32, #tpu.memory_space<vmem>>, vector<16xf32>,
        %bitcast3A_1423 = vector.bitcast %add3A_1315 : vector<32xbf16> to vector<16xi32>
        %shift_left3A_1424 = arith.constant 16 : i32
        %shift_left3A_1425 = vector.broadcast %shift_left3A_1424 : i32 to vector<16xi32>
        %shift_left3A_1426 = arith.shli %bitcast3A_1423, %shift_left3A_1425 : vector<16xi32>
        %bitcast3A_1427 = vector.bitcast %shift_left3A_1426 : vector<16xi32> to vector<16xf32>
        %swap3A_1428 = arith.index_cast %add3A_1317 : i32 to index
        %swap3A_1429 = arith.constant 224 : index
        %swap3A_1430 = tpu.vector_load %arg11[%swap3A_1428, %swap3A_1429] {strides = array<i32>} : memref<64x256xf32, #tpu.memory_space<vmem>>, vector<16xf32>,
        tpu.vector_store %arg11[%swap3A_1428, %swap3A_1429], %bitcast3A_1427 {strides = array<i32>} : memref<64x256xf32, #tpu.memory_space<vmem>>, vector<16xf32>,
        %and3A_1431 = arith.constant -65536 : i32
        %and3A_1432 = vector.broadcast %and3A_1431 : i32 to vector<16xi32>
        %and3A_1433 = arith.andi %bitcast3A_1423, %and3A_1432 : vector<16xi32>
        %bitcast3A_1434 = vector.bitcast %and3A_1433 : vector<16xi32> to vector<16xf32>
        %swap3A_1435 = arith.index_cast %add3A_1317 : i32 to index
        %swap3A_1436 = arith.constant 240 : index
        %swap3A_1437 = tpu.vector_load %arg11[%swap3A_1435, %swap3A_1436] {strides = array<i32>} : memref<64x256xf32, #tpu.memory_space<vmem>>, vector<16xf32>,
        tpu.vector_store %arg11[%swap3A_1435, %swap3A_1436], %bitcast3A_1434 {strides = array<i32>} : memref<64x256xf32, #tpu.memory_space<vmem>>, vector<16xf32>,
      }
      %scan3A_700 = arith.constant 32 : i32
      %mul3A_701 = arith.constant 32 : i32
      %mul3A_702 = arith.muli %add3A_322, %mul3A_701 : i32
      %add3A_703 = arith.addi %mul3A_2, %mul3A_702 : i32
      %dma_start3A_704 = arith.constant 32 : i32
      %dma_start3A_705 = arith.constant 0 : i32
      %dma_start3A_706 = tpu.memref_slice %arg11[%dma_start3A_704, %dma_start3A_705] : memref<64x256xf32, #tpu.memory_space<vmem>> -> memref<32x256xf32, #tpu.memory_space<vmem>>
      %dma_start3A_707 = arith.constant 0 : i32
      %dma_start3A_708 = tpu.memref_slice %arg6[%add3A_703, %dma_start3A_707] : memref<262144x256xf32, #tpu.memory_space<hbm>> -> memref<32x256xf32, #tpu.memory_space<hbm>>
      %dma_start3A_709 = arith.constant 0 : i32
      %dma_start3A_710 = tpu.memref_slice %arg6[%add3A_703, %dma_start3A_709] : memref<262144x256xf32, #tpu.memory_space<hbm>> -> memref<32x256xf32, #tpu.memory_space<hbm>>
      %dma_start3A_711 = arith.constant 32 : i32
      %dma_start3A_712 = arith.constant 0 : i32
      %dma_start3A_713 = tpu.memref_slice %arg11[%dma_start3A_711, %dma_start3A_712] : memref<64x256xf32, #tpu.memory_space<vmem>> -> memref<32x256xf32, #tpu.memory_space<vmem>>
      tpu.enqueue_dma source(%dma_start3A_713 : memref<32x256xf32, #tpu.memory_space<vmem>>) target(%dma_start3A_710 : memref<32x256xf32, #tpu.memory_space<hbm>>) target_semaphore(%arg15 : memref<!tpu.dma_semaphore, #tpu.memory_space<semaphore_mem>>)
    }
    %scan3A_294 = arith.constant 128 : i32
    %add3A_295 = arith.constant 8128 : i32
    %add3A_296 = arith.addi %mul3A_2, %add3A_295 : i32
    %dma_wait3A = arith.constant 0 : i32
    %dma_wait3A_297 = arith.constant 0 : i32
    %dma_wait3A_298 = tpu.memref_slice %arg11[%dma_wait3A, %dma_wait3A_297] : memref<64x256xf32, #tpu.memory_space<vmem>> -> memref<32x256xf32, #tpu.memory_space<vmem>>
    %dma_wait3A_299 = arith.constant 0 : i32
    %dma_wait3A_300 = tpu.memref_slice %arg6[%add3A_296, %dma_wait3A_299] : memref<262144x256xf32, #tpu.memory_space<hbm>> -> memref<32x256xf32, #tpu.memory_space<hbm>>
    %dma_wait3A_301 = arith.constant 0 : i32
    %dma_wait3A_302 = tpu.memref_slice %arg6[%add3A_296, %dma_wait3A_301] : memref<262144x256xf32, #tpu.memory_space<hbm>> -> memref<32x256xf32, #tpu.memory_space<hbm>>
    %dma_wait3A_303 = arith.constant 0 : i32
    %dma_wait3A_304 = arith.constant 0 : i32
    %dma_wait3A_305 = tpu.memref_slice %arg11[%dma_wait3A_303, %dma_wait3A_304] : memref<64x256xf32, #tpu.memory_space<vmem>> -> memref<32x256xf32, #tpu.memory_space<vmem>>
    tpu.wait_dma2 semaphore(%arg14 : memref<!tpu.dma_semaphore, #tpu.memory_space<semaphore_mem>>) src(%dma_wait3A_305 : memref<32x256xf32, #tpu.memory_space<vmem>>) dst(%dma_wait3A_302 : memref<32x256xf32, #tpu.memory_space<hbm>>)
    %add3A_306 = arith.constant 8160 : i32
    %add3A_307 = arith.addi %mul3A_2, %add3A_306 : i32
    %dma_wait3A_308 = arith.constant 32 : i32
    %dma_wait3A_309 = arith.constant 0 : i32
    %dma_wait3A_310 = tpu.memref_slice %arg11[%dma_wait3A_308, %dma_wait3A_309] : memref<64x256xf32, #tpu.memory_space<vmem>> -> memref<32x256xf32, #tpu.memory_space<vmem>>
    %dma_wait3A_311 = arith.constant 0 : i32
    %dma_wait3A_312 = tpu.memref_slice %arg6[%add3A_307, %dma_wait3A_311] : memref<262144x256xf32, #tpu.memory_space<hbm>> -> memref<32x256xf32, #tpu.memory_space<hbm>>
    %dma_wait3A_313 = arith.constant 0 : i32
    %dma_wait3A_314 = tpu.memref_slice %arg6[%add3A_307, %dma_wait3A_313] : memref<262144x256xf32, #tpu.memory_space<hbm>> -> memref<32x256xf32, #tpu.memory_space<hbm>>
    %dma_wait3A_315 = arith.constant 32 : i32
    %dma_wait3A_316 = arith.constant 0 : i32
    %dma_wait3A_317 = tpu.memref_slice %arg11[%dma_wait3A_315, %dma_wait3A_316] : memref<64x256xf32, #tpu.memory_space<vmem>> -> memref<32x256xf32, #tpu.memory_space<vmem>>
    tpu.wait_dma2 semaphore(%arg15 : memref<!tpu.dma_semaphore, #tpu.memory_space<semaphore_mem>>) src(%dma_wait3A_317 : memref<32x256xf32, #tpu.memory_space<vmem>>) dst(%dma_wait3A_314 : memref<32x256xf32, #tpu.memory_space<hbm>>)
    return
  }
}

</mosaic_0001>

<sc_bundles>
// kernel: kernel.3.cloned.1.call-start
scs
__scs_entry_jumppad:
0x0: {  	(pc) =	sbr.rel $0x88, $3  }
0x1: {  	(tag) =	ssettag $0x0;
	lr =	simm.s32 $0x1  }
0x2: {  	[smem:$0x3F9D] =	sst lr;
	_ =	strace $0xD0000000  }
0x3: {  	_ = 	snop  }
0x4: {  	_ = 	snop  }
0x5: {  	_ = 	snop  }
0x6: {  	_ = 	snop  }
0x7: {  	_ = 	snop  }
__scs_overlays_trampoline_lowered:
0x8: {  	[smem:$0x3FAC] =	sst s0  }
0x9: {  	[smem:$0x3FAD] =	sst s1  }
0xa: {  	[smem:$0x3FAE] =	sst s2  }
0xb: {  	[smem:$0x3FAF] =	sst s3  }
0xc: {  	[smem:$0x3FB0] =	sst s4  }
0xd: {  	[smem:$0x3FB1] =	sst s5  }
0xe: {  	[smem:$0x3FB2] =	sst s6  }
0xf: {  	[smem:$0x3FB3] =	sst s7  }
0x10: {  	[smem:$0x3FB4] =	sst s8  }
0x11: {  	[smem:$0x3FB5] =	sst s9;
	s0 =	simm.s32 @!p0 $0x0  }
0x12: {  	s1 =	sld [smem:$0x3F9B];
	s0 =	simm.s32 @p0 $0x1  }
0x13: {  	[smem:$0x3FB6] =	sst s0;
	s0 =	simm.s32 @!p1 $0x0  }
0x14: {  	s2 =	sld [smem:$0x3F9A];
	s0 =	simm.s32 @p1 $0x1  }
0x15: {  	[smem:$0x3FB7] =	sst s0;
	s0 =	simm.s32 @!p2 $0x0  }
0x16: {  	s3 =	sld [smem:$0x3FDB];
	s0 =	simm.s32 @p2 $0x1  }
0x17: {  	s4 =	simm.s32 $0x1BF5;
	[smem:$0x3FB9] =	sst s0  }
0x18: {  	s0 =	sld [smem:$0x3F9C];
	_ =	swait.ge [sflag:s4], $0x0  }
0x19: {  	s7 =	sld [smem:$0x3F9D]  }
0x1a: {  	s8 =	sadd.s32 $0xFFFFE003, lr  }
0x1b: {  	s9 =	sadd.s32 $0xFFFFFEF7, lr;
	s5 =	simm.s32 $0xFFFFFFFF;
	p2 =	slt.u32 s8, $0xFFFFF086  }
0x1c: {  	p1 =	slt.u32 s9, $0xF7A;
	s5 =	simm.s32 @!p2 $0x0  }
0x1d: {  	s5 =	simm.s32 @p1 $0x1;
	p0 =	seq.s32 s7, s2  }
0x1e: {  	s7 =	smul.u32 @!p0 $0xF7A, s2;
	p2 =	seq.s32 @!p0 s5, $0x0  }
0x1f: {  	s9 =	smul.u32 $0xF7A, s1;
	s8 =	simm.s32 @!p0 $0x1BF5;
	p2 =	por !p2, p0  }
0x20: {  	[sflag:s8] =	ssyncset.s32 @!p0 $0xFFFFF086;
	s6 =	sadd.s32 @!p0 s3, s7;
	s7 =	simm.s32 @!p0 $0x108  }
0x21: {  	s3 =	sadd.s32 s3, s9;
	s6 =	sadd.s32 @!p0 $0x88, s6;
	s7 =	simm.s32 @p2 $0x1082  }
0x22: {  	[simem:s7], [sflag:s8] =	dma.local @!p0 [hbm:s6], $0xF7A  }
0x23: {  	s9 =	sor.u32 $0xD0000000, s2;
	s6 =	simm.s32 $0x108;
	_ =	swait.ge @!p0 [sflag:s8], $0x0  }
0x24: {  	s3 =	sadd.s32 $0x88, s3;
	s6 =	simm.s32 @!p1 $0x1082;
	[sflag:s4] =	ssyncset.s32 $0xFFFFF086  }
0x25: {  	[simem:s6], [sflag:s4] =	dma.local [hbm:s3], $0xF7A  }
0x26: {  	[smem:$0x3F9D] =	sst s1;
	(tag) =	ssettag s2;
	_ =	strace s9  }
0x27: {  	s1 =	sld [smem:$0x3FAD]  }
0x28: {  	s2 =	sld [smem:$0x3FAE]  }
0x29: {  	s4 =	sld [smem:$0x3FB0]  }
0x2a: {  	p0 =	seq.s32 s5, $0x0;
	s5 =	sld [smem:$0x3FB1]  }
0x2b: {  	s6 =	sld [smem:$0x3FB2]  }
0x2c: {  	s7 =	sld [smem:$0x3FB3]  }
0x2d: {  	s3 =	simm.s32 $0x108;
	s8 =	sld [smem:$0x3FB4]  }
0x2e: {  	s3 =	simm.s32 @!p0 $0x1082;
	s9 =	sld [smem:$0x3FB5]  }
0x2f: {  	lr =	sadd.s32 s0, s3;
	s0 =	sld [smem:$0x3FAC]  }
0x30: {  	s3 =	sld [smem:$0x3FAF]  }
0x31: {  	[smem:$0x3FB8] =	sst s10  }
0x32: {  	s10 =	sld [smem:$0x3FB6];
	_ =	sdelay $0x3  }
0x33: {  	p0 =	seq.s32 s10, $0x1;
	s10 =	sld [smem:$0x3FB8];
	_ =	sdelay $0x3  }
0x34: {  	[smem:$0x3FB8] =	sst s10  }
0x35: {  	s10 =	sld [smem:$0x3FB7];
	_ =	sdelay $0x3  }
0x36: {  	p1 =	seq.s32 s10, $0x1;
	s10 =	sld [smem:$0x3FB8];
	_ =	sdelay $0x3  }
0x37: {  	[smem:$0x3FB8] =	sst s10  }
0x38: {  	s10 =	sld [smem:$0x3FB9]  }
0x39: {  	_ = 	snop;
	(pc) =	sbr.ind lr, $3  }
0x3a: {  	_ = 	snop  }
0x3b: {  	_ = 	snop  }
0x3c: {  	p2 =	seq.s32 s10, $0x1;
	s10 =	sld [smem:$0x3FB8]  }
0x3d: {  	_ =	shalt  }
0x3e: {  	_ =	shalt  }
0x3f: {  	_ =	shalt  }
0x40: {  	_ =	shalt  }
0x41: {  	_ =	shalt  }
0x42: {  	_ =	shalt  }
0x43: {  	_ =	shalt  }
0x44: {  	_ =	shalt  }
0x45: {  	_ =	shalt  }
0x46: {  	_ =	shalt  }
0x47: {  	_ =	shalt  }
0x48: {  	_ =	shalt  }
0x49: {  	_ =	shalt  }
0x4a: {  	_ =	shalt  }
0x4b: {  	_ =	shalt  }
0x4c: {  	_ =	shalt  }
0x4d: {  	_ =	shalt  }
0x4e: {  	_ =	shalt  }
0x4f: {  	_ =	shalt  }
0x50: {  	_ =	shalt  }
0x51: {  	_ =	shalt  }
0x52: {  	_ =	shalt  }
0x53: {  	_ =	shalt  }
0x54: {  	_ =	shalt  }
0x55: {  	_ =	shalt  }
0x56: {  	_ =	shalt  }
0x57: {  	_ =	shalt  }
0x58: {  	_ =	shalt  }
0x59: {  	_ =	shalt  }
0x5a: {  	_ =	shalt  }
0x5b: {  	_ =	shalt  }
0x5c: {  	_ =	shalt  }
0x5d: {  	_ =	shalt  }
0x5e: {  	_ =	shalt  }
0x5f: {  	_ =	shalt  }
0x60: {  	_ =	shalt  }
0x61: {  	_ =	shalt  }
0x62: {  	_ =	shalt  }
0x63: {  	_ =	shalt  }
0x64: {  	_ =	shalt  }
0x65: {  	_ =	shalt  }
0x66: {  	_ =	shalt  }
0x67: {  	_ =	shalt  }
0x68: {  	_ =	shalt  }
0x69: {  	_ =	shalt  }
0x6a: {  	_ =	shalt  }
0x6b: {  	_ =	shalt  }
0x6c: {  	_ =	shalt  }
0x6d: {  	_ =	shalt  }
0x6e: {  	_ =	shalt  }
0x6f: {  	_ =	shalt  }
0x70: {  	_ =	shalt  }
0x71: {  	_ =	shalt  }
0x72: {  	_ =	shalt  }
0x73: {  	_ =	shalt  }
0x74: {  	_ =	shalt  }
0x75: {  	_ =	shalt  }
0x76: {  	_ =	shalt  }
0x77: {  	_ =	shalt  }
0x78: {  	_ =	shalt  }
0x79: {  	_ =	shalt  }
0x7a: {  	_ =	shalt  }
0x7b: {  	_ =	shalt  }
0x7c: {  	_ =	shalt  }
0x7d: {  	_ =	shalt  }
0x7e: {  	_ =	shalt  }
0x7f: {  	_ =	shalt  }
0x80: {  	_ =	shalt  }
0x81: {  	_ =	shalt  }
0x82: {  	_ =	shalt  }
0x83: {  	_ =	shalt  }
0x84: {  	_ =	shalt  }
0x85: {  	_ =	shalt  }
0x86: {  	_ =	shalt  }
0x87: {  	_ =	shalt  }
.Lfunc_end0:
.L_simem_size_0:
called_computation_lowered:
.L_overlay_start_0:
0x88: {  	s2 =	sld [smem:$0x3FD9]  }
0x89: {  	s3 =	sld [smem:$0x3FFE];
	_ =	sdelay $0x1  }
0x8a: {  	s1 =	srdreg.scid  }
0x8b: {  	s0 =	sand.u32 $0x1, s1  }
0x8c: {  	s17 =	sshll.u32 s0, $0xA;
	s2 =	sadd.s32 s3, s2  }
0x8d: {  	s2 =	sadd.s32 s2, s17  }
0x8e: {  	[smem:$0x3FC4] =	sst s2  }
0x8f: {  	_ = 	snop  }
0x90: {  	s2 =	sld [smem:$0x3FD0];
	(tm) =	ssettm $0x1  }
0x91: {  	s18 =	sld [smem:$0x3FFB];
	_ =	sdelay $0x3  }
0x92: {  	_ =	strace s18  }
0x93: {  	s3 =	sld [smem:$0x3FFC];
	_ =	sdelay $0x3  }
0x94: {  	_ =	strace s3  }
0x95: {  	s3 =	sld [smem:$0x3FFD];
	_ =	sdelay $0x3  }
0x96: {  	_ =	strace s3  }
0x97: {  	_ =	strace $0x8FFFFFFF  }
0x98: {  	s19 =	sld [smem:$0x3FDB];
	_ =	sdelay $0x1  }
0x99: {  	s4 =	simm.s32 $_scs_section_size  }
0x9a: {  	s5 =	simm.s32 $_size__tile_overlayer_lowered;
	s6 =	simm.s32 $_tile_overlayer_lowered  }
0x9b: {  	s22 =	simm.s32 $0x1BFF;
	s21 =	sshll.u32 s6, $0x1;
	s3 =	sadd.s32 s4, s19  }
0x9c: {  	s7 =	simm.s32 $0x0;
	s20 =	sshll.u32 s5, $0x1;
	s5 =	sadd.s32 s21, s3  }
0x9d: {  	[timem:s7], [sflag:s22] =	dma.local [hbm:s5], s20  }
0x9e: {  	_ =	swait.ge [sflag:s22], s20  }
0x9f: {  	s4 =	ssub.s32 $0x0, s20;
	[sflag:s22] =	ssyncset.done $0x0  }
0xa0: {  	[sflag:s22] =	ssyncadd.s32 s4;
	_ =	sdelay $0x1  }
0xa1: {  	s23 =	simm.s32 $0x1B8B  }
0xa2: {  	_ =	swait.ge [sflag:s23], $0x1  }
0xa3: {  	[sflag:s23] =	ssyncset.done $0x0  }
0xa4: {  	s25 =	simm.s32 $0x1B8E;
	s24 =	sld [smem:$0x3FFE];
	[sflag:s23] =	ssyncadd.s32 $0xFFFFFFFF  }
0xa5: {  	s26 =	simm.s32 $execute0_lowered;
	[smem:$0x3FD2] =	sst s25  }
0xa6: {  	s5 =	sshll.u32 s26, $0x1;
	_ =	strace $0x80000046;
	[dreg:$0x1] =	wrdreg $0xFFFFFFFF  }
0xa7: {  	s28 =	simm.s32 $_size_execute0_lowered;
	s3 =	sadd.s32 s3, s5;
	[dreg:$0x0] =	wrdreg $0x0  }
0xa8: {  	s5 =	sshll.u32 s28, $0x1;
	[dreg:$0x2] =	wrdreg s3  }
0xa9: {  	[dreg:$0x3] =	wrdreg s5  }
0xaa: {  	[dreg:$0x4] =	wrdreg $0xC0  }
0xab: {  	_ =	task [dreg:s7], $0x5FFFF  }
0xac: {  	[dreg:$0x1] =	wrdreg $0xFFFFFFFF  }
0xad: {  	[dreg:$0x0] =	wrdreg $0x60  }
0xae: {  	[dreg:$0x2] =	wrdreg s24  }
0xaf: {  	[dreg:$0x3] =	wrdreg s2  }
0xb0: {  	[dreg:$0x4] =	wrdreg $0x9  }
0xb1: {  	_ =	task.clear_ibuf [dreg:s7], $0x5FFFF;
	_ =	strace $0x90000046  }
0xb2: {  	s29 =	simm.s32 $0x9;
	_ =	strace $0x80000048  }
0xb3: {  	_ =	swait.ge [sflag:s29], $0x1  }
0xb4: {  	[sflag:s29] =	ssyncadd.s32 $0xFFFFFFFF  }
0xb5: {  	_ =	strace $0x90000048  }
0xb6: {  	_ =	sfence  }
0xb7: {  	s30 =	sld [smem:$0x0];
	_ =	sdelay $0x2  }
0xb8: {  	s31 =	sshll.u32 s1, $0xD;
	s1 =	sshrl.u32 s1, $0x2  }
0xb9: {  	s3 =	sand.u32 $0x4000, s31;
	s1 =	sadd.s32 s1, s30  }
0xba: {  	s0 =	sor.u32 s3, s0;
	s1 =	sshll.u32 s1, $0x11  }
0xbb: {  	s0 =	sor.u32 s1, s0  }
0xbc: {  	s0 =	sadd.s32 $0x8F2B, s0  }
0xbd: {  	[sflag:s0] =	ssyncadd.remote.s32 $0x1  }
0xbe: {  	_ =	sfence.sel $0xFFFF  }
0xbf: {  	[dreg:$0x0] =	wrdreg $0xFFFFFFFF;
	(pc) =	sbr.abs _section_cstart, $3  }
0xc0: {  	[dreg:$0x1] =	wrdreg $0xFFFFFFFF  }
0xc1: {  	_ =	task.clear_ibuf [dreg:s7], $0x2FFFF;
	_ =	strace $0x9FFFFFFF  }
0xc2: {  	(tm) =	ssettm $0x7FFFFFFF  }
0xc3: {  	_ =	shalt  }
tec
execute0_lowered:
.L_overlay_start_1:
0x0: {  	(tag) =	ssettag $0x1  }
0x1: {  	s2 =	rddreg [dreg:$0x0]  }
0x2: {  	s8 =	rddreg [dreg:$0x1];
	s0 =	srdreg.scid  }
0x3: {  	s1 =	stileid.u32;
	s4 =	simm.s32 $0x0;
	s10 =	simm.s32 $0x14F80  }
0x4: {  	s15 =	simm.s32 $0x15380;
	s16 =	simm.s32 $0x15B80;
	s19 =	simm.s32 $0x15F80  }
0x5: {  	s20 =	simm.s32 $0x16780;
	s21 =	simm.s32 $0x16B80;
	s22 =	simm.s32 $0x17780  }
0x6: {  	s23 =	simm.s32 $0x17F80;
	s24 =	simm.s32 $0x1;
	s25 =	simm.s32 $0x18380  }
0x7: {  	s28 =	simm.s32 $0x1A380;
	s0 =	sand.u32 $0x1, s0;
	s1 =	sshll.u32 s1, $0xE  }
0x8: {  	[smem:$0x7FF] =	sst s4;
	s6 =	sadd.s32 $0x6000, s2;
	s7 =	sadd.s32 $0xC000, s2  }
0x9: {  	s11 =	sadd.s32 $0x100, s2;
	s3 =	sshll.u32 s0, $0xD;
	s0 =	ssub.s32 $0x2, s0  }
0xa: {  	s12 =	sadd.s32 $0x6100, s2;
	s5 =	sor.u32 s3, s1;
	s26 =	sshrl.u32 s0, $0x1  }
0xb: {  	s13 =	sadd.s32 $0xC100, s2;
	s1 =	sshrl.u32 s5, $0x3;
	s0 =	ssub.s32 s0, s26  }
0xc: {  	_ =	strace $0x80000047;
	s1 =	sadd.s32 s1, s2;
	s0 =	smax.u32 s0, $0x1  }
0xd: {  	s3 =	simm.s32 $0x17380;
	s29 =	sadd.s32 $0x12000, s1;
	[dreg:$0x6] =	wrdreg s0  }
0xe: {  	v2 =	vlaneseq.u32;
	s31 =	sshll.u32 s5, $0x5;
	s30 =	sadd.s32 $0x1A000, s1;
	[dreg:$0x3] =	wrdreg s29  }
0xf: {  	vm0 =	vmmov $0xffff;
	vm1 =	vmmov $0xff;
	v1 =	vshrl.u32 v2, $0x3;
	s26 =	simm.s32 $0x2;
	s1 =	sadd.s32 $0x22000, s1;
	[dreg:$0x4] =	wrdreg s30  }
0x10: {  	v0 =	vand.u32 $0x7, v2;
	v2 =	vor.u32 $0x8, v2;
	v1 =	vmul.u32 $0x8, v1;
	s14 =	sadd.s32 s8, s31;
	s8 =	simm.s32 $0x0;
	[dreg:$0x5] =	wrdreg s1  }
.LBB2_1:
0x11: {  	[dreg:$0x7] =	wrdreg s8  }
0x12: {  	s0 =	rddreg [dreg:$0x3];
	s1 =	simm.s32 $0x5  }
0x13: {  	[tilespmem:s4], [sflag:$0x5] =	stream.linear.gather [hbm4b:s0+s4], $0x2000, $0x38;
	[tilespmem:$0x1C380] =	vst v63  }
0x14: {  	_ =	swait.ge [sflag:s1], $0x2000  }
0x15: {  	[sflag:s1] =	ssyncset.done $0x0  }
0x16: {  	s31 =	simm.s32 $0x2000;
	s30 =	rddreg [dreg:$0x4];
	[sflag:s1] =	ssyncadd.s32 $0xFFFFE000  }
0x17: {  	[tilespmem:s31], [sflag:$0x5] =	stream.linear.gather [hbm4b:s30+s4], $0x2000, $0x38;
	[tilespmem:$0x1C380] =	vst v63  }
0x18: {  	_ =	swait.ge [sflag:s1], $0x2000  }
0x19: {  	[sflag:s1] =	ssyncset.done $0x0  }
0x1a: {  	s17 =	simm.s32 $0x4000;
	s9 =	rddreg [dreg:$0x5];
	[sflag:s1] =	ssyncadd.s32 $0xFFFFE000  }
0x1b: {  	[tilespmem:s17], [sflag:$0x5] =	stream.linear.gather [hbm4b:s9+s4], $0x2000, $0x38;
	[tilespmem:$0x1C380] =	vst v63  }
0x1c: {  	_ =	swait.ge [sflag:s1], $0x2000  }
0x1d: {  	[sflag:s1] =	ssyncset.done $0x0  }
0x1e: {  	[sflag:s1] =	ssyncadd.s32 $0xFFFFE000  }
0x1f: {  	v3 =	vld [tilespmem:$0x0]  }
0x20: {  	v4 =	vld [tilespmem:$0x10];
	_ =	sdelay $0x3  }
0x21: {  	v3 =	vadd.f32 $1.000000000e+00, v3  }
0x22: {  	v4 =	vadd.f32 $1.000000000e+00, v4  }
0x23: {  	v6 =	vld [tilespmem:$0x2000];
	v3 =	vmul.f32 $2.555000000e+02, v3  }
0x24: {  	v12 =	vld [tilespmem:$0x4000];
	v4 =	vmul.f32 $2.555000000e+02, v4  }
0x25: {  	v16 =	vld [tilespmem:$0x4010];
	v5 =	vtrunc.f32 v3  }
0x26: {  	v7 =	vtrunc.f32 v4;
	v5 =	vcvt.f32.s32 v5  }
0x27: {  	v7 =	vcvt.f32.s32 v7  }
0x28: {  	v6 =	vadd.f32 $1.000000000e+00, v6;
	vm2 =	vgt.s32 v5, $0x0  }
0x29: {  	v22 =	vld [tilespmem:$0x2010];
	v12 =	vadd.f32 $1.000000000e+00, v12;
	v5 =	vnsel vm2, $0x0, v5;
	vm2 =	vgt.s32 v7, $0x0  }
0x2a: {  	v16 =	vadd.f32 $1.000000000e+00, v16;
	v5 =	vmin.u32 v5, $0x1FE;
	v7 =	vnsel vm2, $0x0, v7  }
0x2b: {  	v6 =	vmul.f32 $2.555000000e+02, v6;
	v8 =	vcvt.s32.f32 v5;
	v7 =	vmin.u32 v7, $0x1FE  }
0x2c: {  	v12 =	vmul.f32 $2.555000000e+02, v12;
	v10 =	vcvt.s32.f32 v7  }
0x2d: {  	v32 =	vmul.f32 $2.555000000e+02, v16;
	v23 =	vtrunc.f32 v6;
	v3 =	vsub.f32 v3, v8  }
0x2e: {  	v28 =	vtrunc.f32 v12;
	[tilespmem:$0x6000] =	vst v5;
	v8 =	vadd.f32 $1.000000000e+00, v22;
	v4 =	vsub.f32 v4, v10  }
0x2f: {  	v36 =	vtrunc.f32 v32;
	v41 =	vld [tilespmem:$0x6000];
	v10 =	vcvt.f32.s32 v23;
	v9 =	vsub.f32 $1.000000000e+00, v3  }
0x30: {  	v13 =	vmul.f32 $5.000000000e-01, v3;
	v8 =	vmul.f32 $2.555000000e+02, v8;
	v14 =	vsub.f32 $1.000000000e+00, v4  }
0x31: {  	vm2 =	vgt.s32 v10, $0x0;
	v26 =	vmul.f32 $5.000000000e-01, v4;
	v11 =	vmul.f32 $5.000000000e-01, v9  }
0x32: {  	v10 =	vnsel vm2, $0x0, v10;
	v15 =	vtrunc.f32 v8;
	v24 =	vmul.f32 $5.000000000e-01, v14  }
0x33: {  	v10 =	vmin.u32 v10, $0x1FE;
	v15 =	vcvt.f32.s32 v15;
	v11 =	vmul.f32 v11, v9  }
0x34: {  	v50 =	vshrl.u32 v41, $0x3;
	v9 =	vmul.f32 v9, v3;
	v17 =	vcvt.s32.f32 v10  }
0x35: {  	v5 =	vand.u32 $0x7, v41;
	v3 =	vmul.f32 v13, v3;
	v13 =	vmul.f32 v24, v14  }
0x36: {  	[tilespmem:$0x6010] =	vst v7;
	v14 =	vmul.f32 v14, v4;
	vm2 =	vgt.s32 v15, $0x0;
	v25 =	vsub.f32 v6, v17  }
0x37: {  	v9 =	vadd.f32 $5.000000000e-01, v9;
	v15 =	vnsel vm2, $0x0, v15;
	[tilespmem:$0x6140] =	vst v3;
	v3 =	vmul.f32 v26, v4  }
0x38: {  	[tilespmem:$0x6020] =	vst v10;
	v27 =	vmin.u32 v15, $0x1FE;
	v15 =	vcvt.f32.s32 v28;
	v29 =	vsub.f32 $1.000000000e+00, v25  }
0x39: {  	[tilespmem:$0x6100] =	vst v11;
	v31 =	vadd.f32 $5.000000000e-01, v14;
	v30 =	vcvt.s32.f32 v27;
	v37 =	vmul.f32 $5.000000000e-01, v25  }
0x3a: {  	[tilespmem:$0x6120] =	vst v9;
	v9 =	vmul.u32 $0x18, v50;
	vm2 =	vgt.s32 v15, $0x0;
	v33 =	vmul.f32 $5.000000000e-01, v29  }
0x3b: {  	[tilespmem:$0x6110] =	vst v13;
	v8 =	vsub.f32 v8, v30;
	v35 =	vnsel vm2, $0x0, v15;
	v15 =	vcvt.f32.s32 v36  }
0x3c: {  	[tilespmem:$0x6150] =	vst v3;
	v34 =	vmul.f32 v29, v25;
	v5 =	vor.u32 v5, v9;
	v14 =	vmin.u32 v35, $0x1FE  }
0x3d: {  	[tilespmem:$0x6030] =	vst v27;
	v3 =	vmul.f32 v33, v29;
	v39 =	vcvt.s32.f32 v14;
	vm2 =	vgt.s32 v15, $0x0  }
0x3e: {  	[tilespmem:$0x6130] =	vst v31;
	v4 =	vmul.f32 v37, v25;
	v9 =	vperm.xlane v5, v0;
	v43 =	vnsel vm2, $0x0, v15  }
0x3f: {  	v38 =	vsub.f32 $1.000000000e+00, v8;
	[tilespmem:$0x6160] =	vst v3;
	v3 =	vsub.f32 v12, v39;
	v12 =	vmin.u32 v43, $0x1FE  }
0x40: {  	v40 =	vadd.f32 $5.000000000e-01, v34;
	v45 =	vmul.f32 $5.000000000e-01, v8;
	[tilespmem:$0x61A0] =	vst v4;
	v48 =	vcvt.s32.f32 v12  }
0x41: {  	[tilespmem:$0x6040] =	vst v14;
	v42 =	vmul.f32 $5.000000000e-01, v38;
	v44 =	vmul.f32 v38, v8  }
0x42: {  	[tilespmem:$0x6180] =	vst v40;
	v8 =	vmul.f32 v45, v8;
	v47 =	vsub.f32 $1.000000000e+00, v3;
	v6 =	vsub.f32 v32, v48  }
0x43: {  	[tilespmem:$0x6050] =	vst v12;
	v46 =	vmul.f32 v42, v38;
	v52 =	vmul.f32 $5.000000000e-01, v3  }
0x44: {  	v10 =	vadd.f32 $5.000000000e-01, v44;
	[tilespmem:$0x61B0] =	vst v8;
	v49 =	vmul.f32 $5.000000000e-01, v47;
	v53 =	vsub.f32 $1.000000000e+00, v6  }
0x45: {  	[tilespmem:$0x6170] =	vst v46;
	v51 =	vmul.f32 v47, v3;
	v3 =	vmul.f32 v52, v3  }
0x46: {  	[tilespmem:$0x6190] =	vst v10;
	v4 =	vmul.f32 v49, v47;
	v55 =	vmul.f32 $5.000000000e-01, v53  }
0x47: {  	v57 =	vmul.f32 $5.000000000e-01, v6;
	v54 =	vadd.f32 $5.000000000e-01, v51;
	[tilespmem:$0x6200] =	vst v3  }
0x48: {  	v58 =	vadd.s32 v1, v9;
	v56 =	vmul.f32 v53, v6;
	[tilespmem:$0x61C0] =	vst v4;
	v3 =	vmul.f32 v55, v53  }
0x49: {  	[tilespmem:$0x61E0] =	vst v54;
	v4 =	vmul.f32 v57, v6  }
0x4a: {  	v8 =	vadd.f32 $5.000000000e-01, v56;
	[tilespmem:$0x61D0] =	vst v3;
	v3 =	vperm.xlane v5, v2  }
0x4b: {  	[tilespmem:$0x6210] =	vst v4  }
0x4c: {  	s18 =	simm.s32 $0x6380;
	[tilespmem:$0x61F0] =	vst v8;
	v3 =	vadd.s32 v1, v3  }
0x4d: {  	[tilespmem:s18], [sflag:$0x1] =	stream.indirect_vreg.gather [hbm4b:s2+s4], $0x80, v58, vm0, $0xb8;
	[tilespmem:$0x1C380] =	vst v63  }
0x4e: {  	s30 =	simm.s32 $0x6B80  }
0x4f: {  	[tilespmem:s30], [sflag:$0x1] =	stream.indirect_vreg.gather [hbm4b:s11+s4], $0x80, v58, vm1, $0xb8;
	[tilespmem:$0x1C380] =	vst v63  }
0x50: {  	s31 =	simm.s32 $0x6F80  }
0x51: {  	[tilespmem:s31], [sflag:$0x1] =	stream.indirect_vreg.gather [hbm4b:s2+s4], $0x80, v3, vm0, $0xb8;
	[tilespmem:$0x1C380] =	vst v63  }
0x52: {  	s1 =	simm.s32 $0x7780  }
0x53: {  	[tilespmem:s1], [sflag:$0x1] =	stream.indirect_vreg.gather [hbm4b:s11+s4], $0x80, v3, vm1, $0xb8;
	[tilespmem:$0x1C380] =	vst v63  }
0x54: {  	v3 =	vld [tilespmem:$0x6010];
	_ =	sdelay $0x4  }
0x55: {  	v59 =	vshrl.u32 v3, $0x3  }
0x56: {  	v4 =	vmul.u32 $0x18, v59  }
0x57: {  	v3 =	vand.u32 $0x7, v3  }
0x58: {  	v3 =	vor.u32 v3, v4  }
0x59: {  	v4 =	vperm.xlane v3, v0;
	_ =	sdelay $0x1  }
0x5a: {  	v4 =	vadd.s32 v1, v4;
	_ =	sdelay $0x1  }
0x5b: {  	v3 =	vperm.xlane v3, v2;
	_ =	sdelay $0x1  }
0x5c: {  	s8 =	simm.s32 $0x7B80;
	v3 =	vadd.s32 v1, v3  }
0x5d: {  	[tilespmem:s8], [sflag:$0x1] =	stream.indirect_vreg.gather [hbm4b:s2+s4], $0x80, v4, vm0, $0xb8;
	[tilespmem:$0x1C380] =	vst v63  }
0x5e: {  	s9 =	simm.s32 $0x8380  }
0x5f: {  	[tilespmem:s9], [sflag:$0x1] =	stream.indirect_vreg.gather [hbm4b:s11+s4], $0x80, v4, vm1, $0xb8;
	[tilespmem:$0x1C380] =	vst v63  }
0x60: {  	s17 =	simm.s32 $0x8780  }
0x61: {  	[tilespmem:s17], [sflag:$0x1] =	stream.indirect_vreg.gather [hbm4b:s2+s4], $0x80, v3, vm0, $0xb8;
	[tilespmem:$0x1C380] =	vst v63  }
0x62: {  	s18 =	simm.s32 $0x8F80  }
0x63: {  	[tilespmem:s18], [sflag:$0x1] =	stream.indirect_vreg.gather [hbm4b:s11+s4], $0x80, v3, vm1, $0xb8;
	[tilespmem:$0x1C380] =	vst v63  }
0x64: {  	v3 =	vld [tilespmem:$0x6020];
	_ =	sdelay $0x4  }
0x65: {  	v60 =	vshrl.u32 v3, $0x3  }
0x66: {  	v4 =	vmul.u32 $0x18, v60  }
0x67: {  	v3 =	vand.u32 $0x7, v3  }
0x68: {  	v3 =	vor.u32 v3, v4  }
0x69: {  	v4 =	vperm.xlane v3, v0;
	_ =	sdelay $0x1  }
0x6a: {  	v4 =	vadd.s32 v1, v4;
	_ =	sdelay $0x1  }
0x6b: {  	v3 =	vperm.xlane v3, v2;
	_ =	sdelay $0x1  }
0x6c: {  	s30 =	simm.s32 $0x9380;
	v3 =	vadd.s32 v1, v3  }
0x6d: {  	[tilespmem:s30], [sflag:$0x1] =	stream.indirect_vreg.gather [hbm4b:s6+s4], $0x80, v4, vm0, $0xb8;
	[tilespmem:$0x1C380] =	vst v63  }
0x6e: {  	s31 =	simm.s32 $0x9B80  }
0x6f: {  	[tilespmem:s31], [sflag:$0x1] =	stream.indirect_vreg.gather [hbm4b:s12+s4], $0x80, v4, vm1, $0xb8;
	[tilespmem:$0x1C380] =	vst v63  }
0x70: {  	s1 =	simm.s32 $0x9F80  }
0x71: {  	[tilespmem:s1], [sflag:$0x1] =	stream.indirect_vreg.gather [hbm4b:s6+s4], $0x80, v3, vm0, $0xb8;
	[tilespmem:$0x1C380] =	vst v63  }
0x72: {  	s8 =	simm.s32 $0xA780  }
0x73: {  	[tilespmem:s8], [sflag:$0x1] =	stream.indirect_vreg.gather [hbm4b:s12+s4], $0x80, v3, vm1, $0xb8;
	[tilespmem:$0x1C380] =	vst v63  }
0x74: {  	v3 =	vld [tilespmem:$0x6030];
	_ =	sdelay $0x4  }
0x75: {  	v61 =	vshrl.u32 v3, $0x3  }
0x76: {  	v4 =	vmul.u32 $0x18, v61  }
0x77: {  	v3 =	vand.u32 $0x7, v3  }
0x78: {  	v3 =	vor.u32 v3, v4  }
0x79: {  	v4 =	vperm.xlane v3, v0;
	_ =	sdelay $0x1  }
0x7a: {  	v4 =	vadd.s32 v1, v4;
	_ =	sdelay $0x1  }
0x7b: {  	v3 =	vperm.xlane v3, v2;
	_ =	sdelay $0x1  }
0x7c: {  	s9 =	simm.s32 $0xAB80;
	v3 =	vadd.s32 v1, v3  }
0x7d: {  	[tilespmem:s9], [sflag:$0x1] =	stream.indirect_vreg.gather [hbm4b:s6+s4], $0x80, v4, vm0, $0xb8;
	[tilespmem:$0x1C380] =	vst v63  }
0x7e: {  	s17 =	simm.s32 $0xB380  }
0x7f: {  	[tilespmem:s17], [sflag:$0x1] =	stream.indirect_vreg.gather [hbm4b:s12+s4], $0x80, v4, vm1, $0xb8;
	[tilespmem:$0x1C380] =	vst v63  }
0x80: {  	s18 =	simm.s32 $0xB780  }
0x81: {  	[tilespmem:s18], [sflag:$0x1] =	stream.indirect_vreg.gather [hbm4b:s6+s4], $0x80, v3, vm0, $0xb8;
	[tilespmem:$0x1C380] =	vst v63  }
0x82: {  	s30 =	simm.s32 $0xBF80  }
0x83: {  	[tilespmem:s30], [sflag:$0x1] =	stream.indirect_vreg.gather [hbm4b:s12+s4], $0x80, v3, vm1, $0xb8;
	[tilespmem:$0x1C380] =	vst v63  }
0x84: {  	v3 =	vld [tilespmem:$0x6040];
	_ =	sdelay $0x4  }
0x85: {  	v62 =	vshrl.u32 v3, $0x3  }
0x86: {  	v4 =	vmul.u32 $0x18, v62  }
0x87: {  	v3 =	vand.u32 $0x7, v3  }
0x88: {  	v3 =	vor.u32 v3, v4  }
0x89: {  	v4 =	vperm.xlane v3, v0;
	_ =	sdelay $0x1  }
0x8a: {  	v4 =	vadd.s32 v1, v4;
	_ =	sdelay $0x1  }
0x8b: {  	v3 =	vperm.xlane v3, v2;
	_ =	sdelay $0x1  }
0x8c: {  	s31 =	simm.s32 $0xC380;
	v3 =	vadd.s32 v1, v3  }
0x8d: {  	[tilespmem:s31], [sflag:$0x1] =	stream.indirect_vreg.gather [hbm4b:s7+s4], $0x80, v4, vm0, $0xb8;
	[tilespmem:$0x1C380] =	vst v63  }
0x8e: {  	s1 =	simm.s32 $0xCB80  }
0x8f: {  	[tilespmem:s1], [sflag:$0x1] =	stream.indirect_vreg.gather [hbm4b:s13+s4], $0x80, v4, vm1, $0xb8;
	[tilespmem:$0x1C380] =	vst v63  }
0x90: {  	s8 =	simm.s32 $0xCF80  }
0x91: {  	[tilespmem:s8], [sflag:$0x1] =	stream.indirect_vreg.gather [hbm4b:s7+s4], $0x80, v3, vm0, $0xb8;
	[tilespmem:$0x1C380] =	vst v63  }
0x92: {  	s9 =	simm.s32 $0xD780  }
0x93: {  	[tilespmem:s9], [sflag:$0x1] =	stream.indirect_vreg.gather [hbm4b:s13+s4], $0x80, v3, vm1, $0xb8;
	[tilespmem:$0x1C380] =	vst v63  }
0x94: {  	v3 =	vld [tilespmem:$0x6050];
	_ =	sdelay $0x4  }
0x95: {  	v63 =	vshrl.u32 v3, $0x3  }
0x96: {  	v4 =	vmul.u32 $0x18, v63  }
0x97: {  	v3 =	vand.u32 $0x7, v3  }
0x98: {  	v3 =	vor.u32 v3, v4  }
0x99: {  	v4 =	vperm.xlane v3, v0;
	_ =	sdelay $0x1  }
0x9a: {  	v4 =	vadd.s32 v1, v4;
	_ =	sdelay $0x1  }
0x9b: {  	v3 =	vperm.xlane v3, v2;
	_ =	sdelay $0x1  }
0x9c: {  	s17 =	simm.s32 $0xDB80;
	v3 =	vadd.s32 v1, v3  }
0x9d: {  	[tilespmem:s17], [sflag:$0x1] =	stream.indirect_vreg.gather [hbm4b:s7+s4], $0x80, v4, vm0, $0xb8;
	[tilespmem:$0x1C380] =	vst v63  }
0x9e: {  	s18 =	simm.s32 $0xE380  }
0x9f: {  	[tilespmem:s18], [sflag:$0x1] =	stream.indirect_vreg.gather [hbm4b:s13+s4], $0x80, v4, vm1, $0xb8;
	[tilespmem:$0x1C380] =	vst v63  }
0xa0: {  	s30 =	simm.s32 $0xE780  }
0xa1: {  	[tilespmem:s30], [sflag:$0x1] =	stream.indirect_vreg.gather [hbm4b:s7+s4], $0x80, v3, vm0, $0xb8;
	[tilespmem:$0x1C380] =	vst v63  }
0xa2: {  	s29 =	simm.s32 $0x0;
	s31 =	simm.s32 $0xEF80  }
0xa3: {  	[tilespmem:s31], [sflag:$0x1] =	stream.indirect_vreg.gather [hbm4b:s13+s4], $0x80, v3, vm1, $0xb8;
	[tilespmem:$0x1C380] =	vst v63  }
.LBB2_2:
0xa4: {  	s31 =	sshll.u32 s29, $0x6  }
0xa5: {  	v3 =	vld [tilespmem:s31+$0x20];
	_ =	sdelay $0x4  }
0xa6: {  	v3 =	vadd.f32 $1.000000000e+00, v3;
	_ =	sdelay $0x1  }
0xa7: {  	v3 =	vmul.f32 $2.555000000e+02, v3;
	_ =	sdelay $0x1  }
0xa8: {  	v4 =	vtrunc.f32 v3  }
0xa9: {  	v4 =	vcvt.f32.s32 v4;
	_ =	sdelay $0x1  }
0xaa: {  	vm2 =	vgt.s32 v4, $0x0  }
0xab: {  	v4 =	vnsel vm2, $0x0, v4  }
0xac: {  	v4 =	vmin.u32 v4, $0x1FE  }
0xad: {  	v5 =	vcvt.s32.f32 v4;
	_ =	sdelay $0x1  }
0xae: {  	v3 =	vsub.f32 v3, v5;
	_ =	sdelay $0x1  }
0xaf: {  	v5 =	vsub.f32 $1.000000000e+00, v3  }
0xb0: {  	v25 =	vmul.f32 $5.000000000e-01, v3  }
0xb1: {  	v6 =	vmul.f32 $5.000000000e-01, v5  }
0xb2: {  	v7 =	vmul.f32 v5, v3;
	v3 =	vmul.f32 v25, v3  }
0xb3: {  	[tilespmem:$0x6060] =	vst v4;
	v5 =	vmul.f32 v6, v5  }
0xb4: {  	v26 =	vadd.f32 $5.000000000e-01, v7;
	[tilespmem:$0x6260] =	vst v3  }
0xb5: {  	[tilespmem:$0x6220] =	vst v5  }
0xb6: {  	[tilespmem:$0x6240] =	vst v26  }
0xb7: {  	v3 =	vld [tilespmem:s31+$0x30];
	_ =	sdelay $0x4  }
0xb8: {  	v3 =	vadd.f32 $1.000000000e+00, v3;
	_ =	sdelay $0x1  }
0xb9: {  	v3 =	vmul.f32 $2.555000000e+02, v3;
	_ =	sdelay $0x1  }
0xba: {  	v27 =	vtrunc.f32 v3  }
0xbb: {  	v4 =	vcvt.f32.s32 v27;
	_ =	sdelay $0x1  }
0xbc: {  	vm2 =	vgt.s32 v4, $0x0  }
0xbd: {  	v4 =	vnsel vm2, $0x0, v4  }
0xbe: {  	v4 =	vmin.u32 v4, $0x1FE  }
0xbf: {  	v28 =	vcvt.s32.f32 v4;
	_ =	sdelay $0x1  }
0xc0: {  	v3 =	vsub.f32 v3, v28;
	_ =	sdelay $0x1  }
0xc1: {  	v5 =	vsub.f32 $1.000000000e+00, v3  }
0xc2: {  	v31 =	vmul.f32 $5.000000000e-01, v3  }
0xc3: {  	v29 =	vmul.f32 $5.000000000e-01, v5  }
0xc4: {  	v30 =	vmul.f32 v5, v3;
	v3 =	vmul.f32 v31, v3  }
0xc5: {  	[tilespmem:$0x6070] =	vst v4;
	v5 =	vmul.f32 v29, v5  }
0xc6: {  	v32 =	vadd.f32 $5.000000000e-01, v30;
	[tilespmem:$0x6270] =	vst v3  }
0xc7: {  	[tilespmem:$0x6230] =	vst v5  }
0xc8: {  	[tilespmem:$0x6250] =	vst v32  }
0xc9: {  	v3 =	vld [tilespmem:s31+$0x2020];
	_ =	sdelay $0x4  }
0xca: {  	v3 =	vadd.f32 $1.000000000e+00, v3;
	_ =	sdelay $0x1  }
0xcb: {  	v3 =	vmul.f32 $2.555000000e+02, v3;
	_ =	sdelay $0x1  }
0xcc: {  	v33 =	vtrunc.f32 v3  }
0xcd: {  	v4 =	vcvt.f32.s32 v33;
	_ =	sdelay $0x1  }
0xce: {  	vm2 =	vgt.s32 v4, $0x0  }
0xcf: {  	v4 =	vnsel vm2, $0x0, v4  }
0xd0: {  	v4 =	vmin.u32 v4, $0x1FE  }
0xd1: {  	v34 =	vcvt.s32.f32 v4;
	_ =	sdelay $0x1  }
0xd2: {  	v3 =	vsub.f32 v3, v34;
	_ =	sdelay $0x1  }
0xd3: {  	v5 =	vsub.f32 $1.000000000e+00, v3  }
0xd4: {  	v37 =	vmul.f32 $5.000000000e-01, v3  }
0xd5: {  	v35 =	vmul.f32 $5.000000000e-01, v5  }
0xd6: {  	v36 =	vmul.f32 v5, v3;
	v3 =	vmul.f32 v37, v3  }
0xd7: {  	[tilespmem:$0x6080] =	vst v4;
	v5 =	vmul.f32 v35, v5  }
0xd8: {  	v38 =	vadd.f32 $5.000000000e-01, v36;
	[tilespmem:$0x62C0] =	vst v3  }
0xd9: {  	[tilespmem:$0x6280] =	vst v5  }
0xda: {  	[tilespmem:$0x62A0] =	vst v38  }
0xdb: {  	v3 =	vld [tilespmem:s31+$0x2030];
	_ =	sdelay $0x4  }
0xdc: {  	v3 =	vadd.f32 $1.000000000e+00, v3;
	_ =	sdelay $0x1  }
0xdd: {  	v3 =	vmul.f32 $2.555000000e+02, v3;
	_ =	sdelay $0x1  }
0xde: {  	v39 =	vtrunc.f32 v3  }
0xdf: {  	v4 =	vcvt.f32.s32 v39;
	_ =	sdelay $0x1  }
0xe0: {  	vm2 =	vgt.s32 v4, $0x0  }
0xe1: {  	v4 =	vnsel vm2, $0x0, v4  }
0xe2: {  	v4 =	vmin.u32 v4, $0x1FE  }
0xe3: {  	v40 =	vcvt.s32.f32 v4;
	_ =	sdelay $0x1  }
0xe4: {  	v3 =	vsub.f32 v3, v40;
	_ =	sdelay $0x1  }
0xe5: {  	v5 =	vsub.f32 $1.000000000e+00, v3  }
0xe6: {  	v43 =	vmul.f32 $5.000000000e-01, v3  }
0xe7: {  	v41 =	vmul.f32 $5.000000000e-01, v5  }
0xe8: {  	v42 =	vmul.f32 v5, v3;
	v3 =	vmul.f32 v43, v3  }
0xe9: {  	[tilespmem:$0x6090] =	vst v4;
	v5 =	vmul.f32 v41, v5  }
0xea: {  	v44 =	vadd.f32 $5.000000000e-01, v42;
	[tilespmem:$0x62D0] =	vst v3  }
0xeb: {  	[tilespmem:$0x6290] =	vst v5  }
0xec: {  	[tilespmem:$0x62B0] =	vst v44  }
0xed: {  	v3 =	vld [tilespmem:s31+$0x4020];
	_ =	sdelay $0x4  }
0xee: {  	v3 =	vadd.f32 $1.000000000e+00, v3;
	_ =	sdelay $0x1  }
0xef: {  	v3 =	vmul.f32 $2.555000000e+02, v3;
	_ =	sdelay $0x1  }
0xf0: {  	v45 =	vtrunc.f32 v3  }
0xf1: {  	v4 =	vcvt.f32.s32 v45;
	_ =	sdelay $0x1  }
0xf2: {  	vm2 =	vgt.s32 v4, $0x0  }
0xf3: {  	v4 =	vnsel vm2, $0x0, v4  }
0xf4: {  	v4 =	vmin.u32 v4, $0x1FE  }
0xf5: {  	v46 =	vcvt.s32.f32 v4;
	_ =	sdelay $0x1  }
0xf6: {  	v3 =	vsub.f32 v3, v46;
	_ =	sdelay $0x1  }
0xf7: {  	v5 =	vsub.f32 $1.000000000e+00, v3  }
0xf8: {  	v49 =	vmul.f32 $5.000000000e-01, v3  }
0xf9: {  	v47 =	vmul.f32 $5.000000000e-01, v5  }
0xfa: {  	v48 =	vmul.f32 v5, v3;
	v3 =	vmul.f32 v49, v3  }
0xfb: {  	[tilespmem:$0x60A0] =	vst v4;
	v5 =	vmul.f32 v47, v5  }
0xfc: {  	v50 =	vadd.f32 $5.000000000e-01, v48;
	[tilespmem:$0x6320] =	vst v3  }
0xfd: {  	[tilespmem:$0x62E0] =	vst v5  }
0xfe: {  	[tilespmem:$0x6300] =	vst v50  }
0xff: {  	v3 =	vld [tilespmem:s31+$0x4030];
	_ =	sdelay $0x4  }
0x100: {  	v3 =	vadd.f32 $1.000000000e+00, v3;
	_ =	sdelay $0x1  }
0x101: {  	v3 =	vmul.f32 $2.555000000e+02, v3;
	_ =	sdelay $0x1  }
0x102: {  	v51 =	vtrunc.f32 v3  }
0x103: {  	v4 =	vcvt.f32.s32 v51  }
0x104: {  	v52 =	vld [tilespmem:$0x6060]  }
0x105: {  	vm2 =	vgt.s32 v4, $0x0  }
0x106: {  	v4 =	vnsel vm2, $0x0, v4  }
0x107: {  	v4 =	vmin.u32 v4, $0x1FE  }
0x108: {  	v53 =	vcvt.s32.f32 v4  }
0x109: {  	v54 =	vshrl.u32 v52, $0x3  }
0x10a: {  	v6 =	vmul.u32 $0x18, v54;
	v3 =	vsub.f32 v3, v53  }
0x10b: {  	v5 =	vand.u32 $0x7, v52  }
0x10c: {  	v5 =	vor.u32 v5, v6;
	v55 =	vsub.f32 $1.000000000e+00, v3  }
0x10d: {  	v8 =	vperm.xlane v5, v0;
	v57 =	vmul.f32 $5.000000000e-01, v3  }
0x10e: {  	v56 =	vmul.f32 $5.000000000e-01, v55  }
0x10f: {  	v8 =	vadd.s32 v1, v8;
	v9 =	vmul.f32 v55, v3;
	v3 =	vmul.f32 v57, v3  }
0x110: {  	[tilespmem:$0x60B0] =	vst v4;
	v6 =	vmul.f32 v56, v55  }
0x111: {  	v5 =	vperm.xlane v5, v2;
	v58 =	vadd.f32 $5.000000000e-01, v9;
	[tilespmem:$0x6330] =	vst v3  }
0x112: {  	[tilespmem:$0x62F0] =	vst v6  }
0x113: {  	s0 =	simm.s32 $0xF380;
	v3 =	vadd.s32 v1, v5;
	[tilespmem:$0x6310] =	vst v58  }
0x114: {  	[tilespmem:s0], [sflag:$0x2] =	stream.indirect_vreg.gather [hbm4b:s2+s4], $0x80, v8, vm0, $0xb8;
	[tilespmem:$0x1C380] =	vst v63  }
0x115: {  	s8 =	simm.s32 $0xFB80  }
0x116: {  	[tilespmem:s8], [sflag:$0x2] =	stream.indirect_vreg.gather [hbm4b:s11+s4], $0x80, v8, vm1, $0xb8;
	[tilespmem:$0x1C380] =	vst v63  }
0x117: {  	s9 =	simm.s32 $0xFF80  }
0x118: {  	[tilespmem:s9], [sflag:$0x2] =	stream.indirect_vreg.gather [hbm4b:s2+s4], $0x80, v3, vm0, $0xb8;
	[tilespmem:$0x1C380] =	vst v63  }
0x119: {  	s17 =	simm.s32 $0x10780  }
0x11a: {  	[tilespmem:s17], [sflag:$0x2] =	stream.indirect_vreg.gather [hbm4b:s11+s4], $0x80, v3, vm1, $0xb8;
	[tilespmem:$0x1C380] =	vst v63  }
0x11b: {  	v3 =	vld [tilespmem:$0x6070];
	_ =	sdelay $0x4  }
0x11c: {  	v59 =	vshrl.u32 v3, $0x3  }
0x11d: {  	v4 =	vmul.u32 $0x18, v59  }
0x11e: {  	v3 =	vand.u32 $0x7, v3  }
0x11f: {  	v3 =	vor.u32 v3, v4  }
0x120: {  	v4 =	vperm.xlane v3, v0;
	_ =	sdelay $0x1  }
0x121: {  	v4 =	vadd.s32 v1, v4;
	_ =	sdelay $0x1  }
0x122: {  	v3 =	vperm.xlane v3, v2;
	_ =	sdelay $0x1  }
0x123: {  	s18 =	simm.s32 $0x10B80;
	v3 =	vadd.s32 v1, v3  }
0x124: {  	[tilespmem:s18], [sflag:$0x2] =	stream.indirect_vreg.gather [hbm4b:s2+s4], $0x80, v4, vm0, $0xb8;
	[tilespmem:$0x1C380] =	vst v63  }
0x125: {  	s1 =	simm.s32 $0x11380  }
0x126: {  	[tilespmem:s1], [sflag:$0x2] =	stream.indirect_vreg.gather [hbm4b:s11+s4], $0x80, v4, vm1, $0xb8;
	[tilespmem:$0x1C380] =	vst v63  }
0x127: {  	s8 =	simm.s32 $0x11780  }
0x128: {  	[tilespmem:s8], [sflag:$0x2] =	stream.indirect_vreg.gather [hbm4b:s2+s4], $0x80, v3, vm0, $0xb8;
	[tilespmem:$0x1C380] =	vst v63  }
0x129: {  	s9 =	simm.s32 $0x11F80  }
0x12a: {  	[tilespmem:s9], [sflag:$0x2] =	stream.indirect_vreg.gather [hbm4b:s11+s4], $0x80, v3, vm1, $0xb8;
	[tilespmem:$0x1C380] =	vst v63  }
0x12b: {  	v3 =	vld [tilespmem:$0x6080];
	_ =	sdelay $0x4  }
0x12c: {  	v60 =	vshrl.u32 v3, $0x3  }
0x12d: {  	v4 =	vmul.u32 $0x18, v60  }
0x12e: {  	v3 =	vand.u32 $0x7, v3  }
0x12f: {  	v3 =	vor.u32 v3, v4  }
0x130: {  	v4 =	vperm.xlane v3, v0;
	_ =	sdelay $0x1  }
0x131: {  	v4 =	vadd.s32 v1, v4;
	_ =	sdelay $0x1  }
0x132: {  	v3 =	vperm.xlane v3, v2;
	_ =	sdelay $0x1  }
0x133: {  	s17 =	simm.s32 $0x12380;
	v3 =	vadd.s32 v1, v3  }
0x134: {  	[tilespmem:s17], [sflag:$0x2] =	stream.indirect_vreg.gather [hbm4b:s6+s4], $0x80, v4, vm0, $0xb8;
	[tilespmem:$0x1C380] =	vst v63  }
0x135: {  	s18 =	simm.s32 $0x12B80  }
0x136: {  	[tilespmem:s18], [sflag:$0x2] =	stream.indirect_vreg.gather [hbm4b:s12+s4], $0x80, v4, vm1, $0xb8;
	[tilespmem:$0x1C380] =	vst v63  }
0x137: {  	s1 =	simm.s32 $0x12F80  }
0x138: {  	[tilespmem:s1], [sflag:$0x2] =	stream.indirect_vreg.gather [hbm4b:s6+s4], $0x80, v3, vm0, $0xb8;
	[tilespmem:$0x1C380] =	vst v63  }
0x139: {  	s8 =	simm.s32 $0x13780  }
0x13a: {  	[tilespmem:s8], [sflag:$0x2] =	stream.indirect_vreg.gather [hbm4b:s12+s4], $0x80, v3, vm1, $0xb8;
	[tilespmem:$0x1C380] =	vst v63  }
0x13b: {  	v3 =	vld [tilespmem:$0x6090];
	_ =	sdelay $0x4  }
0x13c: {  	v61 =	vshrl.u32 v3, $0x3  }
0x13d: {  	v4 =	vmul.u32 $0x18, v61  }
0x13e: {  	v3 =	vand.u32 $0x7, v3  }
0x13f: {  	v3 =	vor.u32 v3, v4  }
0x140: {  	v4 =	vperm.xlane v3, v0;
	_ =	sdelay $0x1  }
0x141: {  	v4 =	vadd.s32 v1, v4;
	_ =	sdelay $0x1  }
0x142: {  	v3 =	vperm.xlane v3, v2;
	_ =	sdelay $0x1  }
0x143: {  	s9 =	simm.s32 $0x13B80;
	v3 =	vadd.s32 v1, v3  }
0x144: {  	[tilespmem:s9], [sflag:$0x2] =	stream.indirect_vreg.gather [hbm4b:s6+s4], $0x80, v4, vm0, $0xb8;
	[tilespmem:$0x1C380] =	vst v63  }
0x145: {  	s17 =	simm.s32 $0x14380  }
0x146: {  	[tilespmem:s17], [sflag:$0x2] =	stream.indirect_vreg.gather [hbm4b:s12+s4], $0x80, v4, vm1, $0xb8;
	[tilespmem:$0x1C380] =	vst v63  }
0x147: {  	s18 =	simm.s32 $0x14780  }
0x148: {  	[tilespmem:s18], [sflag:$0x2] =	stream.indirect_vreg.gather [hbm4b:s6+s4], $0x80, v3, vm0, $0xb8;
	[tilespmem:$0x1C380] =	vst v63  }
0x149: {  	_ = 	snop  }
0x14a: {  	[tilespmem:s10], [sflag:$0x2] =	stream.indirect_vreg.gather [hbm4b:s12+s4], $0x80, v3, vm1, $0xb8;
	[tilespmem:$0x1C380] =	vst v63  }
0x14b: {  	v3 =	vld [tilespmem:$0x60A0];
	_ =	sdelay $0x4  }
0x14c: {  	v62 =	vshrl.u32 v3, $0x3  }
0x14d: {  	v4 =	vmul.u32 $0x18, v62  }
0x14e: {  	v3 =	vand.u32 $0x7, v3  }
0x14f: {  	v3 =	vor.u32 v3, v4  }
0x150: {  	v4 =	vperm.xlane v3, v0;
	_ =	sdelay $0x1  }
0x151: {  	v4 =	vadd.s32 v1, v4;
	_ =	sdelay $0x1  }
0x152: {  	v3 =	vperm.xlane v3, v2;
	_ =	sdelay $0x1  }
0x153: {  	v3 =	vadd.s32 v1, v3  }
0x154: {  	[tilespmem:s15], [sflag:$0x2] =	stream.indirect_vreg.gather [hbm4b:s7+s4], $0x80, v4, vm0, $0xb8;
	[tilespmem:$0x1C380] =	vst v63  }
0x155: {  	_ = 	snop  }
0x156: {  	[tilespmem:s16], [sflag:$0x2] =	stream.indirect_vreg.gather [hbm4b:s13+s4], $0x80, v4, vm1, $0xb8;
	[tilespmem:$0x1C380] =	vst v63  }
0x157: {  	_ = 	snop  }
0x158: {  	[tilespmem:s19], [sflag:$0x2] =	stream.indirect_vreg.gather [hbm4b:s7+s4], $0x80, v3, vm0, $0xb8;
	[tilespmem:$0x1C380] =	vst v63  }
0x159: {  	_ = 	snop  }
0x15a: {  	[tilespmem:s20], [sflag:$0x2] =	stream.indirect_vreg.gather [hbm4b:s13+s4], $0x80, v3, vm1, $0xb8;
	[tilespmem:$0x1C380] =	vst v63  }
0x15b: {  	v3 =	vld [tilespmem:$0x60B0];
	_ =	sdelay $0x4  }
0x15c: {  	v63 =	vshrl.u32 v3, $0x3  }
0x15d: {  	v4 =	vmul.u32 $0x18, v63  }
0x15e: {  	v3 =	vand.u32 $0x7, v3  }
0x15f: {  	v3 =	vor.u32 v3, v4  }
0x160: {  	v4 =	vperm.xlane v3, v0;
	_ =	sdelay $0x1  }
0x161: {  	v4 =	vadd.s32 v1, v4;
	_ =	sdelay $0x1  }
0x162: {  	v3 =	vperm.xlane v3, v2;
	_ =	sdelay $0x1  }
0x163: {  	v3 =	vadd.s32 v1, v3  }
0x164: {  	[tilespmem:s21], [sflag:$0x2] =	stream.indirect_vreg.gather [hbm4b:s7+s4], $0x80, v4, vm0, $0xb8;
	[tilespmem:$0x1C380] =	vst v63  }
0x165: {  	_ = 	snop  }
0x166: {  	[tilespmem:s3], [sflag:$0x2] =	stream.indirect_vreg.gather [hbm4b:s13+s4], $0x80, v4, vm1, $0xb8;
	[tilespmem:$0x1C380] =	vst v63  }
0x167: {  	_ = 	snop  }
0x168: {  	[tilespmem:s22], [sflag:$0x2] =	stream.indirect_vreg.gather [hbm4b:s7+s4], $0x80, v3, vm0, $0xb8;
	[tilespmem:$0x1C380] =	vst v63  }
0x169: {  	_ = 	snop  }
0x16a: {  	[tilespmem:s23], [sflag:$0x2] =	stream.indirect_vreg.gather [hbm4b:s13+s4], $0x80, v3, vm1, $0xb8;
	[tilespmem:$0x1C380] =	vst v63  }
0x16b: {  	_ =	swait.ge [sflag:s24], $0x3000  }
0x16c: {  	[sflag:s24] =	ssyncset.done $0x0  }
0x16d: {  	[sflag:s24] =	ssyncadd.s32 $0xFFFFD000  }
0x16e: {  	_ =	swait.ge [sflag:s24], $0x3000  }
0x16f: {  	[sflag:s24] =	ssyncset.done $0x0  }
0x170: {  	[sflag:s24] =	ssyncadd.s32 $0xFFFFD000  }
0x171: {  	_ =	swait.ge [sflag:s24], $0x3000  }
0x172: {  	p0 =	seq.s32 s29, $0x0;
	[sflag:s24] =	ssyncset.done $0x0  }
0x173: {  	s0 =	simm.s32 @!p0 $0x3;
	[sflag:s24] =	ssyncadd.s32 $0xFFFFD000  }
0x174: {  	_ =	swait.ge @!p0 [sflag:s0], $0x2000  }
0x175: {  	s30 =	sor.u32 $0x20, s31;
	[sflag:s0] =	ssyncset.done @!p0 $0x0  }
0x176: {  	s1 =	simm.s32 $0x0;
	[sflag:s0] =	ssyncadd.s32 @!p0 $0xFFFFE000;
	s0 =	simm.s32 $0x0  }
.LBB2_3:
0x177: {  	s8 =	sshrl.u32 s1, $0x3  }
0x178: {  	s18 =	smul.u32 $0x3000, s8;
	s8 =	sand.u32 $0x10, s1  }
0x179: {  	v4 =	vld [tilespmem:s8+$0x6100]  }
0x17a: {  	v13 =	vld [tilespmem:s8+$0x6120]  }
0x17b: {  	v22 =	vld [tilespmem:s8+$0x6140]  }
0x17c: {  	v31 =	vld [tilespmem:s8+$0x6160]  }
0x17d: {  	s17 =	sand.u32 $0x380, s0;
	v39 =	vld [tilespmem:s8+$0x6180];
	s18 =	sshra.s32 s18, $0x2  }
0x17e: {  	v59 =	vld [tilespmem:s8+$0x61A0];
	s18 =	sor.u32 s17, s18  }
0x17f: {  	v5 =	vld [tilespmem:s18+$0x6380]  }
0x180: {  	v6 =	vld [tilespmem:s18+$0x6390]  }
0x181: {  	v7 =	vld [tilespmem:s18+$0x63A0]  }
0x182: {  	v8 =	vld [tilespmem:s18+$0x63B0]  }
0x183: {  	v9 =	vld [tilespmem:s18+$0x63C0]  }
0x184: {  	v10 =	vld [tilespmem:s18+$0x63D0]  }
0x185: {  	v11 =	vld [tilespmem:s18+$0x63E0]  }
0x186: {  	v12 =	vld [tilespmem:s18+$0x63F0]  }
0x187: {  	v14 =	vld [tilespmem:s18+$0x6780]  }
0x188: {  	v15 =	vld [tilespmem:s18+$0x6790]  }
0x189: {  	v16 =	vld [tilespmem:s18+$0x67A0]  }
0x18a: {  	v17 =	vld [tilespmem:s18+$0x67B0]  }
0x18b: {  	v18 =	vld [tilespmem:s18+$0x67C0]  }
0x18c: {  	v19 =	vld [tilespmem:s18+$0x67D0]  }
0x18d: {  	v20 =	vld [tilespmem:s18+$0x67E0]  }
0x18e: {  	v21 =	vld [tilespmem:s18+$0x67F0]  }
0x18f: {  	s9 =	sand.u32 $0xF, s1;
	v23 =	vld [tilespmem:s18+$0x6B80]  }
0x190: {  	v3 =	vmov s9;
	v24 =	vld [tilespmem:s18+$0x6B90]  }
0x191: {  	v25 =	vld [tilespmem:s18+$0x6BA0];
	v4 =	vperm.xlane v4, v3  }
0x192: {  	v26 =	vld [tilespmem:s18+$0x6BB0]  }
0x193: {  	v27 =	vld [tilespmem:s18+$0x6BC0];
	v13 =	vperm.xlane v13, v3;
	v4 =	vadd.s32 $0x8000, v4  }
0x194: {  	v28 =	vld [tilespmem:s18+$0x6BD0];
	v22 =	vperm.xlane v22, v3;
	v29 =	vshra.s32 v4, $0x10;
	v4 =	vand.u32 $0xFFFF0000, v4  }
0x195: {  	v30 =	vld [tilespmem:s18+$0x6BE0];
	v51 =	vperm.xlane v31, v3;
	v62 =	vperm.xlane v39, v3;
	v4 =	vor.u32 v4, v29  }
0x196: {  	v63 =	vld [tilespmem:s18+$0x6BF0];
	v13 =	vadd.s32 $0x8000, v13;
	v5 =	vmul.bf16 v4, v5;
	v6 =	vmul.bf16 v4, v6  }
0x197: {  	v32 =	vld [tilespmem:s18+$0x9380];
	v34 =	vshra.s32 v13, $0x10;
	v7 =	vmul.bf16 v4, v7;
	v8 =	vmul.bf16 v4, v8  }
0x198: {  	v33 =	vld [tilespmem:s18+$0x9390];
	v13 =	vand.u32 $0xFFFF0000, v13;
	v9 =	vmul.bf16 v4, v9;
	v10 =	vmul.bf16 v4, v10  }
0x199: {  	v35 =	vld [tilespmem:s18+$0x93A0];
	v41 =	vor.u32 v13, v34;
	v11 =	vmul.bf16 v4, v11;
	v4 =	vmul.bf16 v4, v12  }
0x19a: {  	v42 =	vld [tilespmem:s18+$0x93B0];
	v22 =	vadd.s32 $0x8000, v22;
	v14 =	vmul.bf16 v41, v14;
	v15 =	vmul.bf16 v41, v15  }
0x19b: {  	v43 =	vld [tilespmem:s18+$0x93C0];
	v44 =	vshra.s32 v22, $0x10;
	v16 =	vmul.bf16 v41, v16;
	v17 =	vmul.bf16 v41, v17  }
0x19c: {  	v36 =	vld [tilespmem:s18+$0x93D0];
	v22 =	vand.u32 $0xFFFF0000, v22;
	v18 =	vmul.bf16 v41, v18;
	v19 =	vmul.bf16 v41, v19  }
0x19d: {  	v37 =	vld [tilespmem:s18+$0x93E0];
	v45 =	vor.u32 v22, v44;
	v20 =	vmul.bf16 v41, v20;
	v12 =	vmul.bf16 v41, v21  }
0x19e: {  	v38 =	vld [tilespmem:s18+$0x93F0];
	v55 =	vadd.s32 $0x8000, v51;
	v46 =	vmul.bf16 v45, v23;
	v47 =	vmul.bf16 v45, v24  }
0x19f: {  	v52 =	vld [tilespmem:s18+$0x97C0];
	v57 =	vshra.s32 v55, $0x10;
	v21 =	vmul.bf16 v45, v25;
	v48 =	vmul.bf16 v45, v26  }
0x1a0: {  	v54 =	vld [tilespmem:s18+$0x97D0];
	v49 =	vmul.bf16 v45, v27;
	v5 =	vadd.bf16 v14, v5;
	v6 =	vadd.bf16 v15, v6  }
0x1a1: {  	v56 =	vld [tilespmem:s18+$0x97E0];
	v50 =	vmul.bf16 v45, v28;
	v7 =	vadd.bf16 v16, v7;
	v8 =	vadd.bf16 v17, v8  }
0x1a2: {  	v58 =	vld [tilespmem:s18+$0x97F0];
	v53 =	vmul.bf16 v45, v30;
	v9 =	vadd.bf16 v18, v9;
	v10 =	vadd.bf16 v19, v10  }
0x1a3: {  	v22 =	vld [tilespmem:s18+$0x97A0];
	v28 =	vadd.s32 $0x8000, v62;
	v11 =	vadd.bf16 v20, v11;
	v4 =	vadd.bf16 v12, v4  }
0x1a4: {  	v29 =	vld [tilespmem:s18+$0x9B90];
	v14 =	vmul.bf16 v45, v63;
	v16 =	vand.u32 $0xFFFF0000, v55;
	v5 =	vadd.bf16 v46, v5  }
0x1a5: {  	v24 =	vld [tilespmem:s18+$0x97B0];
	v19 =	vperm.xlane v59, v3;
	v6 =	vadd.bf16 v47, v6;
	v7 =	vadd.bf16 v21, v7  }
0x1a6: {  	v23 =	vld [tilespmem:s18+$0x9B80];
	v16 =	vor.u32 v16, v57;
	v8 =	vadd.bf16 v48, v8;
	v9 =	vadd.bf16 v49, v9  }
0x1a7: {  	v30 =	vld [tilespmem:s18+$0x9BA0];
	v10 =	vadd.bf16 v50, v10;
	v60 =	vmul.bf16 v16, v32;
	v21 =	vmul.bf16 v16, v33  }
0x1a8: {  	v41 =	vld [tilespmem:s18+$0x9BB0];
	v11 =	vadd.bf16 v53, v11;
	v61 =	vmul.bf16 v16, v35;
	v13 =	vmul.bf16 v16, v42  }
0x1a9: {  	v62 =	vld [tilespmem:s18+$0xC3C0];
	v4 =	vadd.bf16 v14, v4;
	v63 =	vmul.bf16 v16, v43;
	v39 =	vmul.bf16 v16, v36  }
0x1aa: {  	v15 =	vld [tilespmem:s18+$0x9780];
	v40 =	vmul.bf16 v16, v37;
	v16 =	vmul.bf16 v16, v38;
	v42 =	vshra.s32 v28, $0x10  }
0x1ab: {  	v17 =	vld [tilespmem:s18+$0x9790];
	v28 =	vand.u32 $0xFFFF0000, v28;
	v5 =	vadd.bf16 v60, v5;
	v6 =	vadd.bf16 v21, v6  }
0x1ac: {  	v45 =	vld [tilespmem:s18+$0x9BD0];
	v44 =	vor.u32 v28, v42;
	v7 =	vadd.bf16 v61, v7;
	v8 =	vadd.bf16 v13, v8  }
0x1ad: {  	v59 =	vld [tilespmem:s18+$0xC3A0];
	v9 =	vadd.bf16 v63, v9;
	v49 =	vmul.bf16 v44, v22;
	v10 =	vadd.bf16 v39, v10  }
0x1ae: {  	v57 =	vld [tilespmem:s18+$0xC390];
	v51 =	vmul.bf16 v44, v24;
	v52 =	vmul.bf16 v44, v52;
	v11 =	vadd.bf16 v40, v11  }
0x1af: {  	v43 =	vld [tilespmem:s18+$0x9BC0];
	v27 =	vmul.bf16 v44, v54;
	v4 =	vadd.bf16 v16, v4;
	v55 =	vmul.bf16 v44, v56  }
0x1b0: {  	v53 =	vld [tilespmem:s8+$0x61C0];
	v56 =	vmul.bf16 v44, v58;
	v58 =	vadd.s32 $0x8000, v19;
	v46 =	vmul.bf16 v44, v15  }
0x1b1: {  	v47 =	vld [tilespmem:s18+$0x9BE0];
	v48 =	vmul.bf16 v44, v17;
	v60 =	vshra.s32 v58, $0x10;
	v7 =	vadd.bf16 v49, v7  }
0x1b2: {  	v50 =	vld [tilespmem:s18+$0x9BF0];
	v12 =	vand.u32 $0xFFFF0000, v58;
	v8 =	vadd.bf16 v51, v8;
	v9 =	vadd.bf16 v52, v9  }
0x1b3: {  	v36 =	vld [tilespmem:s18+$0xC3D0];
	v12 =	vor.u32 v12, v60;
	v10 =	vadd.bf16 v27, v10;
	v11 =	vadd.bf16 v55, v11  }
0x1b4: {  	v32 =	vld [tilespmem:s18+$0xCBA0];
	v4 =	vadd.bf16 v56, v4;
	v63 =	vmul.bf16 v12, v23;
	v34 =	vmul.bf16 v12, v29  }
0x1b5: {  	v54 =	vld [tilespmem:s18+$0xC380];
	v5 =	vadd.bf16 v46, v5;
	v37 =	vmul.bf16 v12, v30;
	v38 =	vperm.xlane v53, v3  }
0x1b6: {  	v61 =	vld [tilespmem:s18+$0xC3B0];
	v6 =	vadd.bf16 v48, v6;
	v40 =	vmul.bf16 v12, v41;
	v41 =	vmul.bf16 v12, v43  }
0x1b7: {  	v39 =	vld [tilespmem:s18+$0xC3E0];
	v21 =	vmul.bf16 v12, v45;
	v13 =	vmul.bf16 v12, v47;
	v25 =	vadd.s32 $0x8000, v38  }
0x1b8: {  	v43 =	vld [tilespmem:s8+$0x61E0];
	v12 =	vmul.bf16 v12, v50;
	v44 =	vshra.s32 v25, $0x10;
	v25 =	vand.u32 $0xFFFF0000, v25  }
0x1b9: {  	v48 =	vld [tilespmem:s8+$0x6200];
	v5 =	vadd.bf16 v63, v5;
	v6 =	vadd.bf16 v34, v6;
	v17 =	vor.u32 v25, v44  }
0x1ba: {  	v42 =	vld [tilespmem:s18+$0xC3F0];
	v7 =	vadd.bf16 v37, v7;
	v8 =	vadd.bf16 v40, v8;
	v47 =	vmul.bf16 v17, v54  }
0x1bb: {  	v49 =	vld [tilespmem:s18+$0xC7A0];
	v9 =	vadd.bf16 v41, v9;
	v20 =	vmul.bf16 v17, v57;
	v14 =	vmul.bf16 v17, v59  }
0x1bc: {  	v55 =	vld [tilespmem:s18+$0xC7D0];
	v10 =	vadd.bf16 v21, v10;
	v19 =	vmul.bf16 v17, v61;
	v15 =	vmul.bf16 v17, v62  }
0x1bd: {  	v45 =	vld [tilespmem:s18+$0xC780];
	v11 =	vadd.bf16 v13, v11;
	v51 =	vmul.bf16 v17, v36;
	v52 =	vperm.xlane v43, v3  }
0x1be: {  	v46 =	vld [tilespmem:s18+$0xC790];
	v4 =	vadd.bf16 v12, v4;
	v54 =	vmul.bf16 v17, v39;
	v3 =	vperm.xlane v48, v3  }
0x1bf: {  	v17 =	vmul.bf16 v17, v42;
	v57 =	vld [tilespmem:s18+$0xCB80];
	v5 =	vadd.bf16 v47, v5;
	v56 =	vadd.s32 $0x8000, v52  }
0x1c0: {  	v61 =	vld [tilespmem:s18+$0xCB90];
	v6 =	vadd.bf16 v20, v6;
	v7 =	vadd.bf16 v14, v7;
	v3 =	vadd.s32 $0x8000, v3  }
0x1c1: {  	v50 =	vld [tilespmem:s18+$0xC7B0];
	v8 =	vadd.bf16 v19, v8;
	v58 =	vshra.s32 v56, $0x10;
	v16 =	vand.u32 $0xFFFF0000, v56  }
0x1c2: {  	v53 =	vld [tilespmem:s18+$0xC7C0];
	v63 =	vshra.s32 v3, $0x10;
	v3 =	vand.u32 $0xFFFF0000, v3;
	v60 =	vor.u32 v16, v58  }
0x1c3: {  	v34 =	vld [tilespmem:s18+$0xCBB0];
	v9 =	vadd.bf16 v15, v9;
	v3 =	vor.u32 v3, v63;
	v20 =	vmul.bf16 v60, v45  }
0x1c4: {  	v59 =	vld [tilespmem:s18+$0xC7E0];
	v10 =	vadd.bf16 v51, v10;
	v33 =	vmul.bf16 v60, v46;
	v18 =	vmul.bf16 v3, v57  }
0x1c5: {  	v36 =	vld [tilespmem:s18+$0xCBC0];
	v35 =	vmul.bf16 v60, v49;
	v16 =	vmul.bf16 v3, v61;
	v5 =	vadd.bf16 v20, v5  }
0x1c6: {  	v62 =	vld [tilespmem:s18+$0xC7F0];
	v11 =	vadd.bf16 v54, v11;
	v38 =	vmul.bf16 v60, v50;
	v15 =	vmul.bf16 v3, v32  }
0x1c7: {  	s9 =	sshll.u32 s1, $0x8;
	v39 =	vld [tilespmem:s18+$0xCBE0];
	v42 =	vmul.bf16 v60, v53;
	v6 =	vadd.bf16 v33, v6;
	v5 =	vadd.bf16 v18, v5  }
0x1c8: {  	s8 =	sand.u32 $0x3FFFF800, s9;
	v37 =	vld [tilespmem:s18+$0xCBD0];
	v4 =	vadd.bf16 v17, v4;
	v43 =	vmul.bf16 v3, v34;
	v45 =	vmul.bf16 v60, v55  }
0x1c9: {  	s8 =	sor.u32 s17, s8;
	v40 =	vld [tilespmem:s18+$0xCBF0];
	v7 =	vadd.bf16 v35, v7;
	v6 =	vadd.bf16 v16, v6;
	v41 =	vshll.u32 v5, $0x10  }
0x1ca: {  	v47 =	vmul.bf16 v3, v36;
	v49 =	vmul.bf16 v60, v59;
	v5 =	vand.u32 $0xFFFF0000, v5;
	[tilespmem:s8+$0x18380] =	vst v41;
	s8 =	sadd.s32 $0x18380, s8  }
0x1cb: {  	v8 =	vadd.bf16 v38, v8;
	v7 =	vadd.bf16 v15, v7;
	v44 =	vshll.u32 v6, $0x10;
	[tilespmem:s8+$0x10] =	vst v5  }
0x1cc: {  	v53 =	vmul.bf16 v60, v62;
	v55 =	vmul.bf16 v3, v39;
	v46 =	vand.u32 $0xFFFF0000, v6;
	[tilespmem:s8+$0x20] =	vst v44  }
0x1cd: {  	v11 =	vadd.bf16 v49, v11;
	v8 =	vadd.bf16 v43, v8;
	v48 =	vshll.u32 v7, $0x10;
	[tilespmem:s8+$0x30] =	vst v46  }
0x1ce: {  	v51 =	vmul.bf16 v3, v37;
	v3 =	vmul.bf16 v3, v40;
	v50 =	vand.u32 $0xFFFF0000, v7;
	[tilespmem:s8+$0x40] =	vst v48  }
0x1cf: {  	v4 =	vadd.bf16 v53, v4;
	v58 =	vadd.bf16 v55, v11;
	v52 =	vshll.u32 v8, $0x10;
	[tilespmem:s8+$0x50] =	vst v50  }
0x1d0: {  	v54 =	vand.u32 $0xFFFF0000, v8;
	[tilespmem:s8+$0x60] =	vst v52  }
0x1d1: {  	v9 =	vadd.bf16 v42, v9;
	v3 =	vadd.bf16 v3, v4;
	v61 =	vshll.u32 v58, $0x10;
	[tilespmem:s8+$0x70] =	vst v54  }
0x1d2: {  	v62 =	vand.u32 $0xFFFF0000, v58;
	[tilespmem:s8+$0x440] =	vst v61  }
0x1d3: {  	v10 =	vadd.bf16 v45, v10;
	v6 =	vadd.bf16 v47, v9;
	v63 =	vshll.u32 v3, $0x10;
	[tilespmem:s8+$0x450] =	vst v62  }
0x1d4: {  	p1 =	sne.s32 s1, $0x1F;
	v3 =	vand.u32 $0xFFFF0000, v3;
	[tilespmem:s8+$0x460] =	vst v63  }
.Ltmp0:
0x1d5: {  	v7 =	vadd.bf16 v51, v10;
	v56 =	vshll.u32 v6, $0x10;
	[tilespmem:s8+$0x470] =	vst v3;
	(pc) =	sbr.rel @p1 .LBB2_3-.Ltmp0, $4  }
0x1d6: {  	v57 =	vand.u32 $0xFFFF0000, v6;
	[tilespmem:s8+$0x400] =	vst v56  }
0x1d7: {  	v59 =	vshll.u32 v7, $0x10;
	[tilespmem:s8+$0x410] =	vst v57  }
0x1d8: {  	v60 =	vand.u32 $0xFFFF0000, v7;
	[tilespmem:s8+$0x420] =	vst v59  }
0x1d9: {  	s0 =	sadd.s32 $0x80, s0;
	s1 =	sadd.s32 $0x1, s1;
	[tilespmem:s8+$0x430] =	vst v60  }
0x1da: {  	p1 =	seq.s32 s29, $0x7F  }
.Ltmp1:
0x1db: {  	_ = 	snop;
	(pc) =	sbr.rel @p1 .LBB2_6-.Ltmp1, $4  }
0x1dc: {  	_ = 	snop  }
0x1dd: {  	s0 =	sshll.u32 s29, $0xB  }
0x1de: {  	s0 =	sadd.s32 s0, s14  }
0x1df: {  	[hbm4b:s0+s4] =	stream.linear.scatter [tilespmem:s25], [sflag:$0x3], $0x2000, $0x38;
	[tilespmem:$0x1C380] =	vst v63  }
0x1e0: {  	v3 =	vld [tilespmem:s31+$0x40];
	_ =	sdelay $0x4  }
0x1e1: {  	v3 =	vadd.f32 $1.000000000e+00, v3;
	_ =	sdelay $0x1  }
0x1e2: {  	v3 =	vmul.f32 $2.555000000e+02, v3;
	_ =	sdelay $0x1  }
0x1e3: {  	v4 =	vtrunc.f32 v3  }
0x1e4: {  	v4 =	vcvt.f32.s32 v4;
	_ =	sdelay $0x1  }
0x1e5: {  	vm2 =	vgt.s32 v4, $0x0  }
0x1e6: {  	v4 =	vnsel vm2, $0x0, v4  }
0x1e7: {  	v4 =	vmin.u32 v4, $0x1FE  }
0x1e8: {  	v5 =	vcvt.s32.f32 v4;
	_ =	sdelay $0x1  }
0x1e9: {  	v3 =	vsub.f32 v3, v5;
	_ =	sdelay $0x1  }
0x1ea: {  	v5 =	vsub.f32 $1.000000000e+00, v3  }
0x1eb: {  	v25 =	vmul.f32 $5.000000000e-01, v3  }
0x1ec: {  	v6 =	vmul.f32 $5.000000000e-01, v5  }
0x1ed: {  	v7 =	vmul.f32 v5, v3;
	v3 =	vmul.f32 v25, v3  }
0x1ee: {  	[tilespmem:$0x6000] =	vst v4;
	v5 =	vmul.f32 v6, v5  }
0x1ef: {  	v26 =	vadd.f32 $5.000000000e-01, v7;
	[tilespmem:$0x6140] =	vst v3  }
0x1f0: {  	[tilespmem:$0x6100] =	vst v5  }
0x1f1: {  	[tilespmem:$0x6120] =	vst v26  }
0x1f2: {  	v3 =	vld [tilespmem:s31+$0x50];
	_ =	sdelay $0x4  }
0x1f3: {  	v3 =	vadd.f32 $1.000000000e+00, v3;
	_ =	sdelay $0x1  }
0x1f4: {  	v3 =	vmul.f32 $2.555000000e+02, v3;
	_ =	sdelay $0x1  }
0x1f5: {  	v27 =	vtrunc.f32 v3  }
0x1f6: {  	v4 =	vcvt.f32.s32 v27;
	_ =	sdelay $0x1  }
0x1f7: {  	vm2 =	vgt.s32 v4, $0x0  }
0x1f8: {  	v4 =	vnsel vm2, $0x0, v4  }
0x1f9: {  	v4 =	vmin.u32 v4, $0x1FE  }
0x1fa: {  	v28 =	vcvt.s32.f32 v4;
	_ =	sdelay $0x1  }
0x1fb: {  	v3 =	vsub.f32 v3, v28;
	_ =	sdelay $0x1  }
0x1fc: {  	v5 =	vsub.f32 $1.000000000e+00, v3  }
0x1fd: {  	v31 =	vmul.f32 $5.000000000e-01, v3  }
0x1fe: {  	v29 =	vmul.f32 $5.000000000e-01, v5  }
0x1ff: {  	v30 =	vmul.f32 v5, v3;
	v3 =	vmul.f32 v31, v3  }
0x200: {  	[tilespmem:$0x6010] =	vst v4;
	v5 =	vmul.f32 v29, v5  }
0x201: {  	v32 =	vadd.f32 $5.000000000e-01, v30;
	[tilespmem:$0x6150] =	vst v3  }
0x202: {  	s0 =	sadd.s32 $0x40, s31;
	[tilespmem:$0x6110] =	vst v5  }
0x203: {  	s0 =	sand.u32 $0x3FC0, s0;
	[tilespmem:$0x6130] =	vst v32  }
0x204: {  	v3 =	vld [tilespmem:s0+$0x2000];
	_ =	sdelay $0x4  }
0x205: {  	v3 =	vadd.f32 $1.000000000e+00, v3;
	_ =	sdelay $0x1  }
0x206: {  	v3 =	vmul.f32 $2.555000000e+02, v3;
	_ =	sdelay $0x1  }
0x207: {  	v33 =	vtrunc.f32 v3  }
0x208: {  	v4 =	vcvt.f32.s32 v33;
	_ =	sdelay $0x1  }
0x209: {  	vm2 =	vgt.s32 v4, $0x0  }
0x20a: {  	v4 =	vnsel vm2, $0x0, v4  }
0x20b: {  	v4 =	vmin.u32 v4, $0x1FE  }
0x20c: {  	v34 =	vcvt.s32.f32 v4;
	_ =	sdelay $0x1  }
0x20d: {  	v3 =	vsub.f32 v3, v34;
	_ =	sdelay $0x1  }
0x20e: {  	v5 =	vsub.f32 $1.000000000e+00, v3  }
0x20f: {  	v37 =	vmul.f32 $5.000000000e-01, v3  }
0x210: {  	v35 =	vmul.f32 $5.000000000e-01, v5  }
0x211: {  	v36 =	vmul.f32 v5, v3;
	v3 =	vmul.f32 v37, v3  }
0x212: {  	[tilespmem:$0x6020] =	vst v4;
	v5 =	vmul.f32 v35, v5  }
0x213: {  	v38 =	vadd.f32 $5.000000000e-01, v36;
	[tilespmem:$0x61A0] =	vst v3  }
0x214: {  	[tilespmem:$0x6160] =	vst v5  }
0x215: {  	[tilespmem:$0x6180] =	vst v38  }
0x216: {  	v3 =	vld [tilespmem:s31+$0x2050];
	_ =	sdelay $0x4  }
0x217: {  	v3 =	vadd.f32 $1.000000000e+00, v3;
	_ =	sdelay $0x1  }
0x218: {  	v3 =	vmul.f32 $2.555000000e+02, v3;
	_ =	sdelay $0x1  }
0x219: {  	v39 =	vtrunc.f32 v3  }
0x21a: {  	v4 =	vcvt.f32.s32 v39;
	_ =	sdelay $0x1  }
0x21b: {  	vm2 =	vgt.s32 v4, $0x0  }
0x21c: {  	v4 =	vnsel vm2, $0x0, v4  }
0x21d: {  	v4 =	vmin.u32 v4, $0x1FE  }
0x21e: {  	v40 =	vcvt.s32.f32 v4;
	_ =	sdelay $0x1  }
0x21f: {  	v3 =	vsub.f32 v3, v40;
	_ =	sdelay $0x1  }
0x220: {  	v5 =	vsub.f32 $1.000000000e+00, v3  }
0x221: {  	v43 =	vmul.f32 $5.000000000e-01, v3  }
0x222: {  	v41 =	vmul.f32 $5.000000000e-01, v5  }
0x223: {  	v42 =	vmul.f32 v5, v3;
	v3 =	vmul.f32 v43, v3  }
0x224: {  	[tilespmem:$0x6030] =	vst v4;
	v5 =	vmul.f32 v41, v5  }
0x225: {  	v44 =	vadd.f32 $5.000000000e-01, v42;
	[tilespmem:$0x61B0] =	vst v3  }
0x226: {  	[tilespmem:$0x6170] =	vst v5  }
0x227: {  	[tilespmem:$0x6190] =	vst v44  }
0x228: {  	v3 =	vld [tilespmem:s0+$0x4000];
	_ =	sdelay $0x4  }
0x229: {  	v3 =	vadd.f32 $1.000000000e+00, v3;
	_ =	sdelay $0x1  }
0x22a: {  	v3 =	vmul.f32 $2.555000000e+02, v3;
	_ =	sdelay $0x1  }
0x22b: {  	v45 =	vtrunc.f32 v3  }
0x22c: {  	v4 =	vcvt.f32.s32 v45;
	_ =	sdelay $0x1  }
0x22d: {  	vm2 =	vgt.s32 v4, $0x0  }
0x22e: {  	v4 =	vnsel vm2, $0x0, v4  }
0x22f: {  	v4 =	vmin.u32 v4, $0x1FE  }
0x230: {  	v46 =	vcvt.s32.f32 v4;
	_ =	sdelay $0x1  }
0x231: {  	v3 =	vsub.f32 v3, v46;
	_ =	sdelay $0x1  }
0x232: {  	v5 =	vsub.f32 $1.000000000e+00, v3  }
0x233: {  	v49 =	vmul.f32 $5.000000000e-01, v3  }
0x234: {  	v47 =	vmul.f32 $5.000000000e-01, v5  }
0x235: {  	v48 =	vmul.f32 v5, v3;
	v3 =	vmul.f32 v49, v3  }
0x236: {  	[tilespmem:$0x6040] =	vst v4;
	v5 =	vmul.f32 v47, v5  }
0x237: {  	v50 =	vadd.f32 $5.000000000e-01, v48;
	[tilespmem:$0x6200] =	vst v3  }
0x238: {  	[tilespmem:$0x61C0] =	vst v5  }
0x239: {  	[tilespmem:$0x61E0] =	vst v50  }
0x23a: {  	v3 =	vld [tilespmem:s31+$0x4050];
	_ =	sdelay $0x4  }
0x23b: {  	v3 =	vadd.f32 $1.000000000e+00, v3;
	_ =	sdelay $0x1  }
0x23c: {  	v3 =	vmul.f32 $2.555000000e+02, v3;
	_ =	sdelay $0x1  }
0x23d: {  	v51 =	vtrunc.f32 v3  }
0x23e: {  	v4 =	vcvt.f32.s32 v51  }
0x23f: {  	v52 =	vld [tilespmem:$0x6000]  }
0x240: {  	vm2 =	vgt.s32 v4, $0x0  }
0x241: {  	v4 =	vnsel vm2, $0x0, v4  }
0x242: {  	v4 =	vmin.u32 v4, $0x1FE  }
0x243: {  	v53 =	vcvt.s32.f32 v4  }
0x244: {  	v54 =	vshrl.u32 v52, $0x3  }
0x245: {  	v6 =	vmul.u32 $0x18, v54;
	v3 =	vsub.f32 v3, v53  }
0x246: {  	v5 =	vand.u32 $0x7, v52  }
0x247: {  	v5 =	vor.u32 v5, v6;
	v55 =	vsub.f32 $1.000000000e+00, v3  }
0x248: {  	v8 =	vperm.xlane v5, v0;
	v57 =	vmul.f32 $5.000000000e-01, v3  }
0x249: {  	v56 =	vmul.f32 $5.000000000e-01, v55  }
0x24a: {  	v8 =	vadd.s32 v1, v8;
	v9 =	vmul.f32 v55, v3;
	v3 =	vmul.f32 v57, v3  }
0x24b: {  	[tilespmem:$0x6050] =	vst v4;
	v6 =	vmul.f32 v56, v55  }
0x24c: {  	v5 =	vperm.xlane v5, v2;
	v58 =	vadd.f32 $5.000000000e-01, v9;
	[tilespmem:$0x6210] =	vst v3  }
0x24d: {  	[tilespmem:$0x61D0] =	vst v6  }
0x24e: {  	s1 =	simm.s32 $0x6380;
	v3 =	vadd.s32 v1, v5;
	[tilespmem:$0x61F0] =	vst v58  }
0x24f: {  	[tilespmem:s1], [sflag:$0x1] =	stream.indirect_vreg.gather [hbm4b:s2+s4], $0x80, v8, vm0, $0xb8;
	[tilespmem:$0x1C380] =	vst v63  }
0x250: {  	s8 =	simm.s32 $0x6B80  }
0x251: {  	[tilespmem:s8], [sflag:$0x1] =	stream.indirect_vreg.gather [hbm4b:s11+s4], $0x80, v8, vm1, $0xb8;
	[tilespmem:$0x1C380] =	vst v63  }
0x252: {  	s9 =	simm.s32 $0x6F80  }
0x253: {  	[tilespmem:s9], [sflag:$0x1] =	stream.indirect_vreg.gather [hbm4b:s2+s4], $0x80, v3, vm0, $0xb8;
	[tilespmem:$0x1C380] =	vst v63  }
0x254: {  	s17 =	simm.s32 $0x7780  }
0x255: {  	[tilespmem:s17], [sflag:$0x1] =	stream.indirect_vreg.gather [hbm4b:s11+s4], $0x80, v3, vm1, $0xb8;
	[tilespmem:$0x1C380] =	vst v63  }
0x256: {  	v3 =	vld [tilespmem:$0x6010];
	_ =	sdelay $0x4  }
0x257: {  	v59 =	vshrl.u32 v3, $0x3  }
0x258: {  	v4 =	vmul.u32 $0x18, v59  }
0x259: {  	v3 =	vand.u32 $0x7, v3  }
0x25a: {  	v3 =	vor.u32 v3, v4  }
0x25b: {  	v4 =	vperm.xlane v3, v0;
	_ =	sdelay $0x1  }
0x25c: {  	v4 =	vadd.s32 v1, v4;
	_ =	sdelay $0x1  }
0x25d: {  	v3 =	vperm.xlane v3, v2;
	_ =	sdelay $0x1  }
0x25e: {  	s18 =	simm.s32 $0x7B80;
	v3 =	vadd.s32 v1, v3  }
0x25f: {  	[tilespmem:s18], [sflag:$0x1] =	stream.indirect_vreg.gather [hbm4b:s2+s4], $0x80, v4, vm0, $0xb8;
	[tilespmem:$0x1C380] =	vst v63  }
0x260: {  	s31 =	simm.s32 $0x8380  }
0x261: {  	[tilespmem:s31], [sflag:$0x1] =	stream.indirect_vreg.gather [hbm4b:s11+s4], $0x80, v4, vm1, $0xb8;
	[tilespmem:$0x1C380] =	vst v63  }
0x262: {  	s1 =	simm.s32 $0x8780  }
0x263: {  	[tilespmem:s1], [sflag:$0x1] =	stream.indirect_vreg.gather [hbm4b:s2+s4], $0x80, v3, vm0, $0xb8;
	[tilespmem:$0x1C380] =	vst v63  }
0x264: {  	s8 =	simm.s32 $0x8F80  }
0x265: {  	[tilespmem:s8], [sflag:$0x1] =	stream.indirect_vreg.gather [hbm4b:s11+s4], $0x80, v3, vm1, $0xb8;
	[tilespmem:$0x1C380] =	vst v63  }
0x266: {  	v3 =	vld [tilespmem:$0x6020];
	_ =	sdelay $0x4  }
0x267: {  	v60 =	vshrl.u32 v3, $0x3  }
0x268: {  	v4 =	vmul.u32 $0x18, v60  }
0x269: {  	v3 =	vand.u32 $0x7, v3  }
0x26a: {  	v3 =	vor.u32 v3, v4  }
0x26b: {  	v4 =	vperm.xlane v3, v0;
	_ =	sdelay $0x1  }
0x26c: {  	v4 =	vadd.s32 v1, v4;
	_ =	sdelay $0x1  }
0x26d: {  	v3 =	vperm.xlane v3, v2;
	_ =	sdelay $0x1  }
0x26e: {  	s9 =	simm.s32 $0x9380;
	v3 =	vadd.s32 v1, v3  }
0x26f: {  	[tilespmem:s9], [sflag:$0x1] =	stream.indirect_vreg.gather [hbm4b:s6+s4], $0x80, v4, vm0, $0xb8;
	[tilespmem:$0x1C380] =	vst v63  }
0x270: {  	s17 =	simm.s32 $0x9B80  }
0x271: {  	[tilespmem:s17], [sflag:$0x1] =	stream.indirect_vreg.gather [hbm4b:s12+s4], $0x80, v4, vm1, $0xb8;
	[tilespmem:$0x1C380] =	vst v63  }
0x272: {  	s18 =	simm.s32 $0x9F80  }
0x273: {  	[tilespmem:s18], [sflag:$0x1] =	stream.indirect_vreg.gather [hbm4b:s6+s4], $0x80, v3, vm0, $0xb8;
	[tilespmem:$0x1C380] =	vst v63  }
0x274: {  	s31 =	simm.s32 $0xA780  }
0x275: {  	[tilespmem:s31], [sflag:$0x1] =	stream.indirect_vreg.gather [hbm4b:s12+s4], $0x80, v3, vm1, $0xb8;
	[tilespmem:$0x1C380] =	vst v63  }
0x276: {  	v3 =	vld [tilespmem:$0x6030];
	_ =	sdelay $0x4  }
0x277: {  	v61 =	vshrl.u32 v3, $0x3  }
0x278: {  	v4 =	vmul.u32 $0x18, v61  }
0x279: {  	v3 =	vand.u32 $0x7, v3  }
0x27a: {  	v3 =	vor.u32 v3, v4  }
0x27b: {  	v4 =	vperm.xlane v3, v0;
	_ =	sdelay $0x1  }
0x27c: {  	v4 =	vadd.s32 v1, v4;
	_ =	sdelay $0x1  }
0x27d: {  	v3 =	vperm.xlane v3, v2;
	_ =	sdelay $0x1  }
0x27e: {  	s1 =	simm.s32 $0xAB80;
	v3 =	vadd.s32 v1, v3  }
0x27f: {  	[tilespmem:s1], [sflag:$0x1] =	stream.indirect_vreg.gather [hbm4b:s6+s4], $0x80, v4, vm0, $0xb8;
	[tilespmem:$0x1C380] =	vst v63  }
0x280: {  	s8 =	simm.s32 $0xB380  }
0x281: {  	[tilespmem:s8], [sflag:$0x1] =	stream.indirect_vreg.gather [hbm4b:s12+s4], $0x80, v4, vm1, $0xb8;
	[tilespmem:$0x1C380] =	vst v63  }
0x282: {  	s9 =	simm.s32 $0xB780  }
0x283: {  	[tilespmem:s9], [sflag:$0x1] =	stream.indirect_vreg.gather [hbm4b:s6+s4], $0x80, v3, vm0, $0xb8;
	[tilespmem:$0x1C380] =	vst v63  }
0x284: {  	s17 =	simm.s32 $0xBF80  }
0x285: {  	[tilespmem:s17], [sflag:$0x1] =	stream.indirect_vreg.gather [hbm4b:s12+s4], $0x80, v3, vm1, $0xb8;
	[tilespmem:$0x1C380] =	vst v63  }
0x286: {  	v3 =	vld [tilespmem:$0x6040];
	_ =	sdelay $0x4  }
0x287: {  	v62 =	vshrl.u32 v3, $0x3  }
0x288: {  	v4 =	vmul.u32 $0x18, v62  }
0x289: {  	v3 =	vand.u32 $0x7, v3  }
0x28a: {  	v3 =	vor.u32 v3, v4  }
0x28b: {  	v4 =	vperm.xlane v3, v0;
	_ =	sdelay $0x1  }
0x28c: {  	v4 =	vadd.s32 v1, v4;
	_ =	sdelay $0x1  }
0x28d: {  	v3 =	vperm.xlane v3, v2;
	_ =	sdelay $0x1  }
0x28e: {  	s18 =	simm.s32 $0xC380;
	v3 =	vadd.s32 v1, v3  }
0x28f: {  	[tilespmem:s18], [sflag:$0x1] =	stream.indirect_vreg.gather [hbm4b:s7+s4], $0x80, v4, vm0, $0xb8;
	[tilespmem:$0x1C380] =	vst v63  }
0x290: {  	s31 =	simm.s32 $0xCB80  }
0x291: {  	[tilespmem:s31], [sflag:$0x1] =	stream.indirect_vreg.gather [hbm4b:s13+s4], $0x80, v4, vm1, $0xb8;
	[tilespmem:$0x1C380] =	vst v63  }
0x292: {  	s1 =	simm.s32 $0xCF80  }
0x293: {  	[tilespmem:s1], [sflag:$0x1] =	stream.indirect_vreg.gather [hbm4b:s7+s4], $0x80, v3, vm0, $0xb8;
	[tilespmem:$0x1C380] =	vst v63  }
0x294: {  	s8 =	simm.s32 $0xD780  }
0x295: {  	[tilespmem:s8], [sflag:$0x1] =	stream.indirect_vreg.gather [hbm4b:s13+s4], $0x80, v3, vm1, $0xb8;
	[tilespmem:$0x1C380] =	vst v63  }
0x296: {  	v3 =	vld [tilespmem:$0x6050];
	_ =	sdelay $0x4  }
0x297: {  	v63 =	vshrl.u32 v3, $0x3  }
0x298: {  	v4 =	vmul.u32 $0x18, v63  }
0x299: {  	v3 =	vand.u32 $0x7, v3  }
0x29a: {  	v3 =	vor.u32 v3, v4  }
0x29b: {  	v4 =	vperm.xlane v3, v0;
	_ =	sdelay $0x1  }
0x29c: {  	v4 =	vadd.s32 v1, v4;
	_ =	sdelay $0x1  }
0x29d: {  	v3 =	vperm.xlane v3, v2;
	_ =	sdelay $0x1  }
0x29e: {  	s9 =	simm.s32 $0xDB80;
	v3 =	vadd.s32 v1, v3  }
0x29f: {  	[tilespmem:s9], [sflag:$0x1] =	stream.indirect_vreg.gather [hbm4b:s7+s4], $0x80, v4, vm0, $0xb8;
	[tilespmem:$0x1C380] =	vst v63  }
0x2a0: {  	s17 =	simm.s32 $0xE380  }
0x2a1: {  	[tilespmem:s17], [sflag:$0x1] =	stream.indirect_vreg.gather [hbm4b:s13+s4], $0x80, v4, vm1, $0xb8;
	[tilespmem:$0x1C380] =	vst v63  }
0x2a2: {  	s18 =	simm.s32 $0xE780  }
0x2a3: {  	[tilespmem:s18], [sflag:$0x1] =	stream.indirect_vreg.gather [hbm4b:s7+s4], $0x80, v3, vm0, $0xb8;
	[tilespmem:$0x1C380] =	vst v63  }
0x2a4: {  	s31 =	simm.s32 $0xEF80  }
0x2a5: {  	[tilespmem:s31], [sflag:$0x1] =	stream.indirect_vreg.gather [hbm4b:s13+s4], $0x80, v3, vm1, $0xb8;
	[tilespmem:$0x1C380] =	vst v63  }
.LBB2_6:
0x2a6: {  	_ =	swait.ge [sflag:s26], $0x3000  }
0x2a7: {  	[sflag:s26] =	ssyncset.done $0x0  }
0x2a8: {  	[sflag:s26] =	ssyncadd.s32 $0xFFFFD000  }
0x2a9: {  	_ =	swait.ge [sflag:s26], $0x3000  }
0x2aa: {  	[sflag:s26] =	ssyncset.done $0x0  }
0x2ab: {  	[sflag:s26] =	ssyncadd.s32 $0xFFFFD000  }
0x2ac: {  	_ =	swait.ge [sflag:s26], $0x3000  }
0x2ad: {  	[sflag:s26] =	ssyncset.done $0x0  }
0x2ae: {  	s0 =	simm.s32 @!p0 $0x4;
	[sflag:s26] =	ssyncadd.s32 $0xFFFFD000  }
0x2af: {  	_ =	swait.ge @!p0 [sflag:s0], $0x2000  }
0x2b0: {  	s31 =	simm.s32 $0x0;
	[sflag:s0] =	ssyncset.done @!p0 $0x0  }
0x2b1: {  	s1 =	simm.s32 $0x0;
	[sflag:s0] =	ssyncadd.s32 @!p0 $0xFFFFE000;
	s0 =	simm.s32 $0x0  }
.LBB2_7:
0x2b2: {  	s8 =	sshrl.u32 s1, $0x3  }
0x2b3: {  	s9 =	smul.u32 $0x3000, s8;
	s8 =	sand.u32 $0x10, s1  }
0x2b4: {  	v4 =	vld [tilespmem:s8+$0x6220]  }
0x2b5: {  	v13 =	vld [tilespmem:s8+$0x6240]  }
0x2b6: {  	v22 =	vld [tilespmem:s8+$0x6260]  }
0x2b7: {  	v31 =	vld [tilespmem:s8+$0x6280]  }
0x2b8: {  	s17 =	sand.u32 $0x380, s31;
	v39 =	vld [tilespmem:s8+$0x62A0];
	s9 =	sshra.s32 s9, $0x2  }
0x2b9: {  	v59 =	vld [tilespmem:s8+$0x62C0];
	s18 =	sor.u32 s17, s9  }
0x2ba: {  	v5 =	vld [tilespmem:s18+$0xF380]  }
0x2bb: {  	v6 =	vld [tilespmem:s18+$0xF390]  }
0x2bc: {  	v7 =	vld [tilespmem:s18+$0xF3A0]  }
0x2bd: {  	v8 =	vld [tilespmem:s18+$0xF3B0]  }
0x2be: {  	v9 =	vld [tilespmem:s18+$0xF3C0]  }
0x2bf: {  	v10 =	vld [tilespmem:s18+$0xF3D0]  }
0x2c0: {  	v11 =	vld [tilespmem:s18+$0xF3E0]  }
0x2c1: {  	v12 =	vld [tilespmem:s18+$0xF3F0]  }
0x2c2: {  	v14 =	vld [tilespmem:s18+$0xF780]  }
0x2c3: {  	v15 =	vld [tilespmem:s18+$0xF790]  }
0x2c4: {  	v16 =	vld [tilespmem:s18+$0xF7A0]  }
0x2c5: {  	v17 =	vld [tilespmem:s18+$0xF7B0]  }
0x2c6: {  	v18 =	vld [tilespmem:s18+$0xF7C0]  }
0x2c7: {  	v19 =	vld [tilespmem:s18+$0xF7D0]  }
0x2c8: {  	v20 =	vld [tilespmem:s18+$0xF7E0]  }
0x2c9: {  	v21 =	vld [tilespmem:s18+$0xF7F0]  }
0x2ca: {  	s9 =	sand.u32 $0xF, s1;
	v23 =	vld [tilespmem:s18+$0xFB80]  }
0x2cb: {  	v24 =	vld [tilespmem:s18+$0xFB90];
	v3 =	vmov s9  }
0x2cc: {  	v25 =	vld [tilespmem:s18+$0xFBA0];
	v4 =	vperm.xlane v4, v3  }
0x2cd: {  	v26 =	vld [tilespmem:s18+$0xFBB0]  }
0x2ce: {  	v27 =	vld [tilespmem:s18+$0xFBC0];
	v13 =	vperm.xlane v13, v3;
	v4 =	vadd.s32 $0x8000, v4  }
0x2cf: {  	v28 =	vld [tilespmem:s18+$0xFBD0];
	v22 =	vperm.xlane v22, v3;
	v29 =	vshra.s32 v4, $0x10;
	v4 =	vand.u32 $0xFFFF0000, v4  }
0x2d0: {  	v30 =	vld [tilespmem:s18+$0xFBE0];
	v51 =	vperm.xlane v31, v3;
	v62 =	vperm.xlane v39, v3;
	v4 =	vor.u32 v4, v29  }
0x2d1: {  	v63 =	vld [tilespmem:s18+$0xFBF0];
	s9 =	sadd.s32 $0x6380, s18;
	v13 =	vadd.s32 $0x8000, v13;
	v5 =	vmul.bf16 v4, v5;
	v6 =	vmul.bf16 v4, v6  }
0x2d2: {  	v32 =	vld [tilespmem:s9+$0xC000];
	v34 =	vshra.s32 v13, $0x10;
	v7 =	vmul.bf16 v4, v7;
	v8 =	vmul.bf16 v4, v8  }
0x2d3: {  	v33 =	vld [tilespmem:s9+$0xC010];
	v13 =	vand.u32 $0xFFFF0000, v13;
	v9 =	vmul.bf16 v4, v9;
	v10 =	vmul.bf16 v4, v10  }
0x2d4: {  	v35 =	vld [tilespmem:s9+$0xC020];
	v41 =	vor.u32 v13, v34;
	v11 =	vmul.bf16 v4, v11;
	v4 =	vmul.bf16 v4, v12  }
0x2d5: {  	v42 =	vld [tilespmem:s9+$0xC030];
	v22 =	vadd.s32 $0x8000, v22;
	v14 =	vmul.bf16 v41, v14;
	v15 =	vmul.bf16 v41, v15  }
0x2d6: {  	v43 =	vld [tilespmem:s9+$0xC040];
	v44 =	vshra.s32 v22, $0x10;
	v16 =	vmul.bf16 v41, v16;
	v17 =	vmul.bf16 v41, v17  }
0x2d7: {  	v36 =	vld [tilespmem:s9+$0xC050];
	v22 =	vand.u32 $0xFFFF0000, v22;
	v18 =	vmul.bf16 v41, v18;
	v19 =	vmul.bf16 v41, v19  }
0x2d8: {  	v37 =	vld [tilespmem:s9+$0xC060];
	v45 =	vor.u32 v22, v44;
	v20 =	vmul.bf16 v41, v20;
	v12 =	vmul.bf16 v41, v21  }
0x2d9: {  	v38 =	vld [tilespmem:s9+$0xC070];
	s9 =	sadd.s32 $0x12780, s18;
	v55 =	vadd.s32 $0x8000, v51;
	v46 =	vmul.bf16 v45, v23;
	v47 =	vmul.bf16 v45, v24  }
0x2da: {  	v52 =	vld [tilespmem:s9+$0x40];
	v57 =	vshra.s32 v55, $0x10;
	v21 =	vmul.bf16 v45, v25;
	v48 =	vmul.bf16 v45, v26  }
0x2db: {  	v54 =	vld [tilespmem:s9+$0x50];
	v49 =	vmul.bf16 v45, v27;
	v5 =	vadd.bf16 v14, v5;
	v6 =	vadd.bf16 v15, v6  }
0x2dc: {  	v56 =	vld [tilespmem:s9+$0x60];
	v50 =	vmul.bf16 v45, v28;
	v7 =	vadd.bf16 v16, v7;
	v8 =	vadd.bf16 v17, v8  }
0x2dd: {  	v58 =	vld [tilespmem:s9+$0x70];
	v53 =	vmul.bf16 v45, v30;
	v9 =	vadd.bf16 v18, v9;
	v10 =	vadd.bf16 v19, v10  }
0x2de: {  	v22 =	vld [tilespmem:s9+$0x20];
	v28 =	vadd.s32 $0x8000, v62;
	v11 =	vadd.bf16 v20, v11;
	v4 =	vadd.bf16 v12, v4  }
0x2df: {  	v24 =	vld [tilespmem:s9+$0x30];
	v14 =	vmul.bf16 v45, v63;
	v16 =	vand.u32 $0xFFFF0000, v55;
	v5 =	vadd.bf16 v46, v5  }
0x2e0: {  	v23 =	vld [tilespmem:s18+$0x12B80];
	v19 =	vperm.xlane v59, v3;
	v6 =	vadd.bf16 v47, v6;
	v7 =	vadd.bf16 v21, v7  }
0x2e1: {  	v15 =	vld [tilespmem:s18+$0x12780];
	v16 =	vor.u32 v16, v57;
	v8 =	vadd.bf16 v48, v8;
	v9 =	vadd.bf16 v49, v9  }
0x2e2: {  	v17 =	vld [tilespmem:s9+$0x10];
	s9 =	sadd.s32 $0x12B80, s18;
	v10 =	vadd.bf16 v50, v10;
	v60 =	vmul.bf16 v16, v32;
	v21 =	vmul.bf16 v16, v33  }
0x2e3: {  	v29 =	vld [tilespmem:s9+$0x10];
	v11 =	vadd.bf16 v53, v11;
	v61 =	vmul.bf16 v16, v35;
	v13 =	vmul.bf16 v16, v42  }
0x2e4: {  	v30 =	vld [tilespmem:s9+$0x20];
	v4 =	vadd.bf16 v14, v4;
	v63 =	vmul.bf16 v16, v43;
	v39 =	vmul.bf16 v16, v36  }
0x2e5: {  	v41 =	vld [tilespmem:s9+$0x30];
	v40 =	vmul.bf16 v16, v37;
	v16 =	vmul.bf16 v16, v38;
	v42 =	vshra.s32 v28, $0x10  }
0x2e6: {  	v45 =	vld [tilespmem:s9+$0x50];
	v28 =	vand.u32 $0xFFFF0000, v28;
	v5 =	vadd.bf16 v60, v5;
	v6 =	vadd.bf16 v21, v6  }
0x2e7: {  	v43 =	vld [tilespmem:s9+$0x40];
	v44 =	vor.u32 v28, v42;
	v7 =	vadd.bf16 v61, v7;
	v8 =	vadd.bf16 v13, v8  }
0x2e8: {  	v47 =	vld [tilespmem:s9+$0x60];
	v9 =	vadd.bf16 v63, v9;
	v49 =	vmul.bf16 v44, v22;
	v10 =	vadd.bf16 v39, v10  }
0x2e9: {  	v50 =	vld [tilespmem:s9+$0x70];
	v51 =	vmul.bf16 v44, v24;
	v52 =	vmul.bf16 v44, v52;
	v11 =	vadd.bf16 v40, v11  }
0x2ea: {  	v53 =	vld [tilespmem:s8+$0x62E0];
	s9 =	sadd.s32 $0x15380, s18;
	v27 =	vmul.bf16 v44, v54;
	v4 =	vadd.bf16 v16, v4;
	v55 =	vmul.bf16 v44, v56  }
0x2eb: {  	v57 =	vld [tilespmem:s9+$0x10];
	v56 =	vmul.bf16 v44, v58;
	v58 =	vadd.s32 $0x8000, v19;
	v46 =	vmul.bf16 v44, v15  }
0x2ec: {  	v59 =	vld [tilespmem:s9+$0x20];
	v48 =	vmul.bf16 v44, v17;
	v60 =	vshra.s32 v58, $0x10;
	v7 =	vadd.bf16 v49, v7  }
0x2ed: {  	v62 =	vld [tilespmem:s9+$0x40];
	v12 =	vand.u32 $0xFFFF0000, v58;
	v8 =	vadd.bf16 v51, v8;
	v9 =	vadd.bf16 v52, v9  }
0x2ee: {  	v36 =	vld [tilespmem:s9+$0x50];
	v12 =	vor.u32 v12, v60;
	v10 =	vadd.bf16 v27, v10;
	v11 =	vadd.bf16 v55, v11  }
0x2ef: {  	v42 =	vld [tilespmem:s9+$0x70];
	v4 =	vadd.bf16 v56, v4;
	v63 =	vmul.bf16 v12, v23;
	v34 =	vmul.bf16 v12, v29  }
0x2f0: {  	v54 =	vld [tilespmem:s18+$0x15380];
	v5 =	vadd.bf16 v46, v5;
	v37 =	vmul.bf16 v12, v30;
	v38 =	vperm.xlane v53, v3  }
0x2f1: {  	v61 =	vld [tilespmem:s9+$0x30];
	v6 =	vadd.bf16 v48, v6;
	v40 =	vmul.bf16 v12, v41;
	v41 =	vmul.bf16 v12, v43  }
0x2f2: {  	v39 =	vld [tilespmem:s9+$0x60];
	v21 =	vmul.bf16 v12, v45;
	v13 =	vmul.bf16 v12, v47;
	v25 =	vadd.s32 $0x8000, v38  }
0x2f3: {  	v43 =	vld [tilespmem:s8+$0x6300];
	v12 =	vmul.bf16 v12, v50;
	v44 =	vshra.s32 v25, $0x10;
	v25 =	vand.u32 $0xFFFF0000, v25  }
0x2f4: {  	s9 =	sadd.s32 $0x15780, s18;
	v48 =	vld [tilespmem:s8+$0x6320];
	v5 =	vadd.bf16 v63, v5;
	v6 =	vadd.bf16 v34, v6;
	v17 =	vor.u32 v25, v44  }
0x2f5: {  	v49 =	vld [tilespmem:s9+$0x20];
	v7 =	vadd.bf16 v37, v7;
	v8 =	vadd.bf16 v40, v8;
	v47 =	vmul.bf16 v17, v54  }
0x2f6: {  	v55 =	vld [tilespmem:s9+$0x50];
	v9 =	vadd.bf16 v41, v9;
	v20 =	vmul.bf16 v17, v57;
	v14 =	vmul.bf16 v17, v59  }
0x2f7: {  	v45 =	vld [tilespmem:s18+$0x15780];
	v10 =	vadd.bf16 v21, v10;
	v19 =	vmul.bf16 v17, v61;
	v15 =	vmul.bf16 v17, v62  }
0x2f8: {  	v46 =	vld [tilespmem:s9+$0x10];
	v11 =	vadd.bf16 v13, v11;
	v51 =	vmul.bf16 v17, v36;
	v52 =	vperm.xlane v43, v3  }
0x2f9: {  	v50 =	vld [tilespmem:s9+$0x30];
	v4 =	vadd.bf16 v12, v4;
	v54 =	vmul.bf16 v17, v39;
	v3 =	vperm.xlane v48, v3  }
0x2fa: {  	s8 =	sadd.s32 $0x15B80, s18;
	v17 =	vmul.bf16 v17, v42;
	v57 =	vld [tilespmem:s18+$0x15B80];
	v5 =	vadd.bf16 v47, v5;
	v56 =	vadd.s32 $0x8000, v52  }
0x2fb: {  	v61 =	vld [tilespmem:s8+$0x10];
	v6 =	vadd.bf16 v20, v6;
	v7 =	vadd.bf16 v14, v7;
	v3 =	vadd.s32 $0x8000, v3  }
0x2fc: {  	v32 =	vld [tilespmem:s8+$0x20];
	v8 =	vadd.bf16 v19, v8;
	v58 =	vshra.s32 v56, $0x10;
	v16 =	vand.u32 $0xFFFF0000, v56  }
0x2fd: {  	v53 =	vld [tilespmem:s9+$0x40];
	v63 =	vshra.s32 v3, $0x10;
	v3 =	vand.u32 $0xFFFF0000, v3;
	v60 =	vor.u32 v16, v58  }
0x2fe: {  	v34 =	vld [tilespmem:s8+$0x30];
	v9 =	vadd.bf16 v15, v9;
	v3 =	vor.u32 v3, v63;
	v20 =	vmul.bf16 v60, v45  }
0x2ff: {  	v59 =	vld [tilespmem:s9+$0x60];
	v10 =	vadd.bf16 v51, v10;
	v33 =	vmul.bf16 v60, v46;
	v18 =	vmul.bf16 v3, v57  }
0x300: {  	v36 =	vld [tilespmem:s8+$0x40];
	v35 =	vmul.bf16 v60, v49;
	v16 =	vmul.bf16 v3, v61;
	v5 =	vadd.bf16 v20, v5  }
0x301: {  	v62 =	vld [tilespmem:s9+$0x70];
	v11 =	vadd.bf16 v54, v11;
	v38 =	vmul.bf16 v60, v50;
	v15 =	vmul.bf16 v3, v32  }
0x302: {  	s18 =	sand.u32 $0x1800, s0;
	v39 =	vld [tilespmem:s8+$0x60];
	v42 =	vmul.bf16 v60, v53;
	v6 =	vadd.bf16 v33, v6;
	v5 =	vadd.bf16 v18, v5  }
0x303: {  	v37 =	vld [tilespmem:s8+$0x50];
	s9 =	sor.u32 s17, s18;
	v4 =	vadd.bf16 v17, v4;
	v43 =	vmul.bf16 v3, v34;
	v45 =	vmul.bf16 v60, v55  }
0x304: {  	v40 =	vld [tilespmem:s8+$0x70];
	s18 =	sadd.s32 $0x18380, s9;
	v7 =	vadd.bf16 v35, v7;
	v6 =	vadd.bf16 v16, v6;
	v41 =	vshll.u32 v5, $0x10  }
0x305: {  	v47 =	vmul.bf16 v3, v36;
	v49 =	vmul.bf16 v60, v59;
	v5 =	vand.u32 $0xFFFF0000, v5;
	[tilespmem:s18+$0x2000] =	vst v41  }
0x306: {  	v8 =	vadd.bf16 v38, v8;
	v7 =	vadd.bf16 v15, v7;
	v44 =	vshll.u32 v6, $0x10;
	[tilespmem:s18+$0x2010] =	vst v5  }
0x307: {  	v53 =	vmul.bf16 v60, v62;
	v55 =	vmul.bf16 v3, v39;
	v46 =	vand.u32 $0xFFFF0000, v6;
	[tilespmem:s18+$0x2020] =	vst v44  }
0x308: {  	v11 =	vadd.bf16 v49, v11;
	v8 =	vadd.bf16 v43, v8;
	v48 =	vshll.u32 v7, $0x10;
	[tilespmem:s18+$0x2030] =	vst v46  }
0x309: {  	v51 =	vmul.bf16 v3, v37;
	v3 =	vmul.bf16 v3, v40;
	v50 =	vand.u32 $0xFFFF0000, v7;
	[tilespmem:s18+$0x2040] =	vst v48  }
0x30a: {  	v4 =	vadd.bf16 v53, v4;
	v58 =	vadd.bf16 v55, v11;
	v52 =	vshll.u32 v8, $0x10;
	[tilespmem:s18+$0x2050] =	vst v50  }
0x30b: {  	v54 =	vand.u32 $0xFFFF0000, v8;
	[tilespmem:s18+$0x2060] =	vst v52  }
0x30c: {  	v9 =	vadd.bf16 v42, v9;
	v3 =	vadd.bf16 v3, v4;
	v61 =	vshll.u32 v58, $0x10;
	[tilespmem:s18+$0x2070] =	vst v54  }
0x30d: {  	v62 =	vand.u32 $0xFFFF0000, v58;
	[tilespmem:s18+$0x2440] =	vst v61  }
0x30e: {  	v10 =	vadd.bf16 v45, v10;
	v6 =	vadd.bf16 v47, v9;
	v63 =	vshll.u32 v3, $0x10;
	[tilespmem:s18+$0x2450] =	vst v62  }
0x30f: {  	p0 =	sne.s32 s1, $0x1F;
	v3 =	vand.u32 $0xFFFF0000, v3;
	[tilespmem:s18+$0x2460] =	vst v63  }
.Ltmp2:
0x310: {  	v7 =	vadd.bf16 v51, v10;
	[tilespmem:s18+$0x2470] =	vst v3;
	v56 =	vshll.u32 v6, $0x10;
	(pc) =	sbr.rel @p0 .LBB2_7-.Ltmp2, $4  }
0x311: {  	v57 =	vand.u32 $0xFFFF0000, v6;
	[tilespmem:s18+$0x2400] =	vst v56  }
0x312: {  	v59 =	vshll.u32 v7, $0x10;
	[tilespmem:s18+$0x2410] =	vst v57  }
0x313: {  	v60 =	vand.u32 $0xFFFF0000, v7;
	[tilespmem:s18+$0x2420] =	vst v59  }
0x314: {  	s31 =	sadd.s32 $0x80, s31;
	s1 =	sadd.s32 $0x1, s1;
	s0 =	sadd.s32 $0x100, s0;
	[tilespmem:s18+$0x2430] =	vst v60  }
0x315: {  	s29 =	sadd.s32 $0x1, s29  }
0x316: {  	p0 =	sne.s32 s29, $0x80  }
.Ltmp3:
0x317: {  	_ = 	snop;
	(pc) =	sbr.rel @p0 .LBB2_2-.Ltmp3, $4  }
0x318: {  	s0 =	sadd.s32 s5, s30  }
0x319: {  	s1 =	rddreg [dreg:$0x1];
	s0 =	sshll.u32 s0, $0x5  }
0x31a: {  	s0 =	sadd.s32 s1, s0  }
0x31b: {  	[hbm4b:s0+s4] =	stream.linear.scatter [tilespmem:s28], [sflag:$0x4], $0x2000, $0x38;
	[tilespmem:$0x1C380] =	vst v63  }
0x31c: {  	s0 =	simm.s32 $0x3  }
0x31d: {  	_ =	swait.ge [sflag:s0], $0x2000  }
0x31e: {  	[sflag:s0] =	ssyncset.done $0x0  }
0x31f: {  	s1 =	simm.s32 $0x4;
	[sflag:s0] =	ssyncadd.s32 $0xFFFFE000  }
0x320: {  	_ =	swait.ge [sflag:s1], $0x2000  }
0x321: {  	s8 =	rddreg [dreg:$0x7]  }
0x322: {  	s31 =	rddreg [dreg:$0x6];
	s8 =	sadd.s32 $0x1, s8  }
0x323: {  	p0 =	sne.s32 s8, s31  }
.Ltmp4:
0x324: {  	_ = 	snop;
	(pc) =	sbr.rel @p0 .LBB2_1-.Ltmp4, $3  }
0x325: {  	_ =	sdelay $0x1  }
0x326: {  	[sflag:s1] =	ssyncset.done $0x0  }
0x327: {  	[sflag:s1] =	ssyncadd.s32 $0xFFFFE000  }
0x328: {  	_ =	sfence.sel $0x180000  }
0x329: {  	[bflag:$0x0] =	sbarrier.arrive $0xFFFF  }
0x32a: {  	_ =	strace $0x90000047  }
0x32b: {  	s0 =	stileid.u32;
	[bflag:$0x2] =	sbarrier.arrive $0xFFFF  }
0x32c: {  	p0 =	sne.s32 s0, $0x0;
	s0 =	rddreg [dreg:$0x2]  }
0x32d: {  	s0 =	sadd.s32 @!p0 $0x100000, s0  }
0x32e: {  	[sflag:s0] =	ssyncadd.tile.s32 @!p0 $0x1;
	_ =	shalt  }
.Lfunc_end2:
_tile_overlayer_lowered:
.L_overlay_start_2:
0x32f: {  	(tag) =	ssettag $0x2  }
0x330: {  	s0 =	rddreg [dreg:$0x0];
	s2 =	stileid.u32  }
0x331: {  	s1 =	rddreg [dreg:$0x1];
	p0 =	sne.s32 s2, $0x0  }
0x332: {  	s3 =	rddreg [dreg:$0x2];
	[bflag:$0x3] =	sbarrier.arrive $0xFFFF;
	s2 =	simm.s32 @!p0 $0x1C05  }
0x333: {  	[timem:s3], [sflag:s2] =	dma.local @!p0 [hbm:s0], s1  }
0x334: {  	s0 =	simm.s32 @!p0 $0x5  }
0x335: {  	_ =	swait.ge @!p0 [sflag:s0], s1  }
0x336: {  	s1 =	ssub.s32 @!p0 $0x0, s1;
	[sflag:s0] =	ssyncset.done @!p0 $0x0  }
0x337: {  	[sflag:s0] =	ssyncadd.s32 @!p0 s1  }
0x338: {  	[bflag:$0x3] =	sbarrier.arrive $0xFFFF  }
0x339: {  	_ =	shalt  }

</sc_bundles>
